<compile_context>
chip_gen: v7x
topology: tpu7x:2x2x1
jax: 0.10.2.dev20260603
libtpu: 0.0.44.dev20260713+nightly
codegen_flags: <defaults>
</compile_context>

<pallas_src>
import functools

import jax
import jax.numpy as jnp
from jax import lax
from jax.experimental import pallas as pl
from jax.experimental.pallas import tpu as pltpu
from jax.experimental.pallas import tpu_sc as plsc

MAX_VAL = 100000
D_MODEL = 64
LANES = 16
K = 20
G = 40
CHUNK = K * G


def _make_sc_lookup(n_chunks_total: int):
    info = plsc.get_sparse_core_info()
    nc, ns = info.num_cores, info.num_subcores
    nw = nc * ns
    chunks_per_w = n_chunks_total // nw
    n_pairs = chunks_per_w // 2

    mesh = plsc.VectorSubcoreMesh(core_axis_name="c", subcore_axis_name="s")

    @functools.partial(
        pl.kernel,
        mesh=mesh,
        out_type=jax.ShapeDtypeStruct((n_chunks_total, K, G, D_MODEL),
                                      jnp.float32),
        scratch_types=[
            pltpu.VMEM((CHUNK,), jnp.int32),
            pltpu.VMEM((CHUNK,), jnp.int32),
            pltpu.VMEM((K, G, D_MODEL), jnp.float32),
            pltpu.VMEM((K, G, D_MODEL), jnp.float32),
            pltpu.SemaphoreType.DMA,
            pltpu.SemaphoreType.DMA,
            pltpu.SemaphoreType.DMA,
            pltpu.SemaphoreType.DMA,
        ],
        compiler_params=pltpu.CompilerParams(use_tc_tiling_on_sc=False),
    )
    def lookup(table_hbm, idx_hbm, out_hbm, idx0, idx1, rows0, rows1,
               gsem0, gsem1, osem0, osem1):
        wid = lax.axis_index("s") * nc + lax.axis_index("c")
        base = wid * chunks_per_w

        def stage_and_clamp(c, idx_v):
            pltpu.sync_copy(idx_hbm.at[c], idx_v)
            for l in range(CHUNK // LANES):
                v = idx_v[pl.ds(l * LANES, LANES)]
                idx_v[pl.ds(l * LANES, LANES)] = jnp.where(v > MAX_VAL, 0, v)

        def fire_gathers(idx_v, rows_v, gsem):
            return [
                pltpu.async_copy(table_hbm.at[idx_v.at[pl.ds(j * G, G)]],
                                 rows_v.at[j], gsem)
                for j in range(K)
            ]

        def pair_body(i, carry):
            c0 = base + 2 * i
            c1 = c0 + 1
            stage_and_clamp(c0, idx0)

            @pl.when(i > 0)
            def _():
                pltpu.make_async_copy(rows0, out_hbm.at[c0], osem0).wait()

            g0 = fire_gathers(idx0, rows0, gsem0)
            stage_and_clamp(c1, idx1)

            @pl.when(i > 0)
            def _():
                pltpu.make_async_copy(rows1, out_hbm.at[c1], osem1).wait()

            g1 = fire_gathers(idx1, rows1, gsem1)
            for cp in g0:
                cp.wait()
            pltpu.async_copy(rows0, out_hbm.at[c0], osem0)
            for cp in g1:
                cp.wait()
            pltpu.async_copy(rows1, out_hbm.at[c1], osem1)
            return carry

        lax.fori_loop(0, n_pairs, pair_body, 0)
        pltpu.make_async_copy(rows0, out_hbm.at[base], osem0).wait()
        pltpu.make_async_copy(rows1, out_hbm.at[base], osem1).wait()

    return lookup


def kernel(values, embed_weight):
    b, s = values.shape
    n_flat = b * s
    n_chunks_total = n_flat // CHUNK
    idx = values.reshape(n_chunks_total, CHUNK).astype(jnp.int32)
    out = _make_sc_lookup(n_chunks_total)(embed_weight, idx)
    return out.reshape(b, s, D_MODEL)

# --- scband reference (transcript-rebuilt; emitter-appended) ---
"""Pipeline reference for scband-learned-value-projection-29721173688603 (READ-ONLY COPY).

The authoritative reference and input builder live on the scoring server;
editing this copy changes nothing except your own understanding.
"""

import jax, jax.numpy as jnp
import numpy as np

MAX_VAL = 100000
D_MODEL = 64

def setup_inputs(seed: int = 0) -> dict:
    key = jax.random.key(seed)
    k1, k2 = jax.random.split(key)
    values = jax.random.randint(k1, (16384, 200), 0, 110000, dtype=jnp.int64)
    embed_weight = jax.random.normal(k2, (MAX_VAL + 1, D_MODEL), dtype=jnp.float32)
    # padding_idx=0: row 0 is the zero embedding
    embed_weight = embed_weight.at[0].set(0.0)
    return {"values": values, "embed_weight": embed_weight}

def reference(values, embed_weight):
    # OOD values > max_val -> index 0 (zero embedding)
    clamped = jnp.where(values > MAX_VAL, 0, values)
    out = jnp.take(embed_weight, clamped, axis=0)
    return out

if __name__ == "__main__":
    import jax
    _d = setup_inputs()
    print(jax.jit(kernel)(*tuple(_d.values())))

</pallas_src>

<mosaic_0001>
#map = affine_map<(d0, d1) -> (0, 0)>
#map1 = affine_map<(d0, d1) -> (0, 0, 0, 0)>
module attributes {stable_mosaic.version = 14 : i64} {
  func.func @lookup(%arg0: i32, %arg1: i32, %arg2: memref<100001x64xf32, #tpu.memory_space<hbm>>, %arg3: memref<4096x800xi32, #tpu.memory_space<hbm>>, %arg4: memref<4096x20x40x64xf32, #tpu.memory_space<hbm>>, %arg5: memref<800xi32, #tpu.memory_space<vmem>>, %arg6: memref<800xi32, #tpu.memory_space<vmem>>, %arg7: memref<20x40x64xf32, #tpu.memory_space<vmem>>, %arg8: memref<20x40x64xf32, #tpu.memory_space<vmem>>, %arg9: memref<!tpu.dma_semaphore, #tpu.memory_space<semaphore_mem>>, %arg10: memref<!tpu.dma_semaphore, #tpu.memory_space<semaphore_mem>>, %arg11: memref<!tpu.dma_semaphore, #tpu.memory_space<semaphore_mem>>, %arg12: memref<!tpu.dma_semaphore, #tpu.memory_space<semaphore_mem>>) attributes {dimension_semantics = [#tpu.dimension_semantics<core_parallel>, #tpu.dimension_semantics<subcore_parallel>], iteration_bounds = array<i64: 2, 16>, scalar_prefetch = 0 : i64, scratch_operands = 8 : i64, tpu.core_type = #tpu.core_type<sc_vector_subcore>, window_params = [{transform_indices = #map}, {transform_indices = #map}, {transform_indices = #map1}]} {
    %mul3A = arith.constant 2 : i32
    %mul3A_0 = arith.muli %arg1, %mul3A : i32
    %add3A = arith.addi %mul3A_0, %arg0 : i32
    %mul3A_1 = arith.constant 128 : i32
    %mul3A_2 = arith.muli %add3A, %mul3A_1 : i32
    %scan3A = arith.constant 0 : i32
    %scan3A_3 = arith.constant 0 : i32
    %scan3A_4 = arith.constant 64 : i32
    %scan3A_5 = arith.addi %scan3A_3, %scan3A_4 : i32
    %scan3A_6 = arith.constant 1 : i32
    scf.for %scan3A_27 = %scan3A_3 to %scan3A_5 step %scan3A_6  : i32 {
      %mul3A_28 = arith.constant 2 : i32
      %mul3A_29 = arith.muli %mul3A_28, %scan3A_27 : i32
      %add3A_30 = arith.addi %mul3A_2, %mul3A_29 : i32
      %add3A_31 = arith.constant 1 : i32
      %add3A_32 = arith.addi %add3A_30, %add3A_31 : i32
      "tpu.region"() ({
        %run_scoped3A = tpu.sem_alloc : memref<!tpu.dma_semaphore, #tpu.memory_space<semaphore_mem>>
        %dma_start3A_2154 = arith.constant 0 : i32
        %dma_start3A_2155 = tpu.memref_slice %arg3[%add3A_30, %dma_start3A_2154] : memref<4096x800xi32, #tpu.memory_space<hbm>> -> memref<1x800xi32, #tpu.memory_space<hbm>>
        %dma_start3A_2156 = tpu.memref_squeeze %dma_start3A_2155 : memref<1x800xi32, #tpu.memory_space<hbm>> -> memref<800xi32, #tpu.memory_space<hbm>>
        %dma_start3A_2157 = arith.constant 0 : i32
        %dma_start3A_2158 = tpu.memref_slice %arg3[%add3A_30, %dma_start3A_2157] : memref<4096x800xi32, #tpu.memory_space<hbm>> -> memref<1x800xi32, #tpu.memory_space<hbm>>
        %dma_start3A_2159 = tpu.memref_squeeze %dma_start3A_2158 : memref<1x800xi32, #tpu.memory_space<hbm>> -> memref<800xi32, #tpu.memory_space<hbm>>
        tpu.enqueue_dma source(%dma_start3A_2159 : memref<800xi32, #tpu.memory_space<hbm>>) target(%arg5 : memref<800xi32, #tpu.memory_space<vmem>>) target_semaphore(%run_scoped3A : memref<!tpu.dma_semaphore, #tpu.memory_space<semaphore_mem>>)
        %dma_wait3A_2160 = arith.constant 0 : i32
        %dma_wait3A_2161 = tpu.memref_slice %arg3[%add3A_30, %dma_wait3A_2160] : memref<4096x800xi32, #tpu.memory_space<hbm>> -> memref<1x800xi32, #tpu.memory_space<hbm>>
        %dma_wait3A_2162 = tpu.memref_squeeze %dma_wait3A_2161 : memref<1x800xi32, #tpu.memory_space<hbm>> -> memref<800xi32, #tpu.memory_space<hbm>>
        %dma_wait3A_2163 = arith.constant 0 : i32
        %dma_wait3A_2164 = tpu.memref_slice %arg3[%add3A_30, %dma_wait3A_2163] : memref<4096x800xi32, #tpu.memory_space<hbm>> -> memref<1x800xi32, #tpu.memory_space<hbm>>
        %dma_wait3A_2165 = tpu.memref_squeeze %dma_wait3A_2164 : memref<1x800xi32, #tpu.memory_space<hbm>> -> memref<800xi32, #tpu.memory_space<hbm>>
        tpu.wait_dma2 semaphore(%run_scoped3A : memref<!tpu.dma_semaphore, #tpu.memory_space<semaphore_mem>>) src(%dma_wait3A_2165 : memref<800xi32, #tpu.memory_space<hbm>>) dst(%arg5 : memref<800xi32, #tpu.memory_space<vmem>>)
        tpu.yield
      }) : () -> ()
      %get3A = arith.constant 0 : index
      %get3A_33 = tpu.vector_load %arg5[%get3A] {strides = array<i32>} : memref<800xi32, #tpu.memory_space<vmem>>, vector<16xi32>,
      %get3A_34 = vector.shape_cast %get3A_33 : vector<16xi32> to vector<16xi32>
      %gt3A = arith.constant 100000 : i32
      %gt3A_35 = vector.broadcast %gt3A : i32 to vector<16xi32>
      %gt3A_36 = arith.cmpi sgt, %get3A_34, %gt3A_35 : vector<16xi32>
      %jit3A = arith.constant 0 : i32
      %broadcast_in_dim3A = vector.broadcast %jit3A : i32 to vector<16xi32>
      %select_n3A = arith.select %gt3A_36, %broadcast_in_dim3A, %get3A_34 : vector<16xi1>, vector<16xi32>
      %swap3A = arith.constant 0 : index
      %swap3A_37 = tpu.vector_load %arg5[%swap3A] {strides = array<i32>} : memref<800xi32, #tpu.memory_space<vmem>>, vector<16xi32>,
      %swap3A_38 = vector.shape_cast %swap3A_37 : vector<16xi32> to vector<16xi32>
      %swap3A_39 = vector.shape_cast %select_n3A : vector<16xi32> to vector<16xi32>
      tpu.vector_store %arg5[%swap3A], %swap3A_39 {strides = array<i32>} : memref<800xi32, #tpu.memory_space<vmem>>, vector<16xi32>,
      %get3A_40 = arith.constant 16 : index
      %get3A_41 = tpu.vector_load %arg5[%get3A_40] {strides = array<i32>} : memref<800xi32, #tpu.memory_space<vmem>>, vector<16xi32>,
      %get3A_42 = vector.shape_cast %get3A_41 : vector<16xi32> to vector<16xi32>
      %gt3A_43 = arith.constant 100000 : i32
      %gt3A_44 = vector.broadcast %gt3A_43 : i32 to vector<16xi32>
      %gt3A_45 = arith.cmpi sgt, %get3A_42, %gt3A_44 : vector<16xi32>
      %jit3A_46 = arith.constant 0 : i32
      %broadcast_in_dim3A_47 = vector.broadcast %jit3A_46 : i32 to vector<16xi32>
      %select_n3A_48 = arith.select %gt3A_45, %broadcast_in_dim3A_47, %get3A_42 : vector<16xi1>, vector<16xi32>
      %swap3A_49 = arith.constant 16 : index
      %swap3A_50 = tpu.vector_load %arg5[%swap3A_49] {strides = array<i32>} : memref<800xi32, #tpu.memory_space<vmem>>, vector<16xi32>,
      %swap3A_51 = vector.shape_cast %swap3A_50 : vector<16xi32> to vector<16xi32>
      %swap3A_52 = vector.shape_cast %select_n3A_48 : vector<16xi32> to vector<16xi32>
      tpu.vector_store %arg5[%swap3A_49], %swap3A_52 {strides = array<i32>} : memref<800xi32, #tpu.memory_space<vmem>>, vector<16xi32>,
      %get3A_53 = arith.constant 32 : index
      %get3A_54 = tpu.vector_load %arg5[%get3A_53] {strides = array<i32>} : memref<800xi32, #tpu.memory_space<vmem>>, vector<16xi32>,
      %get3A_55 = vector.shape_cast %get3A_54 : vector<16xi32> to vector<16xi32>
      %gt3A_56 = arith.constant 100000 : i32
      %gt3A_57 = vector.broadcast %gt3A_56 : i32 to vector<16xi32>
      %gt3A_58 = arith.cmpi sgt, %get3A_55, %gt3A_57 : vector<16xi32>
      %jit3A_59 = arith.constant 0 : i32
      %broadcast_in_dim3A_60 = vector.broadcast %jit3A_59 : i32 to vector<16xi32>
      %select_n3A_61 = arith.select %gt3A_58, %broadcast_in_dim3A_60, %get3A_55 : vector<16xi1>, vector<16xi32>
      %swap3A_62 = arith.constant 32 : index
      %swap3A_63 = tpu.vector_load %arg5[%swap3A_62] {strides = array<i32>} : memref<800xi32, #tpu.memory_space<vmem>>, vector<16xi32>,
      %swap3A_64 = vector.shape_cast %swap3A_63 : vector<16xi32> to vector<16xi32>
      %swap3A_65 = vector.shape_cast %select_n3A_61 : vector<16xi32> to vector<16xi32>
      tpu.vector_store %arg5[%swap3A_62], %swap3A_65 {strides = array<i32>} : memref<800xi32, #tpu.memory_space<vmem>>, vector<16xi32>,
      %get3A_66 = arith.constant 48 : index
      %get3A_67 = tpu.vector_load %arg5[%get3A_66] {strides = array<i32>} : memref<800xi32, #tpu.memory_space<vmem>>, vector<16xi32>,
      %get3A_68 = vector.shape_cast %get3A_67 : vector<16xi32> to vector<16xi32>
      %gt3A_69 = arith.constant 100000 : i32
      %gt3A_70 = vector.broadcast %gt3A_69 : i32 to vector<16xi32>
      %gt3A_71 = arith.cmpi sgt, %get3A_68, %gt3A_70 : vector<16xi32>
      %jit3A_72 = arith.constant 0 : i32
      %broadcast_in_dim3A_73 = vector.broadcast %jit3A_72 : i32 to vector<16xi32>
      %select_n3A_74 = arith.select %gt3A_71, %broadcast_in_dim3A_73, %get3A_68 : vector<16xi1>, vector<16xi32>
      %swap3A_75 = arith.constant 48 : index
      %swap3A_76 = tpu.vector_load %arg5[%swap3A_75] {strides = array<i32>} : memref<800xi32, #tpu.memory_space<vmem>>, vector<16xi32>,
      %swap3A_77 = vector.shape_cast %swap3A_76 : vector<16xi32> to vector<16xi32>
      %swap3A_78 = vector.shape_cast %select_n3A_74 : vector<16xi32> to vector<16xi32>
      tpu.vector_store %arg5[%swap3A_75], %swap3A_78 {strides = array<i32>} : memref<800xi32, #tpu.memory_space<vmem>>, vector<16xi32>,
      %get3A_79 = arith.constant 64 : index
      %get3A_80 = tpu.vector_load %arg5[%get3A_79] {strides = array<i32>} : memref<800xi32, #tpu.memory_space<vmem>>, vector<16xi32>,
      %get3A_81 = vector.shape_cast %get3A_80 : vector<16xi32> to vector<16xi32>
      %gt3A_82 = arith.constant 100000 : i32
      %gt3A_83 = vector.broadcast %gt3A_82 : i32 to vector<16xi32>
      %gt3A_84 = arith.cmpi sgt, %get3A_81, %gt3A_83 : vector<16xi32>
      %jit3A_85 = arith.constant 0 : i32
      %broadcast_in_dim3A_86 = vector.broadcast %jit3A_85 : i32 to vector<16xi32>
      %select_n3A_87 = arith.select %gt3A_84, %broadcast_in_dim3A_86, %get3A_81 : vector<16xi1>, vector<16xi32>
      %swap3A_88 = arith.constant 64 : index
      %swap3A_89 = tpu.vector_load %arg5[%swap3A_88] {strides = array<i32>} : memref<800xi32, #tpu.memory_space<vmem>>, vector<16xi32>,
      %swap3A_90 = vector.shape_cast %swap3A_89 : vector<16xi32> to vector<16xi32>
      %swap3A_91 = vector.shape_cast %select_n3A_87 : vector<16xi32> to vector<16xi32>
      tpu.vector_store %arg5[%swap3A_88], %swap3A_91 {strides = array<i32>} : memref<800xi32, #tpu.memory_space<vmem>>, vector<16xi32>,
      %get3A_92 = arith.constant 80 : index
      %get3A_93 = tpu.vector_load %arg5[%get3A_92] {strides = array<i32>} : memref<800xi32, #tpu.memory_space<vmem>>, vector<16xi32>,
      %get3A_94 = vector.shape_cast %get3A_93 : vector<16xi32> to vector<16xi32>
      %gt3A_95 = arith.constant 100000 : i32
      %gt3A_96 = vector.broadcast %gt3A_95 : i32 to vector<16xi32>
      %gt3A_97 = arith.cmpi sgt, %get3A_94, %gt3A_96 : vector<16xi32>
      %jit3A_98 = arith.constant 0 : i32
      %broadcast_in_dim3A_99 = vector.broadcast %jit3A_98 : i32 to vector<16xi32>
      %select_n3A_100 = arith.select %gt3A_97, %broadcast_in_dim3A_99, %get3A_94 : vector<16xi1>, vector<16xi32>
      %swap3A_101 = arith.constant 80 : index
      %swap3A_102 = tpu.vector_load %arg5[%swap3A_101] {strides = array<i32>} : memref<800xi32, #tpu.memory_space<vmem>>, vector<16xi32>,
      %swap3A_103 = vector.shape_cast %swap3A_102 : vector<16xi32> to vector<16xi32>
      %swap3A_104 = vector.shape_cast %select_n3A_100 : vector<16xi32> to vector<16xi32>
      tpu.vector_store %arg5[%swap3A_101], %swap3A_104 {strides = array<i32>} : memref<800xi32, #tpu.memory_space<vmem>>, vector<16xi32>,
      %get3A_105 = arith.constant 96 : index
      %get3A_106 = tpu.vector_load %arg5[%get3A_105] {strides = array<i32>} : memref<800xi32, #tpu.memory_space<vmem>>, vector<16xi32>,
      %get3A_107 = vector.shape_cast %get3A_106 : vector<16xi32> to vector<16xi32>
      %gt3A_108 = arith.constant 100000 : i32
      %gt3A_109 = vector.broadcast %gt3A_108 : i32 to vector<16xi32>
      %gt3A_110 = arith.cmpi sgt, %get3A_107, %gt3A_109 : vector<16xi32>
      %jit3A_111 = arith.constant 0 : i32
      %broadcast_in_dim3A_112 = vector.broadcast %jit3A_111 : i32 to vector<16xi32>
      %select_n3A_113 = arith.select %gt3A_110, %broadcast_in_dim3A_112, %get3A_107 : vector<16xi1>, vector<16xi32>
      %swap3A_114 = arith.constant 96 : index
      %swap3A_115 = tpu.vector_load %arg5[%swap3A_114] {strides = array<i32>} : memref<800xi32, #tpu.memory_space<vmem>>, vector<16xi32>,
      %swap3A_116 = vector.shape_cast %swap3A_115 : vector<16xi32> to vector<16xi32>
      %swap3A_117 = vector.shape_cast %select_n3A_113 : vector<16xi32> to vector<16xi32>
      tpu.vector_store %arg5[%swap3A_114], %swap3A_117 {strides = array<i32>} : memref<800xi32, #tpu.memory_space<vmem>>, vector<16xi32>,
      %get3A_118 = arith.constant 112 : index
      %get3A_119 = tpu.vector_load %arg5[%get3A_118] {strides = array<i32>} : memref<800xi32, #tpu.memory_space<vmem>>, vector<16xi32>,
      %get3A_120 = vector.shape_cast %get3A_119 : vector<16xi32> to vector<16xi32>
      %gt3A_121 = arith.constant 100000 : i32
      %gt3A_122 = vector.broadcast %gt3A_121 : i32 to vector<16xi32>
      %gt3A_123 = arith.cmpi sgt, %get3A_120, %gt3A_122 : vector<16xi32>
      %jit3A_124 = arith.constant 0 : i32
      %broadcast_in_dim3A_125 = vector.broadcast %jit3A_124 : i32 to vector<16xi32>
      %select_n3A_126 = arith.select %gt3A_123, %broadcast_in_dim3A_125, %get3A_120 : vector<16xi1>, vector<16xi32>
      %swap3A_127 = arith.constant 112 : index
      %swap3A_128 = tpu.vector_load %arg5[%swap3A_127] {strides = array<i32>} : memref<800xi32, #tpu.memory_space<vmem>>, vector<16xi32>,
      %swap3A_129 = vector.shape_cast %swap3A_128 : vector<16xi32> to vector<16xi32>
      %swap3A_130 = vector.shape_cast %select_n3A_126 : vector<16xi32> to vector<16xi32>
      tpu.vector_store %arg5[%swap3A_127], %swap3A_130 {strides = array<i32>} : memref<800xi32, #tpu.memory_space<vmem>>, vector<16xi32>,
      %get3A_131 = arith.constant 128 : index
      %get3A_132 = tpu.vector_load %arg5[%get3A_131] {strides = array<i32>} : memref<800xi32, #tpu.memory_space<vmem>>, vector<16xi32>,
      %get3A_133 = vector.shape_cast %get3A_132 : vector<16xi32> to vector<16xi32>
      %gt3A_134 = arith.constant 100000 : i32
      %gt3A_135 = vector.broadcast %gt3A_134 : i32 to vector<16xi32>
      %gt3A_136 = arith.cmpi sgt, %get3A_133, %gt3A_135 : vector<16xi32>
      %jit3A_137 = arith.constant 0 : i32
      %broadcast_in_dim3A_138 = vector.broadcast %jit3A_137 : i32 to vector<16xi32>
      %select_n3A_139 = arith.select %gt3A_136, %broadcast_in_dim3A_138, %get3A_133 : vector<16xi1>, vector<16xi32>
      %swap3A_140 = arith.constant 128 : index
      %swap3A_141 = tpu.vector_load %arg5[%swap3A_140] {strides = array<i32>} : memref<800xi32, #tpu.memory_space<vmem>>, vector<16xi32>,
      %swap3A_142 = vector.shape_cast %swap3A_141 : vector<16xi32> to vector<16xi32>
      %swap3A_143 = vector.shape_cast %select_n3A_139 : vector<16xi32> to vector<16xi32>
      tpu.vector_store %arg5[%swap3A_140], %swap3A_143 {strides = array<i32>} : memref<800xi32, #tpu.memory_space<vmem>>, vector<16xi32>,
      %get3A_144 = arith.constant 144 : index
      %get3A_145 = tpu.vector_load %arg5[%get3A_144] {strides = array<i32>} : memref<800xi32, #tpu.memory_space<vmem>>, vector<16xi32>,
      %get3A_146 = vector.shape_cast %get3A_145 : vector<16xi32> to vector<16xi32>
      %gt3A_147 = arith.constant 100000 : i32
      %gt3A_148 = vector.broadcast %gt3A_147 : i32 to vector<16xi32>
      %gt3A_149 = arith.cmpi sgt, %get3A_146, %gt3A_148 : vector<16xi32>
      %jit3A_150 = arith.constant 0 : i32
      %broadcast_in_dim3A_151 = vector.broadcast %jit3A_150 : i32 to vector<16xi32>
      %select_n3A_152 = arith.select %gt3A_149, %broadcast_in_dim3A_151, %get3A_146 : vector<16xi1>, vector<16xi32>
      %swap3A_153 = arith.constant 144 : index
      %swap3A_154 = tpu.vector_load %arg5[%swap3A_153] {strides = array<i32>} : memref<800xi32, #tpu.memory_space<vmem>>, vector<16xi32>,
      %swap3A_155 = vector.shape_cast %swap3A_154 : vector<16xi32> to vector<16xi32>
      %swap3A_156 = vector.shape_cast %select_n3A_152 : vector<16xi32> to vector<16xi32>
      tpu.vector_store %arg5[%swap3A_153], %swap3A_156 {strides = array<i32>} : memref<800xi32, #tpu.memory_space<vmem>>, vector<16xi32>,
      %get3A_157 = arith.constant 160 : index
      %get3A_158 = tpu.vector_load %arg5[%get3A_157] {strides = array<i32>} : memref<800xi32, #tpu.memory_space<vmem>>, vector<16xi32>,
      %get3A_159 = vector.shape_cast %get3A_158 : vector<16xi32> to vector<16xi32>
      %gt3A_160 = arith.constant 100000 : i32
      %gt3A_161 = vector.broadcast %gt3A_160 : i32 to vector<16xi32>
      %gt3A_162 = arith.cmpi sgt, %get3A_159, %gt3A_161 : vector<16xi32>
      %jit3A_163 = arith.constant 0 : i32
      %broadcast_in_dim3A_164 = vector.broadcast %jit3A_163 : i32 to vector<16xi32>
      %select_n3A_165 = arith.select %gt3A_162, %broadcast_in_dim3A_164, %get3A_159 : vector<16xi1>, vector<16xi32>
      %swap3A_166 = arith.constant 160 : index
      %swap3A_167 = tpu.vector_load %arg5[%swap3A_166] {strides = array<i32>} : memref<800xi32, #tpu.memory_space<vmem>>, vector<16xi32>,
      %swap3A_168 = vector.shape_cast %swap3A_167 : vector<16xi32> to vector<16xi32>
      %swap3A_169 = vector.shape_cast %select_n3A_165 : vector<16xi32> to vector<16xi32>
      tpu.vector_store %arg5[%swap3A_166], %swap3A_169 {strides = array<i32>} : memref<800xi32, #tpu.memory_space<vmem>>, vector<16xi32>,
      %get3A_170 = arith.constant 176 : index
      %get3A_171 = tpu.vector_load %arg5[%get3A_170] {strides = array<i32>} : memref<800xi32, #tpu.memory_space<vmem>>, vector<16xi32>,
      %get3A_172 = vector.shape_cast %get3A_171 : vector<16xi32> to vector<16xi32>
      %gt3A_173 = arith.constant 100000 : i32
      %gt3A_174 = vector.broadcast %gt3A_173 : i32 to vector<16xi32>
      %gt3A_175 = arith.cmpi sgt, %get3A_172, %gt3A_174 : vector<16xi32>
      %jit3A_176 = arith.constant 0 : i32
      %broadcast_in_dim3A_177 = vector.broadcast %jit3A_176 : i32 to vector<16xi32>
      %select_n3A_178 = arith.select %gt3A_175, %broadcast_in_dim3A_177, %get3A_172 : vector<16xi1>, vector<16xi32>
      %swap3A_179 = arith.constant 176 : index
      %swap3A_180 = tpu.vector_load %arg5[%swap3A_179] {strides = array<i32>} : memref<800xi32, #tpu.memory_space<vmem>>, vector<16xi32>,
      %swap3A_181 = vector.shape_cast %swap3A_180 : vector<16xi32> to vector<16xi32>
      %swap3A_182 = vector.shape_cast %select_n3A_178 : vector<16xi32> to vector<16xi32>
      tpu.vector_store %arg5[%swap3A_179], %swap3A_182 {strides = array<i32>} : memref<800xi32, #tpu.memory_space<vmem>>, vector<16xi32>,
      %get3A_183 = arith.constant 192 : index
      %get3A_184 = tpu.vector_load %arg5[%get3A_183] {strides = array<i32>} : memref<800xi32, #tpu.memory_space<vmem>>, vector<16xi32>,
      %get3A_185 = vector.shape_cast %get3A_184 : vector<16xi32> to vector<16xi32>
      %gt3A_186 = arith.constant 100000 : i32
      %gt3A_187 = vector.broadcast %gt3A_186 : i32 to vector<16xi32>
      %gt3A_188 = arith.cmpi sgt, %get3A_185, %gt3A_187 : vector<16xi32>
      %jit3A_189 = arith.constant 0 : i32
      %broadcast_in_dim3A_190 = vector.broadcast %jit3A_189 : i32 to vector<16xi32>
      %select_n3A_191 = arith.select %gt3A_188, %broadcast_in_dim3A_190, %get3A_185 : vector<16xi1>, vector<16xi32>
      %swap3A_192 = arith.constant 192 : index
      %swap3A_193 = tpu.vector_load %arg5[%swap3A_192] {strides = array<i32>} : memref<800xi32, #tpu.memory_space<vmem>>, vector<16xi32>,
      %swap3A_194 = vector.shape_cast %swap3A_193 : vector<16xi32> to vector<16xi32>
      %swap3A_195 = vector.shape_cast %select_n3A_191 : vector<16xi32> to vector<16xi32>
      tpu.vector_store %arg5[%swap3A_192], %swap3A_195 {strides = array<i32>} : memref<800xi32, #tpu.memory_space<vmem>>, vector<16xi32>,
      %get3A_196 = arith.constant 208 : index
      %get3A_197 = tpu.vector_load %arg5[%get3A_196] {strides = array<i32>} : memref<800xi32, #tpu.memory_space<vmem>>, vector<16xi32>,
      %get3A_198 = vector.shape_cast %get3A_197 : vector<16xi32> to vector<16xi32>
      %gt3A_199 = arith.constant 100000 : i32
      %gt3A_200 = vector.broadcast %gt3A_199 : i32 to vector<16xi32>
      %gt3A_201 = arith.cmpi sgt, %get3A_198, %gt3A_200 : vector<16xi32>
      %jit3A_202 = arith.constant 0 : i32
      %broadcast_in_dim3A_203 = vector.broadcast %jit3A_202 : i32 to vector<16xi32>
      %select_n3A_204 = arith.select %gt3A_201, %broadcast_in_dim3A_203, %get3A_198 : vector<16xi1>, vector<16xi32>
      %swap3A_205 = arith.constant 208 : index
      %swap3A_206 = tpu.vector_load %arg5[%swap3A_205] {strides = array<i32>} : memref<800xi32, #tpu.memory_space<vmem>>, vector<16xi32>,
      %swap3A_207 = vector.shape_cast %swap3A_206 : vector<16xi32> to vector<16xi32>
      %swap3A_208 = vector.shape_cast %select_n3A_204 : vector<16xi32> to vector<16xi32>
      tpu.vector_store %arg5[%swap3A_205], %swap3A_208 {strides = array<i32>} : memref<800xi32, #tpu.memory_space<vmem>>, vector<16xi32>,
      %get3A_209 = arith.constant 224 : index
      %get3A_210 = tpu.vector_load %arg5[%get3A_209] {strides = array<i32>} : memref<800xi32, #tpu.memory_space<vmem>>, vector<16xi32>,
      %get3A_211 = vector.shape_cast %get3A_210 : vector<16xi32> to vector<16xi32>
      %gt3A_212 = arith.constant 100000 : i32
      %gt3A_213 = vector.broadcast %gt3A_212 : i32 to vector<16xi32>
      %gt3A_214 = arith.cmpi sgt, %get3A_211, %gt3A_213 : vector<16xi32>
      %jit3A_215 = arith.constant 0 : i32
      %broadcast_in_dim3A_216 = vector.broadcast %jit3A_215 : i32 to vector<16xi32>
      %select_n3A_217 = arith.select %gt3A_214, %broadcast_in_dim3A_216, %get3A_211 : vector<16xi1>, vector<16xi32>
      %swap3A_218 = arith.constant 224 : index
      %swap3A_219 = tpu.vector_load %arg5[%swap3A_218] {strides = array<i32>} : memref<800xi32, #tpu.memory_space<vmem>>, vector<16xi32>,
      %swap3A_220 = vector.shape_cast %swap3A_219 : vector<16xi32> to vector<16xi32>
      %swap3A_221 = vector.shape_cast %select_n3A_217 : vector<16xi32> to vector<16xi32>
      tpu.vector_store %arg5[%swap3A_218], %swap3A_221 {strides = array<i32>} : memref<800xi32, #tpu.memory_space<vmem>>, vector<16xi32>,
      %get3A_222 = arith.constant 240 : index
      %get3A_223 = tpu.vector_load %arg5[%get3A_222] {strides = array<i32>} : memref<800xi32, #tpu.memory_space<vmem>>, vector<16xi32>,
      %get3A_224 = vector.shape_cast %get3A_223 : vector<16xi32> to vector<16xi32>
      %gt3A_225 = arith.constant 100000 : i32
      %gt3A_226 = vector.broadcast %gt3A_225 : i32 to vector<16xi32>
      %gt3A_227 = arith.cmpi sgt, %get3A_224, %gt3A_226 : vector<16xi32>
      %jit3A_228 = arith.constant 0 : i32
      %broadcast_in_dim3A_229 = vector.broadcast %jit3A_228 : i32 to vector<16xi32>
      %select_n3A_230 = arith.select %gt3A_227, %broadcast_in_dim3A_229, %get3A_224 : vector<16xi1>, vector<16xi32>
      %swap3A_231 = arith.constant 240 : index
      %swap3A_232 = tpu.vector_load %arg5[%swap3A_231] {strides = array<i32>} : memref<800xi32, #tpu.memory_space<vmem>>, vector<16xi32>,
      %swap3A_233 = vector.shape_cast %swap3A_232 : vector<16xi32> to vector<16xi32>
      %swap3A_234 = vector.shape_cast %select_n3A_230 : vector<16xi32> to vector<16xi32>
      tpu.vector_store %arg5[%swap3A_231], %swap3A_234 {strides = array<i32>} : memref<800xi32, #tpu.memory_space<vmem>>, vector<16xi32>,
      %get3A_235 = arith.constant 256 : index
      %get3A_236 = tpu.vector_load %arg5[%get3A_235] {strides = array<i32>} : memref<800xi32, #tpu.memory_space<vmem>>, vector<16xi32>,
      %get3A_237 = vector.shape_cast %get3A_236 : vector<16xi32> to vector<16xi32>
      %gt3A_238 = arith.constant 100000 : i32
      %gt3A_239 = vector.broadcast %gt3A_238 : i32 to vector<16xi32>
      %gt3A_240 = arith.cmpi sgt, %get3A_237, %gt3A_239 : vector<16xi32>
      %jit3A_241 = arith.constant 0 : i32
      %broadcast_in_dim3A_242 = vector.broadcast %jit3A_241 : i32 to vector<16xi32>
      %select_n3A_243 = arith.select %gt3A_240, %broadcast_in_dim3A_242, %get3A_237 : vector<16xi1>, vector<16xi32>
      %swap3A_244 = arith.constant 256 : index
      %swap3A_245 = tpu.vector_load %arg5[%swap3A_244] {strides = array<i32>} : memref<800xi32, #tpu.memory_space<vmem>>, vector<16xi32>,
      %swap3A_246 = vector.shape_cast %swap3A_245 : vector<16xi32> to vector<16xi32>
      %swap3A_247 = vector.shape_cast %select_n3A_243 : vector<16xi32> to vector<16xi32>
      tpu.vector_store %arg5[%swap3A_244], %swap3A_247 {strides = array<i32>} : memref<800xi32, #tpu.memory_space<vmem>>, vector<16xi32>,
      %get3A_248 = arith.constant 272 : index
      %get3A_249 = tpu.vector_load %arg5[%get3A_248] {strides = array<i32>} : memref<800xi32, #tpu.memory_space<vmem>>, vector<16xi32>,
      %get3A_250 = vector.shape_cast %get3A_249 : vector<16xi32> to vector<16xi32>
      %gt3A_251 = arith.constant 100000 : i32
      %gt3A_252 = vector.broadcast %gt3A_251 : i32 to vector<16xi32>
      %gt3A_253 = arith.cmpi sgt, %get3A_250, %gt3A_252 : vector<16xi32>
      %jit3A_254 = arith.constant 0 : i32
      %broadcast_in_dim3A_255 = vector.broadcast %jit3A_254 : i32 to vector<16xi32>
      %select_n3A_256 = arith.select %gt3A_253, %broadcast_in_dim3A_255, %get3A_250 : vector<16xi1>, vector<16xi32>
      %swap3A_257 = arith.constant 272 : index
      %swap3A_258 = tpu.vector_load %arg5[%swap3A_257] {strides = array<i32>} : memref<800xi32, #tpu.memory_space<vmem>>, vector<16xi32>,
      %swap3A_259 = vector.shape_cast %swap3A_258 : vector<16xi32> to vector<16xi32>
      %swap3A_260 = vector.shape_cast %select_n3A_256 : vector<16xi32> to vector<16xi32>
      tpu.vector_store %arg5[%swap3A_257], %swap3A_260 {strides = array<i32>} : memref<800xi32, #tpu.memory_space<vmem>>, vector<16xi32>,
      %get3A_261 = arith.constant 288 : index
      %get3A_262 = tpu.vector_load %arg5[%get3A_261] {strides = array<i32>} : memref<800xi32, #tpu.memory_space<vmem>>, vector<16xi32>,
      %get3A_263 = vector.shape_cast %get3A_262 : vector<16xi32> to vector<16xi32>
      %gt3A_264 = arith.constant 100000 : i32
      %gt3A_265 = vector.broadcast %gt3A_264 : i32 to vector<16xi32>
      %gt3A_266 = arith.cmpi sgt, %get3A_263, %gt3A_265 : vector<16xi32>
      %jit3A_267 = arith.constant 0 : i32
      %broadcast_in_dim3A_268 = vector.broadcast %jit3A_267 : i32 to vector<16xi32>
      %select_n3A_269 = arith.select %gt3A_266, %broadcast_in_dim3A_268, %get3A_263 : vector<16xi1>, vector<16xi32>
      %swap3A_270 = arith.constant 288 : index
      %swap3A_271 = tpu.vector_load %arg5[%swap3A_270] {strides = array<i32>} : memref<800xi32, #tpu.memory_space<vmem>>, vector<16xi32>,
      %swap3A_272 = vector.shape_cast %swap3A_271 : vector<16xi32> to vector<16xi32>
      %swap3A_273 = vector.shape_cast %select_n3A_269 : vector<16xi32> to vector<16xi32>
      tpu.vector_store %arg5[%swap3A_270], %swap3A_273 {strides = array<i32>} : memref<800xi32, #tpu.memory_space<vmem>>, vector<16xi32>,
      %get3A_274 = arith.constant 304 : index
      %get3A_275 = tpu.vector_load %arg5[%get3A_274] {strides = array<i32>} : memref<800xi32, #tpu.memory_space<vmem>>, vector<16xi32>,
      %get3A_276 = vector.shape_cast %get3A_275 : vector<16xi32> to vector<16xi32>
      %gt3A_277 = arith.constant 100000 : i32
      %gt3A_278 = vector.broadcast %gt3A_277 : i32 to vector<16xi32>
      %gt3A_279 = arith.cmpi sgt, %get3A_276, %gt3A_278 : vector<16xi32>
      %jit3A_280 = arith.constant 0 : i32
      %broadcast_in_dim3A_281 = vector.broadcast %jit3A_280 : i32 to vector<16xi32>
      %select_n3A_282 = arith.select %gt3A_279, %broadcast_in_dim3A_281, %get3A_276 : vector<16xi1>, vector<16xi32>
      %swap3A_283 = arith.constant 304 : index
      %swap3A_284 = tpu.vector_load %arg5[%swap3A_283] {strides = array<i32>} : memref<800xi32, #tpu.memory_space<vmem>>, vector<16xi32>,
      %swap3A_285 = vector.shape_cast %swap3A_284 : vector<16xi32> to vector<16xi32>
      %swap3A_286 = vector.shape_cast %select_n3A_282 : vector<16xi32> to vector<16xi32>
      tpu.vector_store %arg5[%swap3A_283], %swap3A_286 {strides = array<i32>} : memref<800xi32, #tpu.memory_space<vmem>>, vector<16xi32>,
      %get3A_287 = arith.constant 320 : index
      %get3A_288 = tpu.vector_load %arg5[%get3A_287] {strides = array<i32>} : memref<800xi32, #tpu.memory_space<vmem>>, vector<16xi32>,
      %get3A_289 = vector.shape_cast %get3A_288 : vector<16xi32> to vector<16xi32>
      %gt3A_290 = arith.constant 100000 : i32
      %gt3A_291 = vector.broadcast %gt3A_290 : i32 to vector<16xi32>
      %gt3A_292 = arith.cmpi sgt, %get3A_289, %gt3A_291 : vector<16xi32>
      %jit3A_293 = arith.constant 0 : i32
      %broadcast_in_dim3A_294 = vector.broadcast %jit3A_293 : i32 to vector<16xi32>
      %select_n3A_295 = arith.select %gt3A_292, %broadcast_in_dim3A_294, %get3A_289 : vector<16xi1>, vector<16xi32>
      %swap3A_296 = arith.constant 320 : index
      %swap3A_297 = tpu.vector_load %arg5[%swap3A_296] {strides = array<i32>} : memref<800xi32, #tpu.memory_space<vmem>>, vector<16xi32>,
      %swap3A_298 = vector.shape_cast %swap3A_297 : vector<16xi32> to vector<16xi32>
      %swap3A_299 = vector.shape_cast %select_n3A_295 : vector<16xi32> to vector<16xi32>
      tpu.vector_store %arg5[%swap3A_296], %swap3A_299 {strides = array<i32>} : memref<800xi32, #tpu.memory_space<vmem>>, vector<16xi32>,
      %get3A_300 = arith.constant 336 : index
      %get3A_301 = tpu.vector_load %arg5[%get3A_300] {strides = array<i32>} : memref<800xi32, #tpu.memory_space<vmem>>, vector<16xi32>,
      %get3A_302 = vector.shape_cast %get3A_301 : vector<16xi32> to vector<16xi32>
      %gt3A_303 = arith.constant 100000 : i32
      %gt3A_304 = vector.broadcast %gt3A_303 : i32 to vector<16xi32>
      %gt3A_305 = arith.cmpi sgt, %get3A_302, %gt3A_304 : vector<16xi32>
      %jit3A_306 = arith.constant 0 : i32
      %broadcast_in_dim3A_307 = vector.broadcast %jit3A_306 : i32 to vector<16xi32>
      %select_n3A_308 = arith.select %gt3A_305, %broadcast_in_dim3A_307, %get3A_302 : vector<16xi1>, vector<16xi32>
      %swap3A_309 = arith.constant 336 : index
      %swap3A_310 = tpu.vector_load %arg5[%swap3A_309] {strides = array<i32>} : memref<800xi32, #tpu.memory_space<vmem>>, vector<16xi32>,
      %swap3A_311 = vector.shape_cast %swap3A_310 : vector<16xi32> to vector<16xi32>
      %swap3A_312 = vector.shape_cast %select_n3A_308 : vector<16xi32> to vector<16xi32>
      tpu.vector_store %arg5[%swap3A_309], %swap3A_312 {strides = array<i32>} : memref<800xi32, #tpu.memory_space<vmem>>, vector<16xi32>,
      %get3A_313 = arith.constant 352 : index
      %get3A_314 = tpu.vector_load %arg5[%get3A_313] {strides = array<i32>} : memref<800xi32, #tpu.memory_space<vmem>>, vector<16xi32>,
      %get3A_315 = vector.shape_cast %get3A_314 : vector<16xi32> to vector<16xi32>
      %gt3A_316 = arith.constant 100000 : i32
      %gt3A_317 = vector.broadcast %gt3A_316 : i32 to vector<16xi32>
      %gt3A_318 = arith.cmpi sgt, %get3A_315, %gt3A_317 : vector<16xi32>
      %jit3A_319 = arith.constant 0 : i32
      %broadcast_in_dim3A_320 = vector.broadcast %jit3A_319 : i32 to vector<16xi32>
      %select_n3A_321 = arith.select %gt3A_318, %broadcast_in_dim3A_320, %get3A_315 : vector<16xi1>, vector<16xi32>
      %swap3A_322 = arith.constant 352 : index
      %swap3A_323 = tpu.vector_load %arg5[%swap3A_322] {strides = array<i32>} : memref<800xi32, #tpu.memory_space<vmem>>, vector<16xi32>,
      %swap3A_324 = vector.shape_cast %swap3A_323 : vector<16xi32> to vector<16xi32>
      %swap3A_325 = vector.shape_cast %select_n3A_321 : vector<16xi32> to vector<16xi32>
      tpu.vector_store %arg5[%swap3A_322], %swap3A_325 {strides = array<i32>} : memref<800xi32, #tpu.memory_space<vmem>>, vector<16xi32>,
      %get3A_326 = arith.constant 368 : index
      %get3A_327 = tpu.vector_load %arg5[%get3A_326] {strides = array<i32>} : memref<800xi32, #tpu.memory_space<vmem>>, vector<16xi32>,
      %get3A_328 = vector.shape_cast %get3A_327 : vector<16xi32> to vector<16xi32>
      %gt3A_329 = arith.constant 100000 : i32
      %gt3A_330 = vector.broadcast %gt3A_329 : i32 to vector<16xi32>
      %gt3A_331 = arith.cmpi sgt, %get3A_328, %gt3A_330 : vector<16xi32>
      %jit3A_332 = arith.constant 0 : i32
      %broadcast_in_dim3A_333 = vector.broadcast %jit3A_332 : i32 to vector<16xi32>
      %select_n3A_334 = arith.select %gt3A_331, %broadcast_in_dim3A_333, %get3A_328 : vector<16xi1>, vector<16xi32>
      %swap3A_335 = arith.constant 368 : index
      %swap3A_336 = tpu.vector_load %arg5[%swap3A_335] {strides = array<i32>} : memref<800xi32, #tpu.memory_space<vmem>>, vector<16xi32>,
      %swap3A_337 = vector.shape_cast %swap3A_336 : vector<16xi32> to vector<16xi32>
      %swap3A_338 = vector.shape_cast %select_n3A_334 : vector<16xi32> to vector<16xi32>
      tpu.vector_store %arg5[%swap3A_335], %swap3A_338 {strides = array<i32>} : memref<800xi32, #tpu.memory_space<vmem>>, vector<16xi32>,
      %get3A_339 = arith.constant 384 : index
      %get3A_340 = tpu.vector_load %arg5[%get3A_339] {strides = array<i32>} : memref<800xi32, #tpu.memory_space<vmem>>, vector<16xi32>,
      %get3A_341 = vector.shape_cast %get3A_340 : vector<16xi32> to vector<16xi32>
      %gt3A_342 = arith.constant 100000 : i32
      %gt3A_343 = vector.broadcast %gt3A_342 : i32 to vector<16xi32>
      %gt3A_344 = arith.cmpi sgt, %get3A_341, %gt3A_343 : vector<16xi32>
      %jit3A_345 = arith.constant 0 : i32
      %broadcast_in_dim3A_346 = vector.broadcast %jit3A_345 : i32 to vector<16xi32>
      %select_n3A_347 = arith.select %gt3A_344, %broadcast_in_dim3A_346, %get3A_341 : vector<16xi1>, vector<16xi32>
      %swap3A_348 = arith.constant 384 : index
      %swap3A_349 = tpu.vector_load %arg5[%swap3A_348] {strides = array<i32>} : memref<800xi32, #tpu.memory_space<vmem>>, vector<16xi32>,
      %swap3A_350 = vector.shape_cast %swap3A_349 : vector<16xi32> to vector<16xi32>
      %swap3A_351 = vector.shape_cast %select_n3A_347 : vector<16xi32> to vector<16xi32>
      tpu.vector_store %arg5[%swap3A_348], %swap3A_351 {strides = array<i32>} : memref<800xi32, #tpu.memory_space<vmem>>, vector<16xi32>,
      %get3A_352 = arith.constant 400 : index
      %get3A_353 = tpu.vector_load %arg5[%get3A_352] {strides = array<i32>} : memref<800xi32, #tpu.memory_space<vmem>>, vector<16xi32>,
      %get3A_354 = vector.shape_cast %get3A_353 : vector<16xi32> to vector<16xi32>
      %gt3A_355 = arith.constant 100000 : i32
      %gt3A_356 = vector.broadcast %gt3A_355 : i32 to vector<16xi32>
      %gt3A_357 = arith.cmpi sgt, %get3A_354, %gt3A_356 : vector<16xi32>
      %jit3A_358 = arith.constant 0 : i32
      %broadcast_in_dim3A_359 = vector.broadcast %jit3A_358 : i32 to vector<16xi32>
      %select_n3A_360 = arith.select %gt3A_357, %broadcast_in_dim3A_359, %get3A_354 : vector<16xi1>, vector<16xi32>
      %swap3A_361 = arith.constant 400 : index
      %swap3A_362 = tpu.vector_load %arg5[%swap3A_361] {strides = array<i32>} : memref<800xi32, #tpu.memory_space<vmem>>, vector<16xi32>,
      %swap3A_363 = vector.shape_cast %swap3A_362 : vector<16xi32> to vector<16xi32>
      %swap3A_364 = vector.shape_cast %select_n3A_360 : vector<16xi32> to vector<16xi32>
      tpu.vector_store %arg5[%swap3A_361], %swap3A_364 {strides = array<i32>} : memref<800xi32, #tpu.memory_space<vmem>>, vector<16xi32>,
      %get3A_365 = arith.constant 416 : index
      %get3A_366 = tpu.vector_load %arg5[%get3A_365] {strides = array<i32>} : memref<800xi32, #tpu.memory_space<vmem>>, vector<16xi32>,
      %get3A_367 = vector.shape_cast %get3A_366 : vector<16xi32> to vector<16xi32>
      %gt3A_368 = arith.constant 100000 : i32
      %gt3A_369 = vector.broadcast %gt3A_368 : i32 to vector<16xi32>
      %gt3A_370 = arith.cmpi sgt, %get3A_367, %gt3A_369 : vector<16xi32>
      %jit3A_371 = arith.constant 0 : i32
      %broadcast_in_dim3A_372 = vector.broadcast %jit3A_371 : i32 to vector<16xi32>
      %select_n3A_373 = arith.select %gt3A_370, %broadcast_in_dim3A_372, %get3A_367 : vector<16xi1>, vector<16xi32>
      %swap3A_374 = arith.constant 416 : index
      %swap3A_375 = tpu.vector_load %arg5[%swap3A_374] {strides = array<i32>} : memref<800xi32, #tpu.memory_space<vmem>>, vector<16xi32>,
      %swap3A_376 = vector.shape_cast %swap3A_375 : vector<16xi32> to vector<16xi32>
      %swap3A_377 = vector.shape_cast %select_n3A_373 : vector<16xi32> to vector<16xi32>
      tpu.vector_store %arg5[%swap3A_374], %swap3A_377 {strides = array<i32>} : memref<800xi32, #tpu.memory_space<vmem>>, vector<16xi32>,
      %get3A_378 = arith.constant 432 : index
      %get3A_379 = tpu.vector_load %arg5[%get3A_378] {strides = array<i32>} : memref<800xi32, #tpu.memory_space<vmem>>, vector<16xi32>,
      %get3A_380 = vector.shape_cast %get3A_379 : vector<16xi32> to vector<16xi32>
      %gt3A_381 = arith.constant 100000 : i32
      %gt3A_382 = vector.broadcast %gt3A_381 : i32 to vector<16xi32>
      %gt3A_383 = arith.cmpi sgt, %get3A_380, %gt3A_382 : vector<16xi32>
      %jit3A_384 = arith.constant 0 : i32
      %broadcast_in_dim3A_385 = vector.broadcast %jit3A_384 : i32 to vector<16xi32>
      %select_n3A_386 = arith.select %gt3A_383, %broadcast_in_dim3A_385, %get3A_380 : vector<16xi1>, vector<16xi32>
      %swap3A_387 = arith.constant 432 : index
      %swap3A_388 = tpu.vector_load %arg5[%swap3A_387] {strides = array<i32>} : memref<800xi32, #tpu.memory_space<vmem>>, vector<16xi32>,
      %swap3A_389 = vector.shape_cast %swap3A_388 : vector<16xi32> to vector<16xi32>
      %swap3A_390 = vector.shape_cast %select_n3A_386 : vector<16xi32> to vector<16xi32>
      tpu.vector_store %arg5[%swap3A_387], %swap3A_390 {strides = array<i32>} : memref<800xi32, #tpu.memory_space<vmem>>, vector<16xi32>,
      %get3A_391 = arith.constant 448 : index
      %get3A_392 = tpu.vector_load %arg5[%get3A_391] {strides = array<i32>} : memref<800xi32, #tpu.memory_space<vmem>>, vector<16xi32>,
      %get3A_393 = vector.shape_cast %get3A_392 : vector<16xi32> to vector<16xi32>
      %gt3A_394 = arith.constant 100000 : i32
      %gt3A_395 = vector.broadcast %gt3A_394 : i32 to vector<16xi32>
      %gt3A_396 = arith.cmpi sgt, %get3A_393, %gt3A_395 : vector<16xi32>
      %jit3A_397 = arith.constant 0 : i32
      %broadcast_in_dim3A_398 = vector.broadcast %jit3A_397 : i32 to vector<16xi32>
      %select_n3A_399 = arith.select %gt3A_396, %broadcast_in_dim3A_398, %get3A_393 : vector<16xi1>, vector<16xi32>
      %swap3A_400 = arith.constant 448 : index
      %swap3A_401 = tpu.vector_load %arg5[%swap3A_400] {strides = array<i32>} : memref<800xi32, #tpu.memory_space<vmem>>, vector<16xi32>,
      %swap3A_402 = vector.shape_cast %swap3A_401 : vector<16xi32> to vector<16xi32>
      %swap3A_403 = vector.shape_cast %select_n3A_399 : vector<16xi32> to vector<16xi32>
      tpu.vector_store %arg5[%swap3A_400], %swap3A_403 {strides = array<i32>} : memref<800xi32, #tpu.memory_space<vmem>>, vector<16xi32>,
      %get3A_404 = arith.constant 464 : index
      %get3A_405 = tpu.vector_load %arg5[%get3A_404] {strides = array<i32>} : memref<800xi32, #tpu.memory_space<vmem>>, vector<16xi32>,
      %get3A_406 = vector.shape_cast %get3A_405 : vector<16xi32> to vector<16xi32>
      %gt3A_407 = arith.constant 100000 : i32
      %gt3A_408 = vector.broadcast %gt3A_407 : i32 to vector<16xi32>
      %gt3A_409 = arith.cmpi sgt, %get3A_406, %gt3A_408 : vector<16xi32>
      %jit3A_410 = arith.constant 0 : i32
      %broadcast_in_dim3A_411 = vector.broadcast %jit3A_410 : i32 to vector<16xi32>
      %select_n3A_412 = arith.select %gt3A_409, %broadcast_in_dim3A_411, %get3A_406 : vector<16xi1>, vector<16xi32>
      %swap3A_413 = arith.constant 464 : index
      %swap3A_414 = tpu.vector_load %arg5[%swap3A_413] {strides = array<i32>} : memref<800xi32, #tpu.memory_space<vmem>>, vector<16xi32>,
      %swap3A_415 = vector.shape_cast %swap3A_414 : vector<16xi32> to vector<16xi32>
      %swap3A_416 = vector.shape_cast %select_n3A_412 : vector<16xi32> to vector<16xi32>
      tpu.vector_store %arg5[%swap3A_413], %swap3A_416 {strides = array<i32>} : memref<800xi32, #tpu.memory_space<vmem>>, vector<16xi32>,
      %get3A_417 = arith.constant 480 : index
      %get3A_418 = tpu.vector_load %arg5[%get3A_417] {strides = array<i32>} : memref<800xi32, #tpu.memory_space<vmem>>, vector<16xi32>,
      %get3A_419 = vector.shape_cast %get3A_418 : vector<16xi32> to vector<16xi32>
      %gt3A_420 = arith.constant 100000 : i32
      %gt3A_421 = vector.broadcast %gt3A_420 : i32 to vector<16xi32>
      %gt3A_422 = arith.cmpi sgt, %get3A_419, %gt3A_421 : vector<16xi32>
      %jit3A_423 = arith.constant 0 : i32
      %broadcast_in_dim3A_424 = vector.broadcast %jit3A_423 : i32 to vector<16xi32>
      %select_n3A_425 = arith.select %gt3A_422, %broadcast_in_dim3A_424, %get3A_419 : vector<16xi1>, vector<16xi32>
      %swap3A_426 = arith.constant 480 : index
      %swap3A_427 = tpu.vector_load %arg5[%swap3A_426] {strides = array<i32>} : memref<800xi32, #tpu.memory_space<vmem>>, vector<16xi32>,
      %swap3A_428 = vector.shape_cast %swap3A_427 : vector<16xi32> to vector<16xi32>
      %swap3A_429 = vector.shape_cast %select_n3A_425 : vector<16xi32> to vector<16xi32>
      tpu.vector_store %arg5[%swap3A_426], %swap3A_429 {strides = array<i32>} : memref<800xi32, #tpu.memory_space<vmem>>, vector<16xi32>,
      %get3A_430 = arith.constant 496 : index
      %get3A_431 = tpu.vector_load %arg5[%get3A_430] {strides = array<i32>} : memref<800xi32, #tpu.memory_space<vmem>>, vector<16xi32>,
      %get3A_432 = vector.shape_cast %get3A_431 : vector<16xi32> to vector<16xi32>
      %gt3A_433 = arith.constant 100000 : i32
      %gt3A_434 = vector.broadcast %gt3A_433 : i32 to vector<16xi32>
      %gt3A_435 = arith.cmpi sgt, %get3A_432, %gt3A_434 : vector<16xi32>
      %jit3A_436 = arith.constant 0 : i32
      %broadcast_in_dim3A_437 = vector.broadcast %jit3A_436 : i32 to vector<16xi32>
      %select_n3A_438 = arith.select %gt3A_435, %broadcast_in_dim3A_437, %get3A_432 : vector<16xi1>, vector<16xi32>
      %swap3A_439 = arith.constant 496 : index
      %swap3A_440 = tpu.vector_load %arg5[%swap3A_439] {strides = array<i32>} : memref<800xi32, #tpu.memory_space<vmem>>, vector<16xi32>,
      %swap3A_441 = vector.shape_cast %swap3A_440 : vector<16xi32> to vector<16xi32>
      %swap3A_442 = vector.shape_cast %select_n3A_438 : vector<16xi32> to vector<16xi32>
      tpu.vector_store %arg5[%swap3A_439], %swap3A_442 {strides = array<i32>} : memref<800xi32, #tpu.memory_space<vmem>>, vector<16xi32>,
      %get3A_443 = arith.constant 512 : index
      %get3A_444 = tpu.vector_load %arg5[%get3A_443] {strides = array<i32>} : memref<800xi32, #tpu.memory_space<vmem>>, vector<16xi32>,
      %get3A_445 = vector.shape_cast %get3A_444 : vector<16xi32> to vector<16xi32>
      %gt3A_446 = arith.constant 100000 : i32
      %gt3A_447 = vector.broadcast %gt3A_446 : i32 to vector<16xi32>
      %gt3A_448 = arith.cmpi sgt, %get3A_445, %gt3A_447 : vector<16xi32>
      %jit3A_449 = arith.constant 0 : i32
      %broadcast_in_dim3A_450 = vector.broadcast %jit3A_449 : i32 to vector<16xi32>
      %select_n3A_451 = arith.select %gt3A_448, %broadcast_in_dim3A_450, %get3A_445 : vector<16xi1>, vector<16xi32>
      %swap3A_452 = arith.constant 512 : index
      %swap3A_453 = tpu.vector_load %arg5[%swap3A_452] {strides = array<i32>} : memref<800xi32, #tpu.memory_space<vmem>>, vector<16xi32>,
      %swap3A_454 = vector.shape_cast %swap3A_453 : vector<16xi32> to vector<16xi32>
      %swap3A_455 = vector.shape_cast %select_n3A_451 : vector<16xi32> to vector<16xi32>
      tpu.vector_store %arg5[%swap3A_452], %swap3A_455 {strides = array<i32>} : memref<800xi32, #tpu.memory_space<vmem>>, vector<16xi32>,
      %get3A_456 = arith.constant 528 : index
      %get3A_457 = tpu.vector_load %arg5[%get3A_456] {strides = array<i32>} : memref<800xi32, #tpu.memory_space<vmem>>, vector<16xi32>,
      %get3A_458 = vector.shape_cast %get3A_457 : vector<16xi32> to vector<16xi32>
      %gt3A_459 = arith.constant 100000 : i32
      %gt3A_460 = vector.broadcast %gt3A_459 : i32 to vector<16xi32>
      %gt3A_461 = arith.cmpi sgt, %get3A_458, %gt3A_460 : vector<16xi32>
      %jit3A_462 = arith.constant 0 : i32
      %broadcast_in_dim3A_463 = vector.broadcast %jit3A_462 : i32 to vector<16xi32>
      %select_n3A_464 = arith.select %gt3A_461, %broadcast_in_dim3A_463, %get3A_458 : vector<16xi1>, vector<16xi32>
      %swap3A_465 = arith.constant 528 : index
      %swap3A_466 = tpu.vector_load %arg5[%swap3A_465] {strides = array<i32>} : memref<800xi32, #tpu.memory_space<vmem>>, vector<16xi32>,
      %swap3A_467 = vector.shape_cast %swap3A_466 : vector<16xi32> to vector<16xi32>
      %swap3A_468 = vector.shape_cast %select_n3A_464 : vector<16xi32> to vector<16xi32>
      tpu.vector_store %arg5[%swap3A_465], %swap3A_468 {strides = array<i32>} : memref<800xi32, #tpu.memory_space<vmem>>, vector<16xi32>,
      %get3A_469 = arith.constant 544 : index
      %get3A_470 = tpu.vector_load %arg5[%get3A_469] {strides = array<i32>} : memref<800xi32, #tpu.memory_space<vmem>>, vector<16xi32>,
      %get3A_471 = vector.shape_cast %get3A_470 : vector<16xi32> to vector<16xi32>
      %gt3A_472 = arith.constant 100000 : i32
      %gt3A_473 = vector.broadcast %gt3A_472 : i32 to vector<16xi32>
      %gt3A_474 = arith.cmpi sgt, %get3A_471, %gt3A_473 : vector<16xi32>
      %jit3A_475 = arith.constant 0 : i32
      %broadcast_in_dim3A_476 = vector.broadcast %jit3A_475 : i32 to vector<16xi32>
      %select_n3A_477 = arith.select %gt3A_474, %broadcast_in_dim3A_476, %get3A_471 : vector<16xi1>, vector<16xi32>
      %swap3A_478 = arith.constant 544 : index
      %swap3A_479 = tpu.vector_load %arg5[%swap3A_478] {strides = array<i32>} : memref<800xi32, #tpu.memory_space<vmem>>, vector<16xi32>,
      %swap3A_480 = vector.shape_cast %swap3A_479 : vector<16xi32> to vector<16xi32>
      %swap3A_481 = vector.shape_cast %select_n3A_477 : vector<16xi32> to vector<16xi32>
      tpu.vector_store %arg5[%swap3A_478], %swap3A_481 {strides = array<i32>} : memref<800xi32, #tpu.memory_space<vmem>>, vector<16xi32>,
      %get3A_482 = arith.constant 560 : index
      %get3A_483 = tpu.vector_load %arg5[%get3A_482] {strides = array<i32>} : memref<800xi32, #tpu.memory_space<vmem>>, vector<16xi32>,
      %get3A_484 = vector.shape_cast %get3A_483 : vector<16xi32> to vector<16xi32>
      %gt3A_485 = arith.constant 100000 : i32
      %gt3A_486 = vector.broadcast %gt3A_485 : i32 to vector<16xi32>
      %gt3A_487 = arith.cmpi sgt, %get3A_484, %gt3A_486 : vector<16xi32>
      %jit3A_488 = arith.constant 0 : i32
      %broadcast_in_dim3A_489 = vector.broadcast %jit3A_488 : i32 to vector<16xi32>
      %select_n3A_490 = arith.select %gt3A_487, %broadcast_in_dim3A_489, %get3A_484 : vector<16xi1>, vector<16xi32>
      %swap3A_491 = arith.constant 560 : index
      %swap3A_492 = tpu.vector_load %arg5[%swap3A_491] {strides = array<i32>} : memref<800xi32, #tpu.memory_space<vmem>>, vector<16xi32>,
      %swap3A_493 = vector.shape_cast %swap3A_492 : vector<16xi32> to vector<16xi32>
      %swap3A_494 = vector.shape_cast %select_n3A_490 : vector<16xi32> to vector<16xi32>
      tpu.vector_store %arg5[%swap3A_491], %swap3A_494 {strides = array<i32>} : memref<800xi32, #tpu.memory_space<vmem>>, vector<16xi32>,
      %get3A_495 = arith.constant 576 : index
      %get3A_496 = tpu.vector_load %arg5[%get3A_495] {strides = array<i32>} : memref<800xi32, #tpu.memory_space<vmem>>, vector<16xi32>,
      %get3A_497 = vector.shape_cast %get3A_496 : vector<16xi32> to vector<16xi32>
      %gt3A_498 = arith.constant 100000 : i32
      %gt3A_499 = vector.broadcast %gt3A_498 : i32 to vector<16xi32>
      %gt3A_500 = arith.cmpi sgt, %get3A_497, %gt3A_499 : vector<16xi32>
      %jit3A_501 = arith.constant 0 : i32
      %broadcast_in_dim3A_502 = vector.broadcast %jit3A_501 : i32 to vector<16xi32>
      %select_n3A_503 = arith.select %gt3A_500, %broadcast_in_dim3A_502, %get3A_497 : vector<16xi1>, vector<16xi32>
      %swap3A_504 = arith.constant 576 : index
      %swap3A_505 = tpu.vector_load %arg5[%swap3A_504] {strides = array<i32>} : memref<800xi32, #tpu.memory_space<vmem>>, vector<16xi32>,
      %swap3A_506 = vector.shape_cast %swap3A_505 : vector<16xi32> to vector<16xi32>
      %swap3A_507 = vector.shape_cast %select_n3A_503 : vector<16xi32> to vector<16xi32>
      tpu.vector_store %arg5[%swap3A_504], %swap3A_507 {strides = array<i32>} : memref<800xi32, #tpu.memory_space<vmem>>, vector<16xi32>,
      %get3A_508 = arith.constant 592 : index
      %get3A_509 = tpu.vector_load %arg5[%get3A_508] {strides = array<i32>} : memref<800xi32, #tpu.memory_space<vmem>>, vector<16xi32>,
      %get3A_510 = vector.shape_cast %get3A_509 : vector<16xi32> to vector<16xi32>
      %gt3A_511 = arith.constant 100000 : i32
      %gt3A_512 = vector.broadcast %gt3A_511 : i32 to vector<16xi32>
      %gt3A_513 = arith.cmpi sgt, %get3A_510, %gt3A_512 : vector<16xi32>
      %jit3A_514 = arith.constant 0 : i32
      %broadcast_in_dim3A_515 = vector.broadcast %jit3A_514 : i32 to vector<16xi32>
      %select_n3A_516 = arith.select %gt3A_513, %broadcast_in_dim3A_515, %get3A_510 : vector<16xi1>, vector<16xi32>
      %swap3A_517 = arith.constant 592 : index
      %swap3A_518 = tpu.vector_load %arg5[%swap3A_517] {strides = array<i32>} : memref<800xi32, #tpu.memory_space<vmem>>, vector<16xi32>,
      %swap3A_519 = vector.shape_cast %swap3A_518 : vector<16xi32> to vector<16xi32>
      %swap3A_520 = vector.shape_cast %select_n3A_516 : vector<16xi32> to vector<16xi32>
      tpu.vector_store %arg5[%swap3A_517], %swap3A_520 {strides = array<i32>} : memref<800xi32, #tpu.memory_space<vmem>>, vector<16xi32>,
      %get3A_521 = arith.constant 608 : index
      %get3A_522 = tpu.vector_load %arg5[%get3A_521] {strides = array<i32>} : memref<800xi32, #tpu.memory_space<vmem>>, vector<16xi32>,
      %get3A_523 = vector.shape_cast %get3A_522 : vector<16xi32> to vector<16xi32>
      %gt3A_524 = arith.constant 100000 : i32
      %gt3A_525 = vector.broadcast %gt3A_524 : i32 to vector<16xi32>
      %gt3A_526 = arith.cmpi sgt, %get3A_523, %gt3A_525 : vector<16xi32>
      %jit3A_527 = arith.constant 0 : i32
      %broadcast_in_dim3A_528 = vector.broadcast %jit3A_527 : i32 to vector<16xi32>
      %select_n3A_529 = arith.select %gt3A_526, %broadcast_in_dim3A_528, %get3A_523 : vector<16xi1>, vector<16xi32>
      %swap3A_530 = arith.constant 608 : index
      %swap3A_531 = tpu.vector_load %arg5[%swap3A_530] {strides = array<i32>} : memref<800xi32, #tpu.memory_space<vmem>>, vector<16xi32>,
      %swap3A_532 = vector.shape_cast %swap3A_531 : vector<16xi32> to vector<16xi32>
      %swap3A_533 = vector.shape_cast %select_n3A_529 : vector<16xi32> to vector<16xi32>
      tpu.vector_store %arg5[%swap3A_530], %swap3A_533 {strides = array<i32>} : memref<800xi32, #tpu.memory_space<vmem>>, vector<16xi32>,
      %get3A_534 = arith.constant 624 : index
      %get3A_535 = tpu.vector_load %arg5[%get3A_534] {strides = array<i32>} : memref<800xi32, #tpu.memory_space<vmem>>, vector<16xi32>,
      %get3A_536 = vector.shape_cast %get3A_535 : vector<16xi32> to vector<16xi32>
      %gt3A_537 = arith.constant 100000 : i32
      %gt3A_538 = vector.broadcast %gt3A_537 : i32 to vector<16xi32>
      %gt3A_539 = arith.cmpi sgt, %get3A_536, %gt3A_538 : vector<16xi32>
      %jit3A_540 = arith.constant 0 : i32
      %broadcast_in_dim3A_541 = vector.broadcast %jit3A_540 : i32 to vector<16xi32>
      %select_n3A_542 = arith.select %gt3A_539, %broadcast_in_dim3A_541, %get3A_536 : vector<16xi1>, vector<16xi32>
      %swap3A_543 = arith.constant 624 : index
      %swap3A_544 = tpu.vector_load %arg5[%swap3A_543] {strides = array<i32>} : memref<800xi32, #tpu.memory_space<vmem>>, vector<16xi32>,
      %swap3A_545 = vector.shape_cast %swap3A_544 : vector<16xi32> to vector<16xi32>
      %swap3A_546 = vector.shape_cast %select_n3A_542 : vector<16xi32> to vector<16xi32>
      tpu.vector_store %arg5[%swap3A_543], %swap3A_546 {strides = array<i32>} : memref<800xi32, #tpu.memory_space<vmem>>, vector<16xi32>,
      %get3A_547 = arith.constant 640 : index
      %get3A_548 = tpu.vector_load %arg5[%get3A_547] {strides = array<i32>} : memref<800xi32, #tpu.memory_space<vmem>>, vector<16xi32>,
      %get3A_549 = vector.shape_cast %get3A_548 : vector<16xi32> to vector<16xi32>
      %gt3A_550 = arith.constant 100000 : i32
      %gt3A_551 = vector.broadcast %gt3A_550 : i32 to vector<16xi32>
      %gt3A_552 = arith.cmpi sgt, %get3A_549, %gt3A_551 : vector<16xi32>
      %jit3A_553 = arith.constant 0 : i32
      %broadcast_in_dim3A_554 = vector.broadcast %jit3A_553 : i32 to vector<16xi32>
      %select_n3A_555 = arith.select %gt3A_552, %broadcast_in_dim3A_554, %get3A_549 : vector<16xi1>, vector<16xi32>
      %swap3A_556 = arith.constant 640 : index
      %swap3A_557 = tpu.vector_load %arg5[%swap3A_556] {strides = array<i32>} : memref<800xi32, #tpu.memory_space<vmem>>, vector<16xi32>,
      %swap3A_558 = vector.shape_cast %swap3A_557 : vector<16xi32> to vector<16xi32>
      %swap3A_559 = vector.shape_cast %select_n3A_555 : vector<16xi32> to vector<16xi32>
      tpu.vector_store %arg5[%swap3A_556], %swap3A_559 {strides = array<i32>} : memref<800xi32, #tpu.memory_space<vmem>>, vector<16xi32>,
      %get3A_560 = arith.constant 656 : index
      %get3A_561 = tpu.vector_load %arg5[%get3A_560] {strides = array<i32>} : memref<800xi32, #tpu.memory_space<vmem>>, vector<16xi32>,
      %get3A_562 = vector.shape_cast %get3A_561 : vector<16xi32> to vector<16xi32>
      %gt3A_563 = arith.constant 100000 : i32
      %gt3A_564 = vector.broadcast %gt3A_563 : i32 to vector<16xi32>
      %gt3A_565 = arith.cmpi sgt, %get3A_562, %gt3A_564 : vector<16xi32>
      %jit3A_566 = arith.constant 0 : i32
      %broadcast_in_dim3A_567 = vector.broadcast %jit3A_566 : i32 to vector<16xi32>
      %select_n3A_568 = arith.select %gt3A_565, %broadcast_in_dim3A_567, %get3A_562 : vector<16xi1>, vector<16xi32>
      %swap3A_569 = arith.constant 656 : index
      %swap3A_570 = tpu.vector_load %arg5[%swap3A_569] {strides = array<i32>} : memref<800xi32, #tpu.memory_space<vmem>>, vector<16xi32>,
      %swap3A_571 = vector.shape_cast %swap3A_570 : vector<16xi32> to vector<16xi32>
      %swap3A_572 = vector.shape_cast %select_n3A_568 : vector<16xi32> to vector<16xi32>
      tpu.vector_store %arg5[%swap3A_569], %swap3A_572 {strides = array<i32>} : memref<800xi32, #tpu.memory_space<vmem>>, vector<16xi32>,
      %get3A_573 = arith.constant 672 : index
      %get3A_574 = tpu.vector_load %arg5[%get3A_573] {strides = array<i32>} : memref<800xi32, #tpu.memory_space<vmem>>, vector<16xi32>,
      %get3A_575 = vector.shape_cast %get3A_574 : vector<16xi32> to vector<16xi32>
      %gt3A_576 = arith.constant 100000 : i32
      %gt3A_577 = vector.broadcast %gt3A_576 : i32 to vector<16xi32>
      %gt3A_578 = arith.cmpi sgt, %get3A_575, %gt3A_577 : vector<16xi32>
      %jit3A_579 = arith.constant 0 : i32
      %broadcast_in_dim3A_580 = vector.broadcast %jit3A_579 : i32 to vector<16xi32>
      %select_n3A_581 = arith.select %gt3A_578, %broadcast_in_dim3A_580, %get3A_575 : vector<16xi1>, vector<16xi32>
      %swap3A_582 = arith.constant 672 : index
      %swap3A_583 = tpu.vector_load %arg5[%swap3A_582] {strides = array<i32>} : memref<800xi32, #tpu.memory_space<vmem>>, vector<16xi32>,
      %swap3A_584 = vector.shape_cast %swap3A_583 : vector<16xi32> to vector<16xi32>
      %swap3A_585 = vector.shape_cast %select_n3A_581 : vector<16xi32> to vector<16xi32>
      tpu.vector_store %arg5[%swap3A_582], %swap3A_585 {strides = array<i32>} : memref<800xi32, #tpu.memory_space<vmem>>, vector<16xi32>,
      %get3A_586 = arith.constant 688 : index
      %get3A_587 = tpu.vector_load %arg5[%get3A_586] {strides = array<i32>} : memref<800xi32, #tpu.memory_space<vmem>>, vector<16xi32>,
      %get3A_588 = vector.shape_cast %get3A_587 : vector<16xi32> to vector<16xi32>
      %gt3A_589 = arith.constant 100000 : i32
      %gt3A_590 = vector.broadcast %gt3A_589 : i32 to vector<16xi32>
      %gt3A_591 = arith.cmpi sgt, %get3A_588, %gt3A_590 : vector<16xi32>
      %jit3A_592 = arith.constant 0 : i32
      %broadcast_in_dim3A_593 = vector.broadcast %jit3A_592 : i32 to vector<16xi32>
      %select_n3A_594 = arith.select %gt3A_591, %broadcast_in_dim3A_593, %get3A_588 : vector<16xi1>, vector<16xi32>
      %swap3A_595 = arith.constant 688 : index
      %swap3A_596 = tpu.vector_load %arg5[%swap3A_595] {strides = array<i32>} : memref<800xi32, #tpu.memory_space<vmem>>, vector<16xi32>,
      %swap3A_597 = vector.shape_cast %swap3A_596 : vector<16xi32> to vector<16xi32>
      %swap3A_598 = vector.shape_cast %select_n3A_594 : vector<16xi32> to vector<16xi32>
      tpu.vector_store %arg5[%swap3A_595], %swap3A_598 {strides = array<i32>} : memref<800xi32, #tpu.memory_space<vmem>>, vector<16xi32>,
      %get3A_599 = arith.constant 704 : index
      %get3A_600 = tpu.vector_load %arg5[%get3A_599] {strides = array<i32>} : memref<800xi32, #tpu.memory_space<vmem>>, vector<16xi32>,
      %get3A_601 = vector.shape_cast %get3A_600 : vector<16xi32> to vector<16xi32>
      %gt3A_602 = arith.constant 100000 : i32
      %gt3A_603 = vector.broadcast %gt3A_602 : i32 to vector<16xi32>
      %gt3A_604 = arith.cmpi sgt, %get3A_601, %gt3A_603 : vector<16xi32>
      %jit3A_605 = arith.constant 0 : i32
      %broadcast_in_dim3A_606 = vector.broadcast %jit3A_605 : i32 to vector<16xi32>
      %select_n3A_607 = arith.select %gt3A_604, %broadcast_in_dim3A_606, %get3A_601 : vector<16xi1>, vector<16xi32>
      %swap3A_608 = arith.constant 704 : index
      %swap3A_609 = tpu.vector_load %arg5[%swap3A_608] {strides = array<i32>} : memref<800xi32, #tpu.memory_space<vmem>>, vector<16xi32>,
      %swap3A_610 = vector.shape_cast %swap3A_609 : vector<16xi32> to vector<16xi32>
      %swap3A_611 = vector.shape_cast %select_n3A_607 : vector<16xi32> to vector<16xi32>
      tpu.vector_store %arg5[%swap3A_608], %swap3A_611 {strides = array<i32>} : memref<800xi32, #tpu.memory_space<vmem>>, vector<16xi32>,
      %get3A_612 = arith.constant 720 : index
      %get3A_613 = tpu.vector_load %arg5[%get3A_612] {strides = array<i32>} : memref<800xi32, #tpu.memory_space<vmem>>, vector<16xi32>,
      %get3A_614 = vector.shape_cast %get3A_613 : vector<16xi32> to vector<16xi32>
      %gt3A_615 = arith.constant 100000 : i32
      %gt3A_616 = vector.broadcast %gt3A_615 : i32 to vector<16xi32>
      %gt3A_617 = arith.cmpi sgt, %get3A_614, %gt3A_616 : vector<16xi32>
      %jit3A_618 = arith.constant 0 : i32
      %broadcast_in_dim3A_619 = vector.broadcast %jit3A_618 : i32 to vector<16xi32>
      %select_n3A_620 = arith.select %gt3A_617, %broadcast_in_dim3A_619, %get3A_614 : vector<16xi1>, vector<16xi32>
      %swap3A_621 = arith.constant 720 : index
      %swap3A_622 = tpu.vector_load %arg5[%swap3A_621] {strides = array<i32>} : memref<800xi32, #tpu.memory_space<vmem>>, vector<16xi32>,
      %swap3A_623 = vector.shape_cast %swap3A_622 : vector<16xi32> to vector<16xi32>
      %swap3A_624 = vector.shape_cast %select_n3A_620 : vector<16xi32> to vector<16xi32>
      tpu.vector_store %arg5[%swap3A_621], %swap3A_624 {strides = array<i32>} : memref<800xi32, #tpu.memory_space<vmem>>, vector<16xi32>,
      %get3A_625 = arith.constant 736 : index
      %get3A_626 = tpu.vector_load %arg5[%get3A_625] {strides = array<i32>} : memref<800xi32, #tpu.memory_space<vmem>>, vector<16xi32>,
      %get3A_627 = vector.shape_cast %get3A_626 : vector<16xi32> to vector<16xi32>
      %gt3A_628 = arith.constant 100000 : i32
      %gt3A_629 = vector.broadcast %gt3A_628 : i32 to vector<16xi32>
      %gt3A_630 = arith.cmpi sgt, %get3A_627, %gt3A_629 : vector<16xi32>
      %jit3A_631 = arith.constant 0 : i32
      %broadcast_in_dim3A_632 = vector.broadcast %jit3A_631 : i32 to vector<16xi32>
      %select_n3A_633 = arith.select %gt3A_630, %broadcast_in_dim3A_632, %get3A_627 : vector<16xi1>, vector<16xi32>
      %swap3A_634 = arith.constant 736 : index
      %swap3A_635 = tpu.vector_load %arg5[%swap3A_634] {strides = array<i32>} : memref<800xi32, #tpu.memory_space<vmem>>, vector<16xi32>,
      %swap3A_636 = vector.shape_cast %swap3A_635 : vector<16xi32> to vector<16xi32>
      %swap3A_637 = vector.shape_cast %select_n3A_633 : vector<16xi32> to vector<16xi32>
      tpu.vector_store %arg5[%swap3A_634], %swap3A_637 {strides = array<i32>} : memref<800xi32, #tpu.memory_space<vmem>>, vector<16xi32>,
      %get3A_638 = arith.constant 752 : index
      %get3A_639 = tpu.vector_load %arg5[%get3A_638] {strides = array<i32>} : memref<800xi32, #tpu.memory_space<vmem>>, vector<16xi32>,
      %get3A_640 = vector.shape_cast %get3A_639 : vector<16xi32> to vector<16xi32>
      %gt3A_641 = arith.constant 100000 : i32
      %gt3A_642 = vector.broadcast %gt3A_641 : i32 to vector<16xi32>
      %gt3A_643 = arith.cmpi sgt, %get3A_640, %gt3A_642 : vector<16xi32>
      %jit3A_644 = arith.constant 0 : i32
      %broadcast_in_dim3A_645 = vector.broadcast %jit3A_644 : i32 to vector<16xi32>
      %select_n3A_646 = arith.select %gt3A_643, %broadcast_in_dim3A_645, %get3A_640 : vector<16xi1>, vector<16xi32>
      %swap3A_647 = arith.constant 752 : index
      %swap3A_648 = tpu.vector_load %arg5[%swap3A_647] {strides = array<i32>} : memref<800xi32, #tpu.memory_space<vmem>>, vector<16xi32>,
      %swap3A_649 = vector.shape_cast %swap3A_648 : vector<16xi32> to vector<16xi32>
      %swap3A_650 = vector.shape_cast %select_n3A_646 : vector<16xi32> to vector<16xi32>
      tpu.vector_store %arg5[%swap3A_647], %swap3A_650 {strides = array<i32>} : memref<800xi32, #tpu.memory_space<vmem>>, vector<16xi32>,
      %get3A_651 = arith.constant 768 : index
      %get3A_652 = tpu.vector_load %arg5[%get3A_651] {strides = array<i32>} : memref<800xi32, #tpu.memory_space<vmem>>, vector<16xi32>,
      %get3A_653 = vector.shape_cast %get3A_652 : vector<16xi32> to vector<16xi32>
      %gt3A_654 = arith.constant 100000 : i32
      %gt3A_655 = vector.broadcast %gt3A_654 : i32 to vector<16xi32>
      %gt3A_656 = arith.cmpi sgt, %get3A_653, %gt3A_655 : vector<16xi32>
      %jit3A_657 = arith.constant 0 : i32
      %broadcast_in_dim3A_658 = vector.broadcast %jit3A_657 : i32 to vector<16xi32>
      %select_n3A_659 = arith.select %gt3A_656, %broadcast_in_dim3A_658, %get3A_653 : vector<16xi1>, vector<16xi32>
      %swap3A_660 = arith.constant 768 : index
      %swap3A_661 = tpu.vector_load %arg5[%swap3A_660] {strides = array<i32>} : memref<800xi32, #tpu.memory_space<vmem>>, vector<16xi32>,
      %swap3A_662 = vector.shape_cast %swap3A_661 : vector<16xi32> to vector<16xi32>
      %swap3A_663 = vector.shape_cast %select_n3A_659 : vector<16xi32> to vector<16xi32>
      tpu.vector_store %arg5[%swap3A_660], %swap3A_663 {strides = array<i32>} : memref<800xi32, #tpu.memory_space<vmem>>, vector<16xi32>,
      %get3A_664 = arith.constant 784 : index
      %get3A_665 = tpu.vector_load %arg5[%get3A_664] {strides = array<i32>} : memref<800xi32, #tpu.memory_space<vmem>>, vector<16xi32>,
      %get3A_666 = vector.shape_cast %get3A_665 : vector<16xi32> to vector<16xi32>
      %gt3A_667 = arith.constant 100000 : i32
      %gt3A_668 = vector.broadcast %gt3A_667 : i32 to vector<16xi32>
      %gt3A_669 = arith.cmpi sgt, %get3A_666, %gt3A_668 : vector<16xi32>
      %jit3A_670 = arith.constant 0 : i32
      %broadcast_in_dim3A_671 = vector.broadcast %jit3A_670 : i32 to vector<16xi32>
      %select_n3A_672 = arith.select %gt3A_669, %broadcast_in_dim3A_671, %get3A_666 : vector<16xi1>, vector<16xi32>
      %swap3A_673 = arith.constant 784 : index
      %swap3A_674 = tpu.vector_load %arg5[%swap3A_673] {strides = array<i32>} : memref<800xi32, #tpu.memory_space<vmem>>, vector<16xi32>,
      %swap3A_675 = vector.shape_cast %swap3A_674 : vector<16xi32> to vector<16xi32>
      %swap3A_676 = vector.shape_cast %select_n3A_672 : vector<16xi32> to vector<16xi32>
      tpu.vector_store %arg5[%swap3A_673], %swap3A_676 {strides = array<i32>} : memref<800xi32, #tpu.memory_space<vmem>>, vector<16xi32>,
      %gt3A_677 = arith.constant 0 : i32
      %gt3A_678 = arith.cmpi sgt, %scan3A_27, %gt3A_677 : i32
      %convert_element_type3A = arith.extui %gt3A_678 : i1 to i32
      %cond3A = arith.constant 0 : i32
      %cond3A_679 = arith.cmpi ne, %convert_element_type3A, %cond3A : i32
      scf.if %cond3A_679 {
        %dma_wait3A_2154 = arith.constant 0 : i32
        %dma_wait3A_2155 = arith.constant 0 : i32
        %dma_wait3A_2156 = arith.constant 0 : i32
        %dma_wait3A_2157 = tpu.memref_slice %arg4[%add3A_30, %dma_wait3A_2154, %dma_wait3A_2155, %dma_wait3A_2156] : memref<4096x20x40x64xf32, #tpu.memory_space<hbm>> -> memref<1x20x40x64xf32, #tpu.memory_space<hbm>>
        %dma_wait3A_2158 = tpu.memref_squeeze %dma_wait3A_2157 : memref<1x20x40x64xf32, #tpu.memory_space<hbm>> -> memref<20x40x64xf32, #tpu.memory_space<hbm>>
        %dma_wait3A_2159 = arith.constant 0 : i32
        %dma_wait3A_2160 = arith.constant 0 : i32
        %dma_wait3A_2161 = arith.constant 0 : i32
        %dma_wait3A_2162 = tpu.memref_slice %arg4[%add3A_30, %dma_wait3A_2159, %dma_wait3A_2160, %dma_wait3A_2161] : memref<4096x20x40x64xf32, #tpu.memory_space<hbm>> -> memref<1x20x40x64xf32, #tpu.memory_space<hbm>>
        %dma_wait3A_2163 = tpu.memref_squeeze %dma_wait3A_2162 : memref<1x20x40x64xf32, #tpu.memory_space<hbm>> -> memref<20x40x64xf32, #tpu.memory_space<hbm>>
        tpu.wait_dma2 semaphore(%arg11 : memref<!tpu.dma_semaphore, #tpu.memory_space<semaphore_mem>>) src(%arg7 : memref<20x40x64xf32, #tpu.memory_space<vmem>>) dst(%dma_wait3A_2163 : memref<20x40x64xf32, #tpu.memory_space<hbm>>)
      } else {
      }
      %dma_start3A = arith.constant 0 : i32
      %dma_start3A_680 = arith.constant 0 : i32
      %dma_start3A_681 = arith.constant 0 : i32
      %dma_start3A_682 = tpu.memref_slice %arg7[%dma_start3A, %dma_start3A_680, %dma_start3A_681] : memref<20x40x64xf32, #tpu.memory_space<vmem>> -> memref<1x40x64xf32, #tpu.memory_space<vmem>>
      %dma_start3A_683 = tpu.memref_squeeze %dma_start3A_682 : memref<1x40x64xf32, #tpu.memory_space<vmem>> -> memref<40x64xf32, #tpu.memory_space<vmem>>
      %dma_start3A_684 = arith.constant 0 : i32
      %dma_start3A_685 = tpu.memref_slice %arg5[%dma_start3A_684] : memref<800xi32, #tpu.memory_space<vmem>> -> memref<40xi32, #tpu.memory_space<vmem>>
      %dma_start3A_686 = arith.constant 0 : i32
      %dma_start3A_687 = arith.constant 0 : i32
      %dma_start3A_688 = tpu.memref_slice %arg2[%dma_start3A_686, %dma_start3A_687] : memref<100001x64xf32, #tpu.memory_space<hbm>> -> memref<100001x64xf32, #tpu.memory_space<hbm>>
      tpu.enqueue_indirect_dma source(%dma_start3A_688 : memref<100001x64xf32, #tpu.memory_space<hbm>>) target(%dma_start3A_683 : memref<40x64xf32, #tpu.memory_space<vmem>>) offsets(%dma_start3A_685 : memref<40xi32, #tpu.memory_space<vmem>>) semaphore(%arg9 : memref<!tpu.dma_semaphore, #tpu.memory_space<semaphore_mem>>)
      %dma_start3A_689 = arith.constant 1 : i32
      %dma_start3A_690 = arith.constant 0 : i32
      %dma_start3A_691 = arith.constant 0 : i32
      %dma_start3A_692 = tpu.memref_slice %arg7[%dma_start3A_689, %dma_start3A_690, %dma_start3A_691] : memref<20x40x64xf32, #tpu.memory_space<vmem>> -> memref<1x40x64xf32, #tpu.memory_space<vmem>>
      %dma_start3A_693 = tpu.memref_squeeze %dma_start3A_692 : memref<1x40x64xf32, #tpu.memory_space<vmem>> -> memref<40x64xf32, #tpu.memory_space<vmem>>
      %dma_start3A_694 = arith.constant 40 : i32
      %dma_start3A_695 = tpu.memref_slice %arg5[%dma_start3A_694] : memref<800xi32, #tpu.memory_space<vmem>> -> memref<40xi32, #tpu.memory_space<vmem>>
      %dma_start3A_696 = arith.constant 0 : i32
      %dma_start3A_697 = arith.constant 0 : i32
      %dma_start3A_698 = tpu.memref_slice %arg2[%dma_start3A_696, %dma_start3A_697] : memref<100001x64xf32, #tpu.memory_space<hbm>> -> memref<100001x64xf32, #tpu.memory_space<hbm>>
      tpu.enqueue_indirect_dma source(%dma_start3A_698 : memref<100001x64xf32, #tpu.memory_space<hbm>>) target(%dma_start3A_693 : memref<40x64xf32, #tpu.memory_space<vmem>>) offsets(%dma_start3A_695 : memref<40xi32, #tpu.memory_space<vmem>>) semaphore(%arg9 : memref<!tpu.dma_semaphore, #tpu.memory_space<semaphore_mem>>)
      %dma_start3A_699 = arith.constant 2 : i32
      %dma_start3A_700 = arith.constant 0 : i32
      %dma_start3A_701 = arith.constant 0 : i32
      %dma_start3A_702 = tpu.memref_slice %arg7[%dma_start3A_699, %dma_start3A_700, %dma_start3A_701] : memref<20x40x64xf32, #tpu.memory_space<vmem>> -> memref<1x40x64xf32, #tpu.memory_space<vmem>>
      %dma_start3A_703 = tpu.memref_squeeze %dma_start3A_702 : memref<1x40x64xf32, #tpu.memory_space<vmem>> -> memref<40x64xf32, #tpu.memory_space<vmem>>
      %dma_start3A_704 = arith.constant 80 : i32
      %dma_start3A_705 = tpu.memref_slice %arg5[%dma_start3A_704] : memref<800xi32, #tpu.memory_space<vmem>> -> memref<40xi32, #tpu.memory_space<vmem>>
      %dma_start3A_706 = arith.constant 0 : i32
      %dma_start3A_707 = arith.constant 0 : i32
      %dma_start3A_708 = tpu.memref_slice %arg2[%dma_start3A_706, %dma_start3A_707] : memref<100001x64xf32, #tpu.memory_space<hbm>> -> memref<100001x64xf32, #tpu.memory_space<hbm>>
      tpu.enqueue_indirect_dma source(%dma_start3A_708 : memref<100001x64xf32, #tpu.memory_space<hbm>>) target(%dma_start3A_703 : memref<40x64xf32, #tpu.memory_space<vmem>>) offsets(%dma_start3A_705 : memref<40xi32, #tpu.memory_space<vmem>>) semaphore(%arg9 : memref<!tpu.dma_semaphore, #tpu.memory_space<semaphore_mem>>)
      %dma_start3A_709 = arith.constant 3 : i32
      %dma_start3A_710 = arith.constant 0 : i32
      %dma_start3A_711 = arith.constant 0 : i32
      %dma_start3A_712 = tpu.memref_slice %arg7[%dma_start3A_709, %dma_start3A_710, %dma_start3A_711] : memref<20x40x64xf32, #tpu.memory_space<vmem>> -> memref<1x40x64xf32, #tpu.memory_space<vmem>>
      %dma_start3A_713 = tpu.memref_squeeze %dma_start3A_712 : memref<1x40x64xf32, #tpu.memory_space<vmem>> -> memref<40x64xf32, #tpu.memory_space<vmem>>
      %dma_start3A_714 = arith.constant 120 : i32
      %dma_start3A_715 = tpu.memref_slice %arg5[%dma_start3A_714] : memref<800xi32, #tpu.memory_space<vmem>> -> memref<40xi32, #tpu.memory_space<vmem>>
      %dma_start3A_716 = arith.constant 0 : i32
      %dma_start3A_717 = arith.constant 0 : i32
      %dma_start3A_718 = tpu.memref_slice %arg2[%dma_start3A_716, %dma_start3A_717] : memref<100001x64xf32, #tpu.memory_space<hbm>> -> memref<100001x64xf32, #tpu.memory_space<hbm>>
      tpu.enqueue_indirect_dma source(%dma_start3A_718 : memref<100001x64xf32, #tpu.memory_space<hbm>>) target(%dma_start3A_713 : memref<40x64xf32, #tpu.memory_space<vmem>>) offsets(%dma_start3A_715 : memref<40xi32, #tpu.memory_space<vmem>>) semaphore(%arg9 : memref<!tpu.dma_semaphore, #tpu.memory_space<semaphore_mem>>)
      %dma_start3A_719 = arith.constant 4 : i32
      %dma_start3A_720 = arith.constant 0 : i32
      %dma_start3A_721 = arith.constant 0 : i32
      %dma_start3A_722 = tpu.memref_slice %arg7[%dma_start3A_719, %dma_start3A_720, %dma_start3A_721] : memref<20x40x64xf32, #tpu.memory_space<vmem>> -> memref<1x40x64xf32, #tpu.memory_space<vmem>>
      %dma_start3A_723 = tpu.memref_squeeze %dma_start3A_722 : memref<1x40x64xf32, #tpu.memory_space<vmem>> -> memref<40x64xf32, #tpu.memory_space<vmem>>
      %dma_start3A_724 = arith.constant 160 : i32
      %dma_start3A_725 = tpu.memref_slice %arg5[%dma_start3A_724] : memref<800xi32, #tpu.memory_space<vmem>> -> memref<40xi32, #tpu.memory_space<vmem>>
      %dma_start3A_726 = arith.constant 0 : i32
      %dma_start3A_727 = arith.constant 0 : i32
      %dma_start3A_728 = tpu.memref_slice %arg2[%dma_start3A_726, %dma_start3A_727] : memref<100001x64xf32, #tpu.memory_space<hbm>> -> memref<100001x64xf32, #tpu.memory_space<hbm>>
      tpu.enqueue_indirect_dma source(%dma_start3A_728 : memref<100001x64xf32, #tpu.memory_space<hbm>>) target(%dma_start3A_723 : memref<40x64xf32, #tpu.memory_space<vmem>>) offsets(%dma_start3A_725 : memref<40xi32, #tpu.memory_space<vmem>>) semaphore(%arg9 : memref<!tpu.dma_semaphore, #tpu.memory_space<semaphore_mem>>)
      %dma_start3A_729 = arith.constant 5 : i32
      %dma_start3A_730 = arith.constant 0 : i32
      %dma_start3A_731 = arith.constant 0 : i32
      %dma_start3A_732 = tpu.memref_slice %arg7[%dma_start3A_729, %dma_start3A_730, %dma_start3A_731] : memref<20x40x64xf32, #tpu.memory_space<vmem>> -> memref<1x40x64xf32, #tpu.memory_space<vmem>>
      %dma_start3A_733 = tpu.memref_squeeze %dma_start3A_732 : memref<1x40x64xf32, #tpu.memory_space<vmem>> -> memref<40x64xf32, #tpu.memory_space<vmem>>
      %dma_start3A_734 = arith.constant 200 : i32
      %dma_start3A_735 = tpu.memref_slice %arg5[%dma_start3A_734] : memref<800xi32, #tpu.memory_space<vmem>> -> memref<40xi32, #tpu.memory_space<vmem>>
      %dma_start3A_736 = arith.constant 0 : i32
      %dma_start3A_737 = arith.constant 0 : i32
      %dma_start3A_738 = tpu.memref_slice %arg2[%dma_start3A_736, %dma_start3A_737] : memref<100001x64xf32, #tpu.memory_space<hbm>> -> memref<100001x64xf32, #tpu.memory_space<hbm>>
      tpu.enqueue_indirect_dma source(%dma_start3A_738 : memref<100001x64xf32, #tpu.memory_space<hbm>>) target(%dma_start3A_733 : memref<40x64xf32, #tpu.memory_space<vmem>>) offsets(%dma_start3A_735 : memref<40xi32, #tpu.memory_space<vmem>>) semaphore(%arg9 : memref<!tpu.dma_semaphore, #tpu.memory_space<semaphore_mem>>)
      %dma_start3A_739 = arith.constant 6 : i32
      %dma_start3A_740 = arith.constant 0 : i32
      %dma_start3A_741 = arith.constant 0 : i32
      %dma_start3A_742 = tpu.memref_slice %arg7[%dma_start3A_739, %dma_start3A_740, %dma_start3A_741] : memref<20x40x64xf32, #tpu.memory_space<vmem>> -> memref<1x40x64xf32, #tpu.memory_space<vmem>>
      %dma_start3A_743 = tpu.memref_squeeze %dma_start3A_742 : memref<1x40x64xf32, #tpu.memory_space<vmem>> -> memref<40x64xf32, #tpu.memory_space<vmem>>
      %dma_start3A_744 = arith.constant 240 : i32
      %dma_start3A_745 = tpu.memref_slice %arg5[%dma_start3A_744] : memref<800xi32, #tpu.memory_space<vmem>> -> memref<40xi32, #tpu.memory_space<vmem>>
      %dma_start3A_746 = arith.constant 0 : i32
      %dma_start3A_747 = arith.constant 0 : i32
      %dma_start3A_748 = tpu.memref_slice %arg2[%dma_start3A_746, %dma_start3A_747] : memref<100001x64xf32, #tpu.memory_space<hbm>> -> memref<100001x64xf32, #tpu.memory_space<hbm>>
      tpu.enqueue_indirect_dma source(%dma_start3A_748 : memref<100001x64xf32, #tpu.memory_space<hbm>>) target(%dma_start3A_743 : memref<40x64xf32, #tpu.memory_space<vmem>>) offsets(%dma_start3A_745 : memref<40xi32, #tpu.memory_space<vmem>>) semaphore(%arg9 : memref<!tpu.dma_semaphore, #tpu.memory_space<semaphore_mem>>)
      %dma_start3A_749 = arith.constant 7 : i32
      %dma_start3A_750 = arith.constant 0 : i32
      %dma_start3A_751 = arith.constant 0 : i32
      %dma_start3A_752 = tpu.memref_slice %arg7[%dma_start3A_749, %dma_start3A_750, %dma_start3A_751] : memref<20x40x64xf32, #tpu.memory_space<vmem>> -> memref<1x40x64xf32, #tpu.memory_space<vmem>>
      %dma_start3A_753 = tpu.memref_squeeze %dma_start3A_752 : memref<1x40x64xf32, #tpu.memory_space<vmem>> -> memref<40x64xf32, #tpu.memory_space<vmem>>
      %dma_start3A_754 = arith.constant 280 : i32
      %dma_start3A_755 = tpu.memref_slice %arg5[%dma_start3A_754] : memref<800xi32, #tpu.memory_space<vmem>> -> memref<40xi32, #tpu.memory_space<vmem>>
      %dma_start3A_756 = arith.constant 0 : i32
      %dma_start3A_757 = arith.constant 0 : i32
      %dma_start3A_758 = tpu.memref_slice %arg2[%dma_start3A_756, %dma_start3A_757] : memref<100001x64xf32, #tpu.memory_space<hbm>> -> memref<100001x64xf32, #tpu.memory_space<hbm>>
      tpu.enqueue_indirect_dma source(%dma_start3A_758 : memref<100001x64xf32, #tpu.memory_space<hbm>>) target(%dma_start3A_753 : memref<40x64xf32, #tpu.memory_space<vmem>>) offsets(%dma_start3A_755 : memref<40xi32, #tpu.memory_space<vmem>>) semaphore(%arg9 : memref<!tpu.dma_semaphore, #tpu.memory_space<semaphore_mem>>)
      %dma_start3A_759 = arith.constant 8 : i32
      %dma_start3A_760 = arith.constant 0 : i32
      %dma_start3A_761 = arith.constant 0 : i32
      %dma_start3A_762 = tpu.memref_slice %arg7[%dma_start3A_759, %dma_start3A_760, %dma_start3A_761] : memref<20x40x64xf32, #tpu.memory_space<vmem>> -> memref<1x40x64xf32, #tpu.memory_space<vmem>>
      %dma_start3A_763 = tpu.memref_squeeze %dma_start3A_762 : memref<1x40x64xf32, #tpu.memory_space<vmem>> -> memref<40x64xf32, #tpu.memory_space<vmem>>
      %dma_start3A_764 = arith.constant 320 : i32
      %dma_start3A_765 = tpu.memref_slice %arg5[%dma_start3A_764] : memref<800xi32, #tpu.memory_space<vmem>> -> memref<40xi32, #tpu.memory_space<vmem>>
      %dma_start3A_766 = arith.constant 0 : i32
      %dma_start3A_767 = arith.constant 0 : i32
      %dma_start3A_768 = tpu.memref_slice %arg2[%dma_start3A_766, %dma_start3A_767] : memref<100001x64xf32, #tpu.memory_space<hbm>> -> memref<100001x64xf32, #tpu.memory_space<hbm>>
      tpu.enqueue_indirect_dma source(%dma_start3A_768 : memref<100001x64xf32, #tpu.memory_space<hbm>>) target(%dma_start3A_763 : memref<40x64xf32, #tpu.memory_space<vmem>>) offsets(%dma_start3A_765 : memref<40xi32, #tpu.memory_space<vmem>>) semaphore(%arg9 : memref<!tpu.dma_semaphore, #tpu.memory_space<semaphore_mem>>)
      %dma_start3A_769 = arith.constant 9 : i32
      %dma_start3A_770 = arith.constant 0 : i32
      %dma_start3A_771 = arith.constant 0 : i32
      %dma_start3A_772 = tpu.memref_slice %arg7[%dma_start3A_769, %dma_start3A_770, %dma_start3A_771] : memref<20x40x64xf32, #tpu.memory_space<vmem>> -> memref<1x40x64xf32, #tpu.memory_space<vmem>>
      %dma_start3A_773 = tpu.memref_squeeze %dma_start3A_772 : memref<1x40x64xf32, #tpu.memory_space<vmem>> -> memref<40x64xf32, #tpu.memory_space<vmem>>
      %dma_start3A_774 = arith.constant 360 : i32
      %dma_start3A_775 = tpu.memref_slice %arg5[%dma_start3A_774] : memref<800xi32, #tpu.memory_space<vmem>> -> memref<40xi32, #tpu.memory_space<vmem>>
      %dma_start3A_776 = arith.constant 0 : i32
      %dma_start3A_777 = arith.constant 0 : i32
      %dma_start3A_778 = tpu.memref_slice %arg2[%dma_start3A_776, %dma_start3A_777] : memref<100001x64xf32, #tpu.memory_space<hbm>> -> memref<100001x64xf32, #tpu.memory_space<hbm>>
      tpu.enqueue_indirect_dma source(%dma_start3A_778 : memref<100001x64xf32, #tpu.memory_space<hbm>>) target(%dma_start3A_773 : memref<40x64xf32, #tpu.memory_space<vmem>>) offsets(%dma_start3A_775 : memref<40xi32, #tpu.memory_space<vmem>>) semaphore(%arg9 : memref<!tpu.dma_semaphore, #tpu.memory_space<semaphore_mem>>)
      %dma_start3A_779 = arith.constant 10 : i32
      %dma_start3A_780 = arith.constant 0 : i32
      %dma_start3A_781 = arith.constant 0 : i32
      %dma_start3A_782 = tpu.memref_slice %arg7[%dma_start3A_779, %dma_start3A_780, %dma_start3A_781] : memref<20x40x64xf32, #tpu.memory_space<vmem>> -> memref<1x40x64xf32, #tpu.memory_space<vmem>>
      %dma_start3A_783 = tpu.memref_squeeze %dma_start3A_782 : memref<1x40x64xf32, #tpu.memory_space<vmem>> -> memref<40x64xf32, #tpu.memory_space<vmem>>
      %dma_start3A_784 = arith.constant 400 : i32
      %dma_start3A_785 = tpu.memref_slice %arg5[%dma_start3A_784] : memref<800xi32, #tpu.memory_space<vmem>> -> memref<40xi32, #tpu.memory_space<vmem>>
      %dma_start3A_786 = arith.constant 0 : i32
      %dma_start3A_787 = arith.constant 0 : i32
      %dma_start3A_788 = tpu.memref_slice %arg2[%dma_start3A_786, %dma_start3A_787] : memref<100001x64xf32, #tpu.memory_space<hbm>> -> memref<100001x64xf32, #tpu.memory_space<hbm>>
      tpu.enqueue_indirect_dma source(%dma_start3A_788 : memref<100001x64xf32, #tpu.memory_space<hbm>>) target(%dma_start3A_783 : memref<40x64xf32, #tpu.memory_space<vmem>>) offsets(%dma_start3A_785 : memref<40xi32, #tpu.memory_space<vmem>>) semaphore(%arg9 : memref<!tpu.dma_semaphore, #tpu.memory_space<semaphore_mem>>)
      %dma_start3A_789 = arith.constant 11 : i32
      %dma_start3A_790 = arith.constant 0 : i32
      %dma_start3A_791 = arith.constant 0 : i32
      %dma_start3A_792 = tpu.memref_slice %arg7[%dma_start3A_789, %dma_start3A_790, %dma_start3A_791] : memref<20x40x64xf32, #tpu.memory_space<vmem>> -> memref<1x40x64xf32, #tpu.memory_space<vmem>>
      %dma_start3A_793 = tpu.memref_squeeze %dma_start3A_792 : memref<1x40x64xf32, #tpu.memory_space<vmem>> -> memref<40x64xf32, #tpu.memory_space<vmem>>
      %dma_start3A_794 = arith.constant 440 : i32
      %dma_start3A_795 = tpu.memref_slice %arg5[%dma_start3A_794] : memref<800xi32, #tpu.memory_space<vmem>> -> memref<40xi32, #tpu.memory_space<vmem>>
      %dma_start3A_796 = arith.constant 0 : i32
      %dma_start3A_797 = arith.constant 0 : i32
      %dma_start3A_798 = tpu.memref_slice %arg2[%dma_start3A_796, %dma_start3A_797] : memref<100001x64xf32, #tpu.memory_space<hbm>> -> memref<100001x64xf32, #tpu.memory_space<hbm>>
      tpu.enqueue_indirect_dma source(%dma_start3A_798 : memref<100001x64xf32, #tpu.memory_space<hbm>>) target(%dma_start3A_793 : memref<40x64xf32, #tpu.memory_space<vmem>>) offsets(%dma_start3A_795 : memref<40xi32, #tpu.memory_space<vmem>>) semaphore(%arg9 : memref<!tpu.dma_semaphore, #tpu.memory_space<semaphore_mem>>)
      %dma_start3A_799 = arith.constant 12 : i32
      %dma_start3A_800 = arith.constant 0 : i32
      %dma_start3A_801 = arith.constant 0 : i32
      %dma_start3A_802 = tpu.memref_slice %arg7[%dma_start3A_799, %dma_start3A_800, %dma_start3A_801] : memref<20x40x64xf32, #tpu.memory_space<vmem>> -> memref<1x40x64xf32, #tpu.memory_space<vmem>>
      %dma_start3A_803 = tpu.memref_squeeze %dma_start3A_802 : memref<1x40x64xf32, #tpu.memory_space<vmem>> -> memref<40x64xf32, #tpu.memory_space<vmem>>
      %dma_start3A_804 = arith.constant 480 : i32
      %dma_start3A_805 = tpu.memref_slice %arg5[%dma_start3A_804] : memref<800xi32, #tpu.memory_space<vmem>> -> memref<40xi32, #tpu.memory_space<vmem>>
      %dma_start3A_806 = arith.constant 0 : i32
      %dma_start3A_807 = arith.constant 0 : i32
      %dma_start3A_808 = tpu.memref_slice %arg2[%dma_start3A_806, %dma_start3A_807] : memref<100001x64xf32, #tpu.memory_space<hbm>> -> memref<100001x64xf32, #tpu.memory_space<hbm>>
      tpu.enqueue_indirect_dma source(%dma_start3A_808 : memref<100001x64xf32, #tpu.memory_space<hbm>>) target(%dma_start3A_803 : memref<40x64xf32, #tpu.memory_space<vmem>>) offsets(%dma_start3A_805 : memref<40xi32, #tpu.memory_space<vmem>>) semaphore(%arg9 : memref<!tpu.dma_semaphore, #tpu.memory_space<semaphore_mem>>)
      %dma_start3A_809 = arith.constant 13 : i32
      %dma_start3A_810 = arith.constant 0 : i32
      %dma_start3A_811 = arith.constant 0 : i32
      %dma_start3A_812 = tpu.memref_slice %arg7[%dma_start3A_809, %dma_start3A_810, %dma_start3A_811] : memref<20x40x64xf32, #tpu.memory_space<vmem>> -> memref<1x40x64xf32, #tpu.memory_space<vmem>>
      %dma_start3A_813 = tpu.memref_squeeze %dma_start3A_812 : memref<1x40x64xf32, #tpu.memory_space<vmem>> -> memref<40x64xf32, #tpu.memory_space<vmem>>
      %dma_start3A_814 = arith.constant 520 : i32
      %dma_start3A_815 = tpu.memref_slice %arg5[%dma_start3A_814] : memref<800xi32, #tpu.memory_space<vmem>> -> memref<40xi32, #tpu.memory_space<vmem>>
      %dma_start3A_816 = arith.constant 0 : i32
      %dma_start3A_817 = arith.constant 0 : i32
      %dma_start3A_818 = tpu.memref_slice %arg2[%dma_start3A_816, %dma_start3A_817] : memref<100001x64xf32, #tpu.memory_space<hbm>> -> memref<100001x64xf32, #tpu.memory_space<hbm>>
      tpu.enqueue_indirect_dma source(%dma_start3A_818 : memref<100001x64xf32, #tpu.memory_space<hbm>>) target(%dma_start3A_813 : memref<40x64xf32, #tpu.memory_space<vmem>>) offsets(%dma_start3A_815 : memref<40xi32, #tpu.memory_space<vmem>>) semaphore(%arg9 : memref<!tpu.dma_semaphore, #tpu.memory_space<semaphore_mem>>)
      %dma_start3A_819 = arith.constant 14 : i32
      %dma_start3A_820 = arith.constant 0 : i32
      %dma_start3A_821 = arith.constant 0 : i32
      %dma_start3A_822 = tpu.memref_slice %arg7[%dma_start3A_819, %dma_start3A_820, %dma_start3A_821] : memref<20x40x64xf32, #tpu.memory_space<vmem>> -> memref<1x40x64xf32, #tpu.memory_space<vmem>>
      %dma_start3A_823 = tpu.memref_squeeze %dma_start3A_822 : memref<1x40x64xf32, #tpu.memory_space<vmem>> -> memref<40x64xf32, #tpu.memory_space<vmem>>
      %dma_start3A_824 = arith.constant 560 : i32
      %dma_start3A_825 = tpu.memref_slice %arg5[%dma_start3A_824] : memref<800xi32, #tpu.memory_space<vmem>> -> memref<40xi32, #tpu.memory_space<vmem>>
      %dma_start3A_826 = arith.constant 0 : i32
      %dma_start3A_827 = arith.constant 0 : i32
      %dma_start3A_828 = tpu.memref_slice %arg2[%dma_start3A_826, %dma_start3A_827] : memref<100001x64xf32, #tpu.memory_space<hbm>> -> memref<100001x64xf32, #tpu.memory_space<hbm>>
      tpu.enqueue_indirect_dma source(%dma_start3A_828 : memref<100001x64xf32, #tpu.memory_space<hbm>>) target(%dma_start3A_823 : memref<40x64xf32, #tpu.memory_space<vmem>>) offsets(%dma_start3A_825 : memref<40xi32, #tpu.memory_space<vmem>>) semaphore(%arg9 : memref<!tpu.dma_semaphore, #tpu.memory_space<semaphore_mem>>)
      %dma_start3A_829 = arith.constant 15 : i32
      %dma_start3A_830 = arith.constant 0 : i32
      %dma_start3A_831 = arith.constant 0 : i32
      %dma_start3A_832 = tpu.memref_slice %arg7[%dma_start3A_829, %dma_start3A_830, %dma_start3A_831] : memref<20x40x64xf32, #tpu.memory_space<vmem>> -> memref<1x40x64xf32, #tpu.memory_space<vmem>>
      %dma_start3A_833 = tpu.memref_squeeze %dma_start3A_832 : memref<1x40x64xf32, #tpu.memory_space<vmem>> -> memref<40x64xf32, #tpu.memory_space<vmem>>
      %dma_start3A_834 = arith.constant 600 : i32
      %dma_start3A_835 = tpu.memref_slice %arg5[%dma_start3A_834] : memref<800xi32, #tpu.memory_space<vmem>> -> memref<40xi32, #tpu.memory_space<vmem>>
      %dma_start3A_836 = arith.constant 0 : i32
      %dma_start3A_837 = arith.constant 0 : i32
      %dma_start3A_838 = tpu.memref_slice %arg2[%dma_start3A_836, %dma_start3A_837] : memref<100001x64xf32, #tpu.memory_space<hbm>> -> memref<100001x64xf32, #tpu.memory_space<hbm>>
      tpu.enqueue_indirect_dma source(%dma_start3A_838 : memref<100001x64xf32, #tpu.memory_space<hbm>>) target(%dma_start3A_833 : memref<40x64xf32, #tpu.memory_space<vmem>>) offsets(%dma_start3A_835 : memref<40xi32, #tpu.memory_space<vmem>>) semaphore(%arg9 : memref<!tpu.dma_semaphore, #tpu.memory_space<semaphore_mem>>)
      %dma_start3A_839 = arith.constant 16 : i32
      %dma_start3A_840 = arith.constant 0 : i32
      %dma_start3A_841 = arith.constant 0 : i32
      %dma_start3A_842 = tpu.memref_slice %arg7[%dma_start3A_839, %dma_start3A_840, %dma_start3A_841] : memref<20x40x64xf32, #tpu.memory_space<vmem>> -> memref<1x40x64xf32, #tpu.memory_space<vmem>>
      %dma_start3A_843 = tpu.memref_squeeze %dma_start3A_842 : memref<1x40x64xf32, #tpu.memory_space<vmem>> -> memref<40x64xf32, #tpu.memory_space<vmem>>
      %dma_start3A_844 = arith.constant 640 : i32
      %dma_start3A_845 = tpu.memref_slice %arg5[%dma_start3A_844] : memref<800xi32, #tpu.memory_space<vmem>> -> memref<40xi32, #tpu.memory_space<vmem>>
      %dma_start3A_846 = arith.constant 0 : i32
      %dma_start3A_847 = arith.constant 0 : i32
      %dma_start3A_848 = tpu.memref_slice %arg2[%dma_start3A_846, %dma_start3A_847] : memref<100001x64xf32, #tpu.memory_space<hbm>> -> memref<100001x64xf32, #tpu.memory_space<hbm>>
      tpu.enqueue_indirect_dma source(%dma_start3A_848 : memref<100001x64xf32, #tpu.memory_space<hbm>>) target(%dma_start3A_843 : memref<40x64xf32, #tpu.memory_space<vmem>>) offsets(%dma_start3A_845 : memref<40xi32, #tpu.memory_space<vmem>>) semaphore(%arg9 : memref<!tpu.dma_semaphore, #tpu.memory_space<semaphore_mem>>)
      %dma_start3A_849 = arith.constant 17 : i32
      %dma_start3A_850 = arith.constant 0 : i32
      %dma_start3A_851 = arith.constant 0 : i32
      %dma_start3A_852 = tpu.memref_slice %arg7[%dma_start3A_849, %dma_start3A_850, %dma_start3A_851] : memref<20x40x64xf32, #tpu.memory_space<vmem>> -> memref<1x40x64xf32, #tpu.memory_space<vmem>>
      %dma_start3A_853 = tpu.memref_squeeze %dma_start3A_852 : memref<1x40x64xf32, #tpu.memory_space<vmem>> -> memref<40x64xf32, #tpu.memory_space<vmem>>
      %dma_start3A_854 = arith.constant 680 : i32
      %dma_start3A_855 = tpu.memref_slice %arg5[%dma_start3A_854] : memref<800xi32, #tpu.memory_space<vmem>> -> memref<40xi32, #tpu.memory_space<vmem>>
      %dma_start3A_856 = arith.constant 0 : i32
      %dma_start3A_857 = arith.constant 0 : i32
      %dma_start3A_858 = tpu.memref_slice %arg2[%dma_start3A_856, %dma_start3A_857] : memref<100001x64xf32, #tpu.memory_space<hbm>> -> memref<100001x64xf32, #tpu.memory_space<hbm>>
      tpu.enqueue_indirect_dma source(%dma_start3A_858 : memref<100001x64xf32, #tpu.memory_space<hbm>>) target(%dma_start3A_853 : memref<40x64xf32, #tpu.memory_space<vmem>>) offsets(%dma_start3A_855 : memref<40xi32, #tpu.memory_space<vmem>>) semaphore(%arg9 : memref<!tpu.dma_semaphore, #tpu.memory_space<semaphore_mem>>)
      %dma_start3A_859 = arith.constant 18 : i32
      %dma_start3A_860 = arith.constant 0 : i32
      %dma_start3A_861 = arith.constant 0 : i32
      %dma_start3A_862 = tpu.memref_slice %arg7[%dma_start3A_859, %dma_start3A_860, %dma_start3A_861] : memref<20x40x64xf32, #tpu.memory_space<vmem>> -> memref<1x40x64xf32, #tpu.memory_space<vmem>>
      %dma_start3A_863 = tpu.memref_squeeze %dma_start3A_862 : memref<1x40x64xf32, #tpu.memory_space<vmem>> -> memref<40x64xf32, #tpu.memory_space<vmem>>
      %dma_start3A_864 = arith.constant 720 : i32
      %dma_start3A_865 = tpu.memref_slice %arg5[%dma_start3A_864] : memref<800xi32, #tpu.memory_space<vmem>> -> memref<40xi32, #tpu.memory_space<vmem>>
      %dma_start3A_866 = arith.constant 0 : i32
      %dma_start3A_867 = arith.constant 0 : i32
      %dma_start3A_868 = tpu.memref_slice %arg2[%dma_start3A_866, %dma_start3A_867] : memref<100001x64xf32, #tpu.memory_space<hbm>> -> memref<100001x64xf32, #tpu.memory_space<hbm>>
      tpu.enqueue_indirect_dma source(%dma_start3A_868 : memref<100001x64xf32, #tpu.memory_space<hbm>>) target(%dma_start3A_863 : memref<40x64xf32, #tpu.memory_space<vmem>>) offsets(%dma_start3A_865 : memref<40xi32, #tpu.memory_space<vmem>>) semaphore(%arg9 : memref<!tpu.dma_semaphore, #tpu.memory_space<semaphore_mem>>)
      %dma_start3A_869 = arith.constant 19 : i32
      %dma_start3A_870 = arith.constant 0 : i32
      %dma_start3A_871 = arith.constant 0 : i32
      %dma_start3A_872 = tpu.memref_slice %arg7[%dma_start3A_869, %dma_start3A_870, %dma_start3A_871] : memref<20x40x64xf32, #tpu.memory_space<vmem>> -> memref<1x40x64xf32, #tpu.memory_space<vmem>>
      %dma_start3A_873 = tpu.memref_squeeze %dma_start3A_872 : memref<1x40x64xf32, #tpu.memory_space<vmem>> -> memref<40x64xf32, #tpu.memory_space<vmem>>
      %dma_start3A_874 = arith.constant 760 : i32
      %dma_start3A_875 = tpu.memref_slice %arg5[%dma_start3A_874] : memref<800xi32, #tpu.memory_space<vmem>> -> memref<40xi32, #tpu.memory_space<vmem>>
      %dma_start3A_876 = arith.constant 0 : i32
      %dma_start3A_877 = arith.constant 0 : i32
      %dma_start3A_878 = tpu.memref_slice %arg2[%dma_start3A_876, %dma_start3A_877] : memref<100001x64xf32, #tpu.memory_space<hbm>> -> memref<100001x64xf32, #tpu.memory_space<hbm>>
      tpu.enqueue_indirect_dma source(%dma_start3A_878 : memref<100001x64xf32, #tpu.memory_space<hbm>>) target(%dma_start3A_873 : memref<40x64xf32, #tpu.memory_space<vmem>>) offsets(%dma_start3A_875 : memref<40xi32, #tpu.memory_space<vmem>>) semaphore(%arg9 : memref<!tpu.dma_semaphore, #tpu.memory_space<semaphore_mem>>)
      "tpu.region"() ({
        %run_scoped3A = tpu.sem_alloc : memref<!tpu.dma_semaphore, #tpu.memory_space<semaphore_mem>>
        %dma_start3A_2154 = arith.constant 0 : i32
        %dma_start3A_2155 = tpu.memref_slice %arg3[%add3A_32, %dma_start3A_2154] : memref<4096x800xi32, #tpu.memory_space<hbm>> -> memref<1x800xi32, #tpu.memory_space<hbm>>
        %dma_start3A_2156 = tpu.memref_squeeze %dma_start3A_2155 : memref<1x800xi32, #tpu.memory_space<hbm>> -> memref<800xi32, #tpu.memory_space<hbm>>
        %dma_start3A_2157 = arith.constant 0 : i32
        %dma_start3A_2158 = tpu.memref_slice %arg3[%add3A_32, %dma_start3A_2157] : memref<4096x800xi32, #tpu.memory_space<hbm>> -> memref<1x800xi32, #tpu.memory_space<hbm>>
        %dma_start3A_2159 = tpu.memref_squeeze %dma_start3A_2158 : memref<1x800xi32, #tpu.memory_space<hbm>> -> memref<800xi32, #tpu.memory_space<hbm>>
        tpu.enqueue_dma source(%dma_start3A_2159 : memref<800xi32, #tpu.memory_space<hbm>>) target(%arg6 : memref<800xi32, #tpu.memory_space<vmem>>) target_semaphore(%run_scoped3A : memref<!tpu.dma_semaphore, #tpu.memory_space<semaphore_mem>>)
        %dma_wait3A_2160 = arith.constant 0 : i32
        %dma_wait3A_2161 = tpu.memref_slice %arg3[%add3A_32, %dma_wait3A_2160] : memref<4096x800xi32, #tpu.memory_space<hbm>> -> memref<1x800xi32, #tpu.memory_space<hbm>>
        %dma_wait3A_2162 = tpu.memref_squeeze %dma_wait3A_2161 : memref<1x800xi32, #tpu.memory_space<hbm>> -> memref<800xi32, #tpu.memory_space<hbm>>
        %dma_wait3A_2163 = arith.constant 0 : i32
        %dma_wait3A_2164 = tpu.memref_slice %arg3[%add3A_32, %dma_wait3A_2163] : memref<4096x800xi32, #tpu.memory_space<hbm>> -> memref<1x800xi32, #tpu.memory_space<hbm>>
        %dma_wait3A_2165 = tpu.memref_squeeze %dma_wait3A_2164 : memref<1x800xi32, #tpu.memory_space<hbm>> -> memref<800xi32, #tpu.memory_space<hbm>>
        tpu.wait_dma2 semaphore(%run_scoped3A : memref<!tpu.dma_semaphore, #tpu.memory_space<semaphore_mem>>) src(%dma_wait3A_2165 : memref<800xi32, #tpu.memory_space<hbm>>) dst(%arg6 : memref<800xi32, #tpu.memory_space<vmem>>)
        tpu.yield
      }) : () -> ()
      %get3A_879 = arith.constant 0 : index
      %get3A_880 = tpu.vector_load %arg6[%get3A_879] {strides = array<i32>} : memref<800xi32, #tpu.memory_space<vmem>>, vector<16xi32>,
      %get3A_881 = vector.shape_cast %get3A_880 : vector<16xi32> to vector<16xi32>
      %gt3A_882 = arith.constant 100000 : i32
      %gt3A_883 = vector.broadcast %gt3A_882 : i32 to vector<16xi32>
      %gt3A_884 = arith.cmpi sgt, %get3A_881, %gt3A_883 : vector<16xi32>
      %jit3A_885 = arith.constant 0 : i32
      %broadcast_in_dim3A_886 = vector.broadcast %jit3A_885 : i32 to vector<16xi32>
      %select_n3A_887 = arith.select %gt3A_884, %broadcast_in_dim3A_886, %get3A_881 : vector<16xi1>, vector<16xi32>
      %swap3A_888 = arith.constant 0 : index
      %swap3A_889 = tpu.vector_load %arg6[%swap3A_888] {strides = array<i32>} : memref<800xi32, #tpu.memory_space<vmem>>, vector<16xi32>,
      %swap3A_890 = vector.shape_cast %swap3A_889 : vector<16xi32> to vector<16xi32>
      %swap3A_891 = vector.shape_cast %select_n3A_887 : vector<16xi32> to vector<16xi32>
      tpu.vector_store %arg6[%swap3A_888], %swap3A_891 {strides = array<i32>} : memref<800xi32, #tpu.memory_space<vmem>>, vector<16xi32>,
      %get3A_892 = arith.constant 16 : index
      %get3A_893 = tpu.vector_load %arg6[%get3A_892] {strides = array<i32>} : memref<800xi32, #tpu.memory_space<vmem>>, vector<16xi32>,
      %get3A_894 = vector.shape_cast %get3A_893 : vector<16xi32> to vector<16xi32>
      %gt3A_895 = arith.constant 100000 : i32
      %gt3A_896 = vector.broadcast %gt3A_895 : i32 to vector<16xi32>
      %gt3A_897 = arith.cmpi sgt, %get3A_894, %gt3A_896 : vector<16xi32>
      %jit3A_898 = arith.constant 0 : i32
      %broadcast_in_dim3A_899 = vector.broadcast %jit3A_898 : i32 to vector<16xi32>
      %select_n3A_900 = arith.select %gt3A_897, %broadcast_in_dim3A_899, %get3A_894 : vector<16xi1>, vector<16xi32>
      %swap3A_901 = arith.constant 16 : index
      %swap3A_902 = tpu.vector_load %arg6[%swap3A_901] {strides = array<i32>} : memref<800xi32, #tpu.memory_space<vmem>>, vector<16xi32>,
      %swap3A_903 = vector.shape_cast %swap3A_902 : vector<16xi32> to vector<16xi32>
      %swap3A_904 = vector.shape_cast %select_n3A_900 : vector<16xi32> to vector<16xi32>
      tpu.vector_store %arg6[%swap3A_901], %swap3A_904 {strides = array<i32>} : memref<800xi32, #tpu.memory_space<vmem>>, vector<16xi32>,
      %get3A_905 = arith.constant 32 : index
      %get3A_906 = tpu.vector_load %arg6[%get3A_905] {strides = array<i32>} : memref<800xi32, #tpu.memory_space<vmem>>, vector<16xi32>,
      %get3A_907 = vector.shape_cast %get3A_906 : vector<16xi32> to vector<16xi32>
      %gt3A_908 = arith.constant 100000 : i32
      %gt3A_909 = vector.broadcast %gt3A_908 : i32 to vector<16xi32>
      %gt3A_910 = arith.cmpi sgt, %get3A_907, %gt3A_909 : vector<16xi32>
      %jit3A_911 = arith.constant 0 : i32
      %broadcast_in_dim3A_912 = vector.broadcast %jit3A_911 : i32 to vector<16xi32>
      %select_n3A_913 = arith.select %gt3A_910, %broadcast_in_dim3A_912, %get3A_907 : vector<16xi1>, vector<16xi32>
      %swap3A_914 = arith.constant 32 : index
      %swap3A_915 = tpu.vector_load %arg6[%swap3A_914] {strides = array<i32>} : memref<800xi32, #tpu.memory_space<vmem>>, vector<16xi32>,
      %swap3A_916 = vector.shape_cast %swap3A_915 : vector<16xi32> to vector<16xi32>
      %swap3A_917 = vector.shape_cast %select_n3A_913 : vector<16xi32> to vector<16xi32>
      tpu.vector_store %arg6[%swap3A_914], %swap3A_917 {strides = array<i32>} : memref<800xi32, #tpu.memory_space<vmem>>, vector<16xi32>,
      %get3A_918 = arith.constant 48 : index
      %get3A_919 = tpu.vector_load %arg6[%get3A_918] {strides = array<i32>} : memref<800xi32, #tpu.memory_space<vmem>>, vector<16xi32>,
      %get3A_920 = vector.shape_cast %get3A_919 : vector<16xi32> to vector<16xi32>
      %gt3A_921 = arith.constant 100000 : i32
      %gt3A_922 = vector.broadcast %gt3A_921 : i32 to vector<16xi32>
      %gt3A_923 = arith.cmpi sgt, %get3A_920, %gt3A_922 : vector<16xi32>
      %jit3A_924 = arith.constant 0 : i32
      %broadcast_in_dim3A_925 = vector.broadcast %jit3A_924 : i32 to vector<16xi32>
      %select_n3A_926 = arith.select %gt3A_923, %broadcast_in_dim3A_925, %get3A_920 : vector<16xi1>, vector<16xi32>
      %swap3A_927 = arith.constant 48 : index
      %swap3A_928 = tpu.vector_load %arg6[%swap3A_927] {strides = array<i32>} : memref<800xi32, #tpu.memory_space<vmem>>, vector<16xi32>,
      %swap3A_929 = vector.shape_cast %swap3A_928 : vector<16xi32> to vector<16xi32>
      %swap3A_930 = vector.shape_cast %select_n3A_926 : vector<16xi32> to vector<16xi32>
      tpu.vector_store %arg6[%swap3A_927], %swap3A_930 {strides = array<i32>} : memref<800xi32, #tpu.memory_space<vmem>>, vector<16xi32>,
      %get3A_931 = arith.constant 64 : index
      %get3A_932 = tpu.vector_load %arg6[%get3A_931] {strides = array<i32>} : memref<800xi32, #tpu.memory_space<vmem>>, vector<16xi32>,
      %get3A_933 = vector.shape_cast %get3A_932 : vector<16xi32> to vector<16xi32>
      %gt3A_934 = arith.constant 100000 : i32
      %gt3A_935 = vector.broadcast %gt3A_934 : i32 to vector<16xi32>
      %gt3A_936 = arith.cmpi sgt, %get3A_933, %gt3A_935 : vector<16xi32>
      %jit3A_937 = arith.constant 0 : i32
      %broadcast_in_dim3A_938 = vector.broadcast %jit3A_937 : i32 to vector<16xi32>
      %select_n3A_939 = arith.select %gt3A_936, %broadcast_in_dim3A_938, %get3A_933 : vector<16xi1>, vector<16xi32>
      %swap3A_940 = arith.constant 64 : index
      %swap3A_941 = tpu.vector_load %arg6[%swap3A_940] {strides = array<i32>} : memref<800xi32, #tpu.memory_space<vmem>>, vector<16xi32>,
      %swap3A_942 = vector.shape_cast %swap3A_941 : vector<16xi32> to vector<16xi32>
      %swap3A_943 = vector.shape_cast %select_n3A_939 : vector<16xi32> to vector<16xi32>
      tpu.vector_store %arg6[%swap3A_940], %swap3A_943 {strides = array<i32>} : memref<800xi32, #tpu.memory_space<vmem>>, vector<16xi32>,
      %get3A_944 = arith.constant 80 : index
      %get3A_945 = tpu.vector_load %arg6[%get3A_944] {strides = array<i32>} : memref<800xi32, #tpu.memory_space<vmem>>, vector<16xi32>,
      %get3A_946 = vector.shape_cast %get3A_945 : vector<16xi32> to vector<16xi32>
      %gt3A_947 = arith.constant 100000 : i32
      %gt3A_948 = vector.broadcast %gt3A_947 : i32 to vector<16xi32>
      %gt3A_949 = arith.cmpi sgt, %get3A_946, %gt3A_948 : vector<16xi32>
      %jit3A_950 = arith.constant 0 : i32
      %broadcast_in_dim3A_951 = vector.broadcast %jit3A_950 : i32 to vector<16xi32>
      %select_n3A_952 = arith.select %gt3A_949, %broadcast_in_dim3A_951, %get3A_946 : vector<16xi1>, vector<16xi32>
      %swap3A_953 = arith.constant 80 : index
      %swap3A_954 = tpu.vector_load %arg6[%swap3A_953] {strides = array<i32>} : memref<800xi32, #tpu.memory_space<vmem>>, vector<16xi32>,
      %swap3A_955 = vector.shape_cast %swap3A_954 : vector<16xi32> to vector<16xi32>
      %swap3A_956 = vector.shape_cast %select_n3A_952 : vector<16xi32> to vector<16xi32>
      tpu.vector_store %arg6[%swap3A_953], %swap3A_956 {strides = array<i32>} : memref<800xi32, #tpu.memory_space<vmem>>, vector<16xi32>,
      %get3A_957 = arith.constant 96 : index
      %get3A_958 = tpu.vector_load %arg6[%get3A_957] {strides = array<i32>} : memref<800xi32, #tpu.memory_space<vmem>>, vector<16xi32>,
      %get3A_959 = vector.shape_cast %get3A_958 : vector<16xi32> to vector<16xi32>
      %gt3A_960 = arith.constant 100000 : i32
      %gt3A_961 = vector.broadcast %gt3A_960 : i32 to vector<16xi32>
      %gt3A_962 = arith.cmpi sgt, %get3A_959, %gt3A_961 : vector<16xi32>
      %jit3A_963 = arith.constant 0 : i32
      %broadcast_in_dim3A_964 = vector.broadcast %jit3A_963 : i32 to vector<16xi32>
      %select_n3A_965 = arith.select %gt3A_962, %broadcast_in_dim3A_964, %get3A_959 : vector<16xi1>, vector<16xi32>
      %swap3A_966 = arith.constant 96 : index
      %swap3A_967 = tpu.vector_load %arg6[%swap3A_966] {strides = array<i32>} : memref<800xi32, #tpu.memory_space<vmem>>, vector<16xi32>,
      %swap3A_968 = vector.shape_cast %swap3A_967 : vector<16xi32> to vector<16xi32>
      %swap3A_969 = vector.shape_cast %select_n3A_965 : vector<16xi32> to vector<16xi32>
      tpu.vector_store %arg6[%swap3A_966], %swap3A_969 {strides = array<i32>} : memref<800xi32, #tpu.memory_space<vmem>>, vector<16xi32>,
      %get3A_970 = arith.constant 112 : index
      %get3A_971 = tpu.vector_load %arg6[%get3A_970] {strides = array<i32>} : memref<800xi32, #tpu.memory_space<vmem>>, vector<16xi32>,
      %get3A_972 = vector.shape_cast %get3A_971 : vector<16xi32> to vector<16xi32>
      %gt3A_973 = arith.constant 100000 : i32
      %gt3A_974 = vector.broadcast %gt3A_973 : i32 to vector<16xi32>
      %gt3A_975 = arith.cmpi sgt, %get3A_972, %gt3A_974 : vector<16xi32>
      %jit3A_976 = arith.constant 0 : i32
      %broadcast_in_dim3A_977 = vector.broadcast %jit3A_976 : i32 to vector<16xi32>
      %select_n3A_978 = arith.select %gt3A_975, %broadcast_in_dim3A_977, %get3A_972 : vector<16xi1>, vector<16xi32>
      %swap3A_979 = arith.constant 112 : index
      %swap3A_980 = tpu.vector_load %arg6[%swap3A_979] {strides = array<i32>} : memref<800xi32, #tpu.memory_space<vmem>>, vector<16xi32>,
      %swap3A_981 = vector.shape_cast %swap3A_980 : vector<16xi32> to vector<16xi32>
      %swap3A_982 = vector.shape_cast %select_n3A_978 : vector<16xi32> to vector<16xi32>
      tpu.vector_store %arg6[%swap3A_979], %swap3A_982 {strides = array<i32>} : memref<800xi32, #tpu.memory_space<vmem>>, vector<16xi32>,
      %get3A_983 = arith.constant 128 : index
      %get3A_984 = tpu.vector_load %arg6[%get3A_983] {strides = array<i32>} : memref<800xi32, #tpu.memory_space<vmem>>, vector<16xi32>,
      %get3A_985 = vector.shape_cast %get3A_984 : vector<16xi32> to vector<16xi32>
      %gt3A_986 = arith.constant 100000 : i32
      %gt3A_987 = vector.broadcast %gt3A_986 : i32 to vector<16xi32>
      %gt3A_988 = arith.cmpi sgt, %get3A_985, %gt3A_987 : vector<16xi32>
      %jit3A_989 = arith.constant 0 : i32
      %broadcast_in_dim3A_990 = vector.broadcast %jit3A_989 : i32 to vector<16xi32>
      %select_n3A_991 = arith.select %gt3A_988, %broadcast_in_dim3A_990, %get3A_985 : vector<16xi1>, vector<16xi32>
      %swap3A_992 = arith.constant 128 : index
      %swap3A_993 = tpu.vector_load %arg6[%swap3A_992] {strides = array<i32>} : memref<800xi32, #tpu.memory_space<vmem>>, vector<16xi32>,
      %swap3A_994 = vector.shape_cast %swap3A_993 : vector<16xi32> to vector<16xi32>
      %swap3A_995 = vector.shape_cast %select_n3A_991 : vector<16xi32> to vector<16xi32>
      tpu.vector_store %arg6[%swap3A_992], %swap3A_995 {strides = array<i32>} : memref<800xi32, #tpu.memory_space<vmem>>, vector<16xi32>,
      %get3A_996 = arith.constant 144 : index
      %get3A_997 = tpu.vector_load %arg6[%get3A_996] {strides = array<i32>} : memref<800xi32, #tpu.memory_space<vmem>>, vector<16xi32>,
      %get3A_998 = vector.shape_cast %get3A_997 : vector<16xi32> to vector<16xi32>
      %gt3A_999 = arith.constant 100000 : i32
      %gt3A_1000 = vector.broadcast %gt3A_999 : i32 to vector<16xi32>
      %gt3A_1001 = arith.cmpi sgt, %get3A_998, %gt3A_1000 : vector<16xi32>
      %jit3A_1002 = arith.constant 0 : i32
      %broadcast_in_dim3A_1003 = vector.broadcast %jit3A_1002 : i32 to vector<16xi32>
      %select_n3A_1004 = arith.select %gt3A_1001, %broadcast_in_dim3A_1003, %get3A_998 : vector<16xi1>, vector<16xi32>
      %swap3A_1005 = arith.constant 144 : index
      %swap3A_1006 = tpu.vector_load %arg6[%swap3A_1005] {strides = array<i32>} : memref<800xi32, #tpu.memory_space<vmem>>, vector<16xi32>,
      %swap3A_1007 = vector.shape_cast %swap3A_1006 : vector<16xi32> to vector<16xi32>
      %swap3A_1008 = vector.shape_cast %select_n3A_1004 : vector<16xi32> to vector<16xi32>
      tpu.vector_store %arg6[%swap3A_1005], %swap3A_1008 {strides = array<i32>} : memref<800xi32, #tpu.memory_space<vmem>>, vector<16xi32>,
      %get3A_1009 = arith.constant 160 : index
      %get3A_1010 = tpu.vector_load %arg6[%get3A_1009] {strides = array<i32>} : memref<800xi32, #tpu.memory_space<vmem>>, vector<16xi32>,
      %get3A_1011 = vector.shape_cast %get3A_1010 : vector<16xi32> to vector<16xi32>
      %gt3A_1012 = arith.constant 100000 : i32
      %gt3A_1013 = vector.broadcast %gt3A_1012 : i32 to vector<16xi32>
      %gt3A_1014 = arith.cmpi sgt, %get3A_1011, %gt3A_1013 : vector<16xi32>
      %jit3A_1015 = arith.constant 0 : i32
      %broadcast_in_dim3A_1016 = vector.broadcast %jit3A_1015 : i32 to vector<16xi32>
      %select_n3A_1017 = arith.select %gt3A_1014, %broadcast_in_dim3A_1016, %get3A_1011 : vector<16xi1>, vector<16xi32>
      %swap3A_1018 = arith.constant 160 : index
      %swap3A_1019 = tpu.vector_load %arg6[%swap3A_1018] {strides = array<i32>} : memref<800xi32, #tpu.memory_space<vmem>>, vector<16xi32>,
      %swap3A_1020 = vector.shape_cast %swap3A_1019 : vector<16xi32> to vector<16xi32>
      %swap3A_1021 = vector.shape_cast %select_n3A_1017 : vector<16xi32> to vector<16xi32>
      tpu.vector_store %arg6[%swap3A_1018], %swap3A_1021 {strides = array<i32>} : memref<800xi32, #tpu.memory_space<vmem>>, vector<16xi32>,
      %get3A_1022 = arith.constant 176 : index
      %get3A_1023 = tpu.vector_load %arg6[%get3A_1022] {strides = array<i32>} : memref<800xi32, #tpu.memory_space<vmem>>, vector<16xi32>,
      %get3A_1024 = vector.shape_cast %get3A_1023 : vector<16xi32> to vector<16xi32>
      %gt3A_1025 = arith.constant 100000 : i32
      %gt3A_1026 = vector.broadcast %gt3A_1025 : i32 to vector<16xi32>
      %gt3A_1027 = arith.cmpi sgt, %get3A_1024, %gt3A_1026 : vector<16xi32>
      %jit3A_1028 = arith.constant 0 : i32
      %broadcast_in_dim3A_1029 = vector.broadcast %jit3A_1028 : i32 to vector<16xi32>
      %select_n3A_1030 = arith.select %gt3A_1027, %broadcast_in_dim3A_1029, %get3A_1024 : vector<16xi1>, vector<16xi32>
      %swap3A_1031 = arith.constant 176 : index
      %swap3A_1032 = tpu.vector_load %arg6[%swap3A_1031] {strides = array<i32>} : memref<800xi32, #tpu.memory_space<vmem>>, vector<16xi32>,
      %swap3A_1033 = vector.shape_cast %swap3A_1032 : vector<16xi32> to vector<16xi32>
      %swap3A_1034 = vector.shape_cast %select_n3A_1030 : vector<16xi32> to vector<16xi32>
      tpu.vector_store %arg6[%swap3A_1031], %swap3A_1034 {strides = array<i32>} : memref<800xi32, #tpu.memory_space<vmem>>, vector<16xi32>,
      %get3A_1035 = arith.constant 192 : index
      %get3A_1036 = tpu.vector_load %arg6[%get3A_1035] {strides = array<i32>} : memref<800xi32, #tpu.memory_space<vmem>>, vector<16xi32>,
      %get3A_1037 = vector.shape_cast %get3A_1036 : vector<16xi32> to vector<16xi32>
      %gt3A_1038 = arith.constant 100000 : i32
      %gt3A_1039 = vector.broadcast %gt3A_1038 : i32 to vector<16xi32>
      %gt3A_1040 = arith.cmpi sgt, %get3A_1037, %gt3A_1039 : vector<16xi32>
      %jit3A_1041 = arith.constant 0 : i32
      %broadcast_in_dim3A_1042 = vector.broadcast %jit3A_1041 : i32 to vector<16xi32>
      %select_n3A_1043 = arith.select %gt3A_1040, %broadcast_in_dim3A_1042, %get3A_1037 : vector<16xi1>, vector<16xi32>
      %swap3A_1044 = arith.constant 192 : index
      %swap3A_1045 = tpu.vector_load %arg6[%swap3A_1044] {strides = array<i32>} : memref<800xi32, #tpu.memory_space<vmem>>, vector<16xi32>,
      %swap3A_1046 = vector.shape_cast %swap3A_1045 : vector<16xi32> to vector<16xi32>
      %swap3A_1047 = vector.shape_cast %select_n3A_1043 : vector<16xi32> to vector<16xi32>
      tpu.vector_store %arg6[%swap3A_1044], %swap3A_1047 {strides = array<i32>} : memref<800xi32, #tpu.memory_space<vmem>>, vector<16xi32>,
      %get3A_1048 = arith.constant 208 : index
      %get3A_1049 = tpu.vector_load %arg6[%get3A_1048] {strides = array<i32>} : memref<800xi32, #tpu.memory_space<vmem>>, vector<16xi32>,
      %get3A_1050 = vector.shape_cast %get3A_1049 : vector<16xi32> to vector<16xi32>
      %gt3A_1051 = arith.constant 100000 : i32
      %gt3A_1052 = vector.broadcast %gt3A_1051 : i32 to vector<16xi32>
      %gt3A_1053 = arith.cmpi sgt, %get3A_1050, %gt3A_1052 : vector<16xi32>
      %jit3A_1054 = arith.constant 0 : i32
      %broadcast_in_dim3A_1055 = vector.broadcast %jit3A_1054 : i32 to vector<16xi32>
      %select_n3A_1056 = arith.select %gt3A_1053, %broadcast_in_dim3A_1055, %get3A_1050 : vector<16xi1>, vector<16xi32>
      %swap3A_1057 = arith.constant 208 : index
      %swap3A_1058 = tpu.vector_load %arg6[%swap3A_1057] {strides = array<i32>} : memref<800xi32, #tpu.memory_space<vmem>>, vector<16xi32>,
      %swap3A_1059 = vector.shape_cast %swap3A_1058 : vector<16xi32> to vector<16xi32>
      %swap3A_1060 = vector.shape_cast %select_n3A_1056 : vector<16xi32> to vector<16xi32>
      tpu.vector_store %arg6[%swap3A_1057], %swap3A_1060 {strides = array<i32>} : memref<800xi32, #tpu.memory_space<vmem>>, vector<16xi32>,
      %get3A_1061 = arith.constant 224 : index
      %get3A_1062 = tpu.vector_load %arg6[%get3A_1061] {strides = array<i32>} : memref<800xi32, #tpu.memory_space<vmem>>, vector<16xi32>,
      %get3A_1063 = vector.shape_cast %get3A_1062 : vector<16xi32> to vector<16xi32>
      %gt3A_1064 = arith.constant 100000 : i32
      %gt3A_1065 = vector.broadcast %gt3A_1064 : i32 to vector<16xi32>
      %gt3A_1066 = arith.cmpi sgt, %get3A_1063, %gt3A_1065 : vector<16xi32>
      %jit3A_1067 = arith.constant 0 : i32
      %broadcast_in_dim3A_1068 = vector.broadcast %jit3A_1067 : i32 to vector<16xi32>
      %select_n3A_1069 = arith.select %gt3A_1066, %broadcast_in_dim3A_1068, %get3A_1063 : vector<16xi1>, vector<16xi32>
      %swap3A_1070 = arith.constant 224 : index
      %swap3A_1071 = tpu.vector_load %arg6[%swap3A_1070] {strides = array<i32>} : memref<800xi32, #tpu.memory_space<vmem>>, vector<16xi32>,
      %swap3A_1072 = vector.shape_cast %swap3A_1071 : vector<16xi32> to vector<16xi32>
      %swap3A_1073 = vector.shape_cast %select_n3A_1069 : vector<16xi32> to vector<16xi32>
      tpu.vector_store %arg6[%swap3A_1070], %swap3A_1073 {strides = array<i32>} : memref<800xi32, #tpu.memory_space<vmem>>, vector<16xi32>,
      %get3A_1074 = arith.constant 240 : index
      %get3A_1075 = tpu.vector_load %arg6[%get3A_1074] {strides = array<i32>} : memref<800xi32, #tpu.memory_space<vmem>>, vector<16xi32>,
      %get3A_1076 = vector.shape_cast %get3A_1075 : vector<16xi32> to vector<16xi32>
      %gt3A_1077 = arith.constant 100000 : i32
      %gt3A_1078 = vector.broadcast %gt3A_1077 : i32 to vector<16xi32>
      %gt3A_1079 = arith.cmpi sgt, %get3A_1076, %gt3A_1078 : vector<16xi32>
      %jit3A_1080 = arith.constant 0 : i32
      %broadcast_in_dim3A_1081 = vector.broadcast %jit3A_1080 : i32 to vector<16xi32>
      %select_n3A_1082 = arith.select %gt3A_1079, %broadcast_in_dim3A_1081, %get3A_1076 : vector<16xi1>, vector<16xi32>
      %swap3A_1083 = arith.constant 240 : index
      %swap3A_1084 = tpu.vector_load %arg6[%swap3A_1083] {strides = array<i32>} : memref<800xi32, #tpu.memory_space<vmem>>, vector<16xi32>,
      %swap3A_1085 = vector.shape_cast %swap3A_1084 : vector<16xi32> to vector<16xi32>
      %swap3A_1086 = vector.shape_cast %select_n3A_1082 : vector<16xi32> to vector<16xi32>
      tpu.vector_store %arg6[%swap3A_1083], %swap3A_1086 {strides = array<i32>} : memref<800xi32, #tpu.memory_space<vmem>>, vector<16xi32>,
      %get3A_1087 = arith.constant 256 : index
      %get3A_1088 = tpu.vector_load %arg6[%get3A_1087] {strides = array<i32>} : memref<800xi32, #tpu.memory_space<vmem>>, vector<16xi32>,
      %get3A_1089 = vector.shape_cast %get3A_1088 : vector<16xi32> to vector<16xi32>
      %gt3A_1090 = arith.constant 100000 : i32
      %gt3A_1091 = vector.broadcast %gt3A_1090 : i32 to vector<16xi32>
      %gt3A_1092 = arith.cmpi sgt, %get3A_1089, %gt3A_1091 : vector<16xi32>
      %jit3A_1093 = arith.constant 0 : i32
      %broadcast_in_dim3A_1094 = vector.broadcast %jit3A_1093 : i32 to vector<16xi32>
      %select_n3A_1095 = arith.select %gt3A_1092, %broadcast_in_dim3A_1094, %get3A_1089 : vector<16xi1>, vector<16xi32>
      %swap3A_1096 = arith.constant 256 : index
      %swap3A_1097 = tpu.vector_load %arg6[%swap3A_1096] {strides = array<i32>} : memref<800xi32, #tpu.memory_space<vmem>>, vector<16xi32>,
      %swap3A_1098 = vector.shape_cast %swap3A_1097 : vector<16xi32> to vector<16xi32>
      %swap3A_1099 = vector.shape_cast %select_n3A_1095 : vector<16xi32> to vector<16xi32>
      tpu.vector_store %arg6[%swap3A_1096], %swap3A_1099 {strides = array<i32>} : memref<800xi32, #tpu.memory_space<vmem>>, vector<16xi32>,
      %get3A_1100 = arith.constant 272 : index
      %get3A_1101 = tpu.vector_load %arg6[%get3A_1100] {strides = array<i32>} : memref<800xi32, #tpu.memory_space<vmem>>, vector<16xi32>,
      %get3A_1102 = vector.shape_cast %get3A_1101 : vector<16xi32> to vector<16xi32>
      %gt3A_1103 = arith.constant 100000 : i32
      %gt3A_1104 = vector.broadcast %gt3A_1103 : i32 to vector<16xi32>
      %gt3A_1105 = arith.cmpi sgt, %get3A_1102, %gt3A_1104 : vector<16xi32>
      %jit3A_1106 = arith.constant 0 : i32
      %broadcast_in_dim3A_1107 = vector.broadcast %jit3A_1106 : i32 to vector<16xi32>
      %select_n3A_1108 = arith.select %gt3A_1105, %broadcast_in_dim3A_1107, %get3A_1102 : vector<16xi1>, vector<16xi32>
      %swap3A_1109 = arith.constant 272 : index
      %swap3A_1110 = tpu.vector_load %arg6[%swap3A_1109] {strides = array<i32>} : memref<800xi32, #tpu.memory_space<vmem>>, vector<16xi32>,
      %swap3A_1111 = vector.shape_cast %swap3A_1110 : vector<16xi32> to vector<16xi32>
      %swap3A_1112 = vector.shape_cast %select_n3A_1108 : vector<16xi32> to vector<16xi32>
      tpu.vector_store %arg6[%swap3A_1109], %swap3A_1112 {strides = array<i32>} : memref<800xi32, #tpu.memory_space<vmem>>, vector<16xi32>,
      %get3A_1113 = arith.constant 288 : index
      %get3A_1114 = tpu.vector_load %arg6[%get3A_1113] {strides = array<i32>} : memref<800xi32, #tpu.memory_space<vmem>>, vector<16xi32>,
      %get3A_1115 = vector.shape_cast %get3A_1114 : vector<16xi32> to vector<16xi32>
      %gt3A_1116 = arith.constant 100000 : i32
      %gt3A_1117 = vector.broadcast %gt3A_1116 : i32 to vector<16xi32>
      %gt3A_1118 = arith.cmpi sgt, %get3A_1115, %gt3A_1117 : vector<16xi32>
      %jit3A_1119 = arith.constant 0 : i32
      %broadcast_in_dim3A_1120 = vector.broadcast %jit3A_1119 : i32 to vector<16xi32>
      %select_n3A_1121 = arith.select %gt3A_1118, %broadcast_in_dim3A_1120, %get3A_1115 : vector<16xi1>, vector<16xi32>
      %swap3A_1122 = arith.constant 288 : index
      %swap3A_1123 = tpu.vector_load %arg6[%swap3A_1122] {strides = array<i32>} : memref<800xi32, #tpu.memory_space<vmem>>, vector<16xi32>,
      %swap3A_1124 = vector.shape_cast %swap3A_1123 : vector<16xi32> to vector<16xi32>
      %swap3A_1125 = vector.shape_cast %select_n3A_1121 : vector<16xi32> to vector<16xi32>
      tpu.vector_store %arg6[%swap3A_1122], %swap3A_1125 {strides = array<i32>} : memref<800xi32, #tpu.memory_space<vmem>>, vector<16xi32>,
      %get3A_1126 = arith.constant 304 : index
      %get3A_1127 = tpu.vector_load %arg6[%get3A_1126] {strides = array<i32>} : memref<800xi32, #tpu.memory_space<vmem>>, vector<16xi32>,
      %get3A_1128 = vector.shape_cast %get3A_1127 : vector<16xi32> to vector<16xi32>
      %gt3A_1129 = arith.constant 100000 : i32
      %gt3A_1130 = vector.broadcast %gt3A_1129 : i32 to vector<16xi32>
      %gt3A_1131 = arith.cmpi sgt, %get3A_1128, %gt3A_1130 : vector<16xi32>
      %jit3A_1132 = arith.constant 0 : i32
      %broadcast_in_dim3A_1133 = vector.broadcast %jit3A_1132 : i32 to vector<16xi32>
      %select_n3A_1134 = arith.select %gt3A_1131, %broadcast_in_dim3A_1133, %get3A_1128 : vector<16xi1>, vector<16xi32>
      %swap3A_1135 = arith.constant 304 : index
      %swap3A_1136 = tpu.vector_load %arg6[%swap3A_1135] {strides = array<i32>} : memref<800xi32, #tpu.memory_space<vmem>>, vector<16xi32>,
      %swap3A_1137 = vector.shape_cast %swap3A_1136 : vector<16xi32> to vector<16xi32>
      %swap3A_1138 = vector.shape_cast %select_n3A_1134 : vector<16xi32> to vector<16xi32>
      tpu.vector_store %arg6[%swap3A_1135], %swap3A_1138 {strides = array<i32>} : memref<800xi32, #tpu.memory_space<vmem>>, vector<16xi32>,
      %get3A_1139 = arith.constant 320 : index
      %get3A_1140 = tpu.vector_load %arg6[%get3A_1139] {strides = array<i32>} : memref<800xi32, #tpu.memory_space<vmem>>, vector<16xi32>,
      %get3A_1141 = vector.shape_cast %get3A_1140 : vector<16xi32> to vector<16xi32>
      %gt3A_1142 = arith.constant 100000 : i32
      %gt3A_1143 = vector.broadcast %gt3A_1142 : i32 to vector<16xi32>
      %gt3A_1144 = arith.cmpi sgt, %get3A_1141, %gt3A_1143 : vector<16xi32>
      %jit3A_1145 = arith.constant 0 : i32
      %broadcast_in_dim3A_1146 = vector.broadcast %jit3A_1145 : i32 to vector<16xi32>
      %select_n3A_1147 = arith.select %gt3A_1144, %broadcast_in_dim3A_1146, %get3A_1141 : vector<16xi1>, vector<16xi32>
      %swap3A_1148 = arith.constant 320 : index
      %swap3A_1149 = tpu.vector_load %arg6[%swap3A_1148] {strides = array<i32>} : memref<800xi32, #tpu.memory_space<vmem>>, vector<16xi32>,
      %swap3A_1150 = vector.shape_cast %swap3A_1149 : vector<16xi32> to vector<16xi32>
      %swap3A_1151 = vector.shape_cast %select_n3A_1147 : vector<16xi32> to vector<16xi32>
      tpu.vector_store %arg6[%swap3A_1148], %swap3A_1151 {strides = array<i32>} : memref<800xi32, #tpu.memory_space<vmem>>, vector<16xi32>,
      %get3A_1152 = arith.constant 336 : index
      %get3A_1153 = tpu.vector_load %arg6[%get3A_1152] {strides = array<i32>} : memref<800xi32, #tpu.memory_space<vmem>>, vector<16xi32>,
      %get3A_1154 = vector.shape_cast %get3A_1153 : vector<16xi32> to vector<16xi32>
      %gt3A_1155 = arith.constant 100000 : i32
      %gt3A_1156 = vector.broadcast %gt3A_1155 : i32 to vector<16xi32>
      %gt3A_1157 = arith.cmpi sgt, %get3A_1154, %gt3A_1156 : vector<16xi32>
      %jit3A_1158 = arith.constant 0 : i32
      %broadcast_in_dim3A_1159 = vector.broadcast %jit3A_1158 : i32 to vector<16xi32>
      %select_n3A_1160 = arith.select %gt3A_1157, %broadcast_in_dim3A_1159, %get3A_1154 : vector<16xi1>, vector<16xi32>
      %swap3A_1161 = arith.constant 336 : index
      %swap3A_1162 = tpu.vector_load %arg6[%swap3A_1161] {strides = array<i32>} : memref<800xi32, #tpu.memory_space<vmem>>, vector<16xi32>,
      %swap3A_1163 = vector.shape_cast %swap3A_1162 : vector<16xi32> to vector<16xi32>
      %swap3A_1164 = vector.shape_cast %select_n3A_1160 : vector<16xi32> to vector<16xi32>
      tpu.vector_store %arg6[%swap3A_1161], %swap3A_1164 {strides = array<i32>} : memref<800xi32, #tpu.memory_space<vmem>>, vector<16xi32>,
      %get3A_1165 = arith.constant 352 : index
      %get3A_1166 = tpu.vector_load %arg6[%get3A_1165] {strides = array<i32>} : memref<800xi32, #tpu.memory_space<vmem>>, vector<16xi32>,
      %get3A_1167 = vector.shape_cast %get3A_1166 : vector<16xi32> to vector<16xi32>
      %gt3A_1168 = arith.constant 100000 : i32
      %gt3A_1169 = vector.broadcast %gt3A_1168 : i32 to vector<16xi32>
      %gt3A_1170 = arith.cmpi sgt, %get3A_1167, %gt3A_1169 : vector<16xi32>
      %jit3A_1171 = arith.constant 0 : i32
      %broadcast_in_dim3A_1172 = vector.broadcast %jit3A_1171 : i32 to vector<16xi32>
      %select_n3A_1173 = arith.select %gt3A_1170, %broadcast_in_dim3A_1172, %get3A_1167 : vector<16xi1>, vector<16xi32>
      %swap3A_1174 = arith.constant 352 : index
      %swap3A_1175 = tpu.vector_load %arg6[%swap3A_1174] {strides = array<i32>} : memref<800xi32, #tpu.memory_space<vmem>>, vector<16xi32>,
      %swap3A_1176 = vector.shape_cast %swap3A_1175 : vector<16xi32> to vector<16xi32>
      %swap3A_1177 = vector.shape_cast %select_n3A_1173 : vector<16xi32> to vector<16xi32>
      tpu.vector_store %arg6[%swap3A_1174], %swap3A_1177 {strides = array<i32>} : memref<800xi32, #tpu.memory_space<vmem>>, vector<16xi32>,
      %get3A_1178 = arith.constant 368 : index
      %get3A_1179 = tpu.vector_load %arg6[%get3A_1178] {strides = array<i32>} : memref<800xi32, #tpu.memory_space<vmem>>, vector<16xi32>,
      %get3A_1180 = vector.shape_cast %get3A_1179 : vector<16xi32> to vector<16xi32>
      %gt3A_1181 = arith.constant 100000 : i32
      %gt3A_1182 = vector.broadcast %gt3A_1181 : i32 to vector<16xi32>
      %gt3A_1183 = arith.cmpi sgt, %get3A_1180, %gt3A_1182 : vector<16xi32>
      %jit3A_1184 = arith.constant 0 : i32
      %broadcast_in_dim3A_1185 = vector.broadcast %jit3A_1184 : i32 to vector<16xi32>
      %select_n3A_1186 = arith.select %gt3A_1183, %broadcast_in_dim3A_1185, %get3A_1180 : vector<16xi1>, vector<16xi32>
      %swap3A_1187 = arith.constant 368 : index
      %swap3A_1188 = tpu.vector_load %arg6[%swap3A_1187] {strides = array<i32>} : memref<800xi32, #tpu.memory_space<vmem>>, vector<16xi32>,
      %swap3A_1189 = vector.shape_cast %swap3A_1188 : vector<16xi32> to vector<16xi32>
      %swap3A_1190 = vector.shape_cast %select_n3A_1186 : vector<16xi32> to vector<16xi32>
      tpu.vector_store %arg6[%swap3A_1187], %swap3A_1190 {strides = array<i32>} : memref<800xi32, #tpu.memory_space<vmem>>, vector<16xi32>,
      %get3A_1191 = arith.constant 384 : index
      %get3A_1192 = tpu.vector_load %arg6[%get3A_1191] {strides = array<i32>} : memref<800xi32, #tpu.memory_space<vmem>>, vector<16xi32>,
      %get3A_1193 = vector.shape_cast %get3A_1192 : vector<16xi32> to vector<16xi32>
      %gt3A_1194 = arith.constant 100000 : i32
      %gt3A_1195 = vector.broadcast %gt3A_1194 : i32 to vector<16xi32>
      %gt3A_1196 = arith.cmpi sgt, %get3A_1193, %gt3A_1195 : vector<16xi32>
      %jit3A_1197 = arith.constant 0 : i32
      %broadcast_in_dim3A_1198 = vector.broadcast %jit3A_1197 : i32 to vector<16xi32>
      %select_n3A_1199 = arith.select %gt3A_1196, %broadcast_in_dim3A_1198, %get3A_1193 : vector<16xi1>, vector<16xi32>
      %swap3A_1200 = arith.constant 384 : index
      %swap3A_1201 = tpu.vector_load %arg6[%swap3A_1200] {strides = array<i32>} : memref<800xi32, #tpu.memory_space<vmem>>, vector<16xi32>,
      %swap3A_1202 = vector.shape_cast %swap3A_1201 : vector<16xi32> to vector<16xi32>
      %swap3A_1203 = vector.shape_cast %select_n3A_1199 : vector<16xi32> to vector<16xi32>
      tpu.vector_store %arg6[%swap3A_1200], %swap3A_1203 {strides = array<i32>} : memref<800xi32, #tpu.memory_space<vmem>>, vector<16xi32>,
      %get3A_1204 = arith.constant 400 : index
      %get3A_1205 = tpu.vector_load %arg6[%get3A_1204] {strides = array<i32>} : memref<800xi32, #tpu.memory_space<vmem>>, vector<16xi32>,
      %get3A_1206 = vector.shape_cast %get3A_1205 : vector<16xi32> to vector<16xi32>
      %gt3A_1207 = arith.constant 100000 : i32
      %gt3A_1208 = vector.broadcast %gt3A_1207 : i32 to vector<16xi32>
      %gt3A_1209 = arith.cmpi sgt, %get3A_1206, %gt3A_1208 : vector<16xi32>
      %jit3A_1210 = arith.constant 0 : i32
      %broadcast_in_dim3A_1211 = vector.broadcast %jit3A_1210 : i32 to vector<16xi32>
      %select_n3A_1212 = arith.select %gt3A_1209, %broadcast_in_dim3A_1211, %get3A_1206 : vector<16xi1>, vector<16xi32>
      %swap3A_1213 = arith.constant 400 : index
      %swap3A_1214 = tpu.vector_load %arg6[%swap3A_1213] {strides = array<i32>} : memref<800xi32, #tpu.memory_space<vmem>>, vector<16xi32>,
      %swap3A_1215 = vector.shape_cast %swap3A_1214 : vector<16xi32> to vector<16xi32>
      %swap3A_1216 = vector.shape_cast %select_n3A_1212 : vector<16xi32> to vector<16xi32>
      tpu.vector_store %arg6[%swap3A_1213], %swap3A_1216 {strides = array<i32>} : memref<800xi32, #tpu.memory_space<vmem>>, vector<16xi32>,
      %get3A_1217 = arith.constant 416 : index
      %get3A_1218 = tpu.vector_load %arg6[%get3A_1217] {strides = array<i32>} : memref<800xi32, #tpu.memory_space<vmem>>, vector<16xi32>,
      %get3A_1219 = vector.shape_cast %get3A_1218 : vector<16xi32> to vector<16xi32>
      %gt3A_1220 = arith.constant 100000 : i32
      %gt3A_1221 = vector.broadcast %gt3A_1220 : i32 to vector<16xi32>
      %gt3A_1222 = arith.cmpi sgt, %get3A_1219, %gt3A_1221 : vector<16xi32>
      %jit3A_1223 = arith.constant 0 : i32
      %broadcast_in_dim3A_1224 = vector.broadcast %jit3A_1223 : i32 to vector<16xi32>
      %select_n3A_1225 = arith.select %gt3A_1222, %broadcast_in_dim3A_1224, %get3A_1219 : vector<16xi1>, vector<16xi32>
      %swap3A_1226 = arith.constant 416 : index
      %swap3A_1227 = tpu.vector_load %arg6[%swap3A_1226] {strides = array<i32>} : memref<800xi32, #tpu.memory_space<vmem>>, vector<16xi32>,
      %swap3A_1228 = vector.shape_cast %swap3A_1227 : vector<16xi32> to vector<16xi32>
      %swap3A_1229 = vector.shape_cast %select_n3A_1225 : vector<16xi32> to vector<16xi32>
      tpu.vector_store %arg6[%swap3A_1226], %swap3A_1229 {strides = array<i32>} : memref<800xi32, #tpu.memory_space<vmem>>, vector<16xi32>,
      %get3A_1230 = arith.constant 432 : index
      %get3A_1231 = tpu.vector_load %arg6[%get3A_1230] {strides = array<i32>} : memref<800xi32, #tpu.memory_space<vmem>>, vector<16xi32>,
      %get3A_1232 = vector.shape_cast %get3A_1231 : vector<16xi32> to vector<16xi32>
      %gt3A_1233 = arith.constant 100000 : i32
      %gt3A_1234 = vector.broadcast %gt3A_1233 : i32 to vector<16xi32>
      %gt3A_1235 = arith.cmpi sgt, %get3A_1232, %gt3A_1234 : vector<16xi32>
      %jit3A_1236 = arith.constant 0 : i32
      %broadcast_in_dim3A_1237 = vector.broadcast %jit3A_1236 : i32 to vector<16xi32>
      %select_n3A_1238 = arith.select %gt3A_1235, %broadcast_in_dim3A_1237, %get3A_1232 : vector<16xi1>, vector<16xi32>
      %swap3A_1239 = arith.constant 432 : index
      %swap3A_1240 = tpu.vector_load %arg6[%swap3A_1239] {strides = array<i32>} : memref<800xi32, #tpu.memory_space<vmem>>, vector<16xi32>,
      %swap3A_1241 = vector.shape_cast %swap3A_1240 : vector<16xi32> to vector<16xi32>
      %swap3A_1242 = vector.shape_cast %select_n3A_1238 : vector<16xi32> to vector<16xi32>
      tpu.vector_store %arg6[%swap3A_1239], %swap3A_1242 {strides = array<i32>} : memref<800xi32, #tpu.memory_space<vmem>>, vector<16xi32>,
      %get3A_1243 = arith.constant 448 : index
      %get3A_1244 = tpu.vector_load %arg6[%get3A_1243] {strides = array<i32>} : memref<800xi32, #tpu.memory_space<vmem>>, vector<16xi32>,
      %get3A_1245 = vector.shape_cast %get3A_1244 : vector<16xi32> to vector<16xi32>
      %gt3A_1246 = arith.constant 100000 : i32
      %gt3A_1247 = vector.broadcast %gt3A_1246 : i32 to vector<16xi32>
      %gt3A_1248 = arith.cmpi sgt, %get3A_1245, %gt3A_1247 : vector<16xi32>
      %jit3A_1249 = arith.constant 0 : i32
      %broadcast_in_dim3A_1250 = vector.broadcast %jit3A_1249 : i32 to vector<16xi32>
      %select_n3A_1251 = arith.select %gt3A_1248, %broadcast_in_dim3A_1250, %get3A_1245 : vector<16xi1>, vector<16xi32>
      %swap3A_1252 = arith.constant 448 : index
      %swap3A_1253 = tpu.vector_load %arg6[%swap3A_1252] {strides = array<i32>} : memref<800xi32, #tpu.memory_space<vmem>>, vector<16xi32>,
      %swap3A_1254 = vector.shape_cast %swap3A_1253 : vector<16xi32> to vector<16xi32>
      %swap3A_1255 = vector.shape_cast %select_n3A_1251 : vector<16xi32> to vector<16xi32>
      tpu.vector_store %arg6[%swap3A_1252], %swap3A_1255 {strides = array<i32>} : memref<800xi32, #tpu.memory_space<vmem>>, vector<16xi32>,
      %get3A_1256 = arith.constant 464 : index
      %get3A_1257 = tpu.vector_load %arg6[%get3A_1256] {strides = array<i32>} : memref<800xi32, #tpu.memory_space<vmem>>, vector<16xi32>,
      %get3A_1258 = vector.shape_cast %get3A_1257 : vector<16xi32> to vector<16xi32>
      %gt3A_1259 = arith.constant 100000 : i32
      %gt3A_1260 = vector.broadcast %gt3A_1259 : i32 to vector<16xi32>
      %gt3A_1261 = arith.cmpi sgt, %get3A_1258, %gt3A_1260 : vector<16xi32>
      %jit3A_1262 = arith.constant 0 : i32
      %broadcast_in_dim3A_1263 = vector.broadcast %jit3A_1262 : i32 to vector<16xi32>
      %select_n3A_1264 = arith.select %gt3A_1261, %broadcast_in_dim3A_1263, %get3A_1258 : vector<16xi1>, vector<16xi32>
      %swap3A_1265 = arith.constant 464 : index
      %swap3A_1266 = tpu.vector_load %arg6[%swap3A_1265] {strides = array<i32>} : memref<800xi32, #tpu.memory_space<vmem>>, vector<16xi32>,
      %swap3A_1267 = vector.shape_cast %swap3A_1266 : vector<16xi32> to vector<16xi32>
      %swap3A_1268 = vector.shape_cast %select_n3A_1264 : vector<16xi32> to vector<16xi32>
      tpu.vector_store %arg6[%swap3A_1265], %swap3A_1268 {strides = array<i32>} : memref<800xi32, #tpu.memory_space<vmem>>, vector<16xi32>,
      %get3A_1269 = arith.constant 480 : index
      %get3A_1270 = tpu.vector_load %arg6[%get3A_1269] {strides = array<i32>} : memref<800xi32, #tpu.memory_space<vmem>>, vector<16xi32>,
      %get3A_1271 = vector.shape_cast %get3A_1270 : vector<16xi32> to vector<16xi32>
      %gt3A_1272 = arith.constant 100000 : i32
      %gt3A_1273 = vector.broadcast %gt3A_1272 : i32 to vector<16xi32>
      %gt3A_1274 = arith.cmpi sgt, %get3A_1271, %gt3A_1273 : vector<16xi32>
      %jit3A_1275 = arith.constant 0 : i32
      %broadcast_in_dim3A_1276 = vector.broadcast %jit3A_1275 : i32 to vector<16xi32>
      %select_n3A_1277 = arith.select %gt3A_1274, %broadcast_in_dim3A_1276, %get3A_1271 : vector<16xi1>, vector<16xi32>
      %swap3A_1278 = arith.constant 480 : index
      %swap3A_1279 = tpu.vector_load %arg6[%swap3A_1278] {strides = array<i32>} : memref<800xi32, #tpu.memory_space<vmem>>, vector<16xi32>,
      %swap3A_1280 = vector.shape_cast %swap3A_1279 : vector<16xi32> to vector<16xi32>
      %swap3A_1281 = vector.shape_cast %select_n3A_1277 : vector<16xi32> to vector<16xi32>
      tpu.vector_store %arg6[%swap3A_1278], %swap3A_1281 {strides = array<i32>} : memref<800xi32, #tpu.memory_space<vmem>>, vector<16xi32>,
      %get3A_1282 = arith.constant 496 : index
      %get3A_1283 = tpu.vector_load %arg6[%get3A_1282] {strides = array<i32>} : memref<800xi32, #tpu.memory_space<vmem>>, vector<16xi32>,
      %get3A_1284 = vector.shape_cast %get3A_1283 : vector<16xi32> to vector<16xi32>
      %gt3A_1285 = arith.constant 100000 : i32
      %gt3A_1286 = vector.broadcast %gt3A_1285 : i32 to vector<16xi32>
      %gt3A_1287 = arith.cmpi sgt, %get3A_1284, %gt3A_1286 : vector<16xi32>
      %jit3A_1288 = arith.constant 0 : i32
      %broadcast_in_dim3A_1289 = vector.broadcast %jit3A_1288 : i32 to vector<16xi32>
      %select_n3A_1290 = arith.select %gt3A_1287, %broadcast_in_dim3A_1289, %get3A_1284 : vector<16xi1>, vector<16xi32>
      %swap3A_1291 = arith.constant 496 : index
      %swap3A_1292 = tpu.vector_load %arg6[%swap3A_1291] {strides = array<i32>} : memref<800xi32, #tpu.memory_space<vmem>>, vector<16xi32>,
      %swap3A_1293 = vector.shape_cast %swap3A_1292 : vector<16xi32> to vector<16xi32>
      %swap3A_1294 = vector.shape_cast %select_n3A_1290 : vector<16xi32> to vector<16xi32>
      tpu.vector_store %arg6[%swap3A_1291], %swap3A_1294 {strides = array<i32>} : memref<800xi32, #tpu.memory_space<vmem>>, vector<16xi32>,
      %get3A_1295 = arith.constant 512 : index
      %get3A_1296 = tpu.vector_load %arg6[%get3A_1295] {strides = array<i32>} : memref<800xi32, #tpu.memory_space<vmem>>, vector<16xi32>,
      %get3A_1297 = vector.shape_cast %get3A_1296 : vector<16xi32> to vector<16xi32>
      %gt3A_1298 = arith.constant 100000 : i32
      %gt3A_1299 = vector.broadcast %gt3A_1298 : i32 to vector<16xi32>
      %gt3A_1300 = arith.cmpi sgt, %get3A_1297, %gt3A_1299 : vector<16xi32>
      %jit3A_1301 = arith.constant 0 : i32
      %broadcast_in_dim3A_1302 = vector.broadcast %jit3A_1301 : i32 to vector<16xi32>
      %select_n3A_1303 = arith.select %gt3A_1300, %broadcast_in_dim3A_1302, %get3A_1297 : vector<16xi1>, vector<16xi32>
      %swap3A_1304 = arith.constant 512 : index
      %swap3A_1305 = tpu.vector_load %arg6[%swap3A_1304] {strides = array<i32>} : memref<800xi32, #tpu.memory_space<vmem>>, vector<16xi32>,
      %swap3A_1306 = vector.shape_cast %swap3A_1305 : vector<16xi32> to vector<16xi32>
      %swap3A_1307 = vector.shape_cast %select_n3A_1303 : vector<16xi32> to vector<16xi32>
      tpu.vector_store %arg6[%swap3A_1304], %swap3A_1307 {strides = array<i32>} : memref<800xi32, #tpu.memory_space<vmem>>, vector<16xi32>,
      %get3A_1308 = arith.constant 528 : index
      %get3A_1309 = tpu.vector_load %arg6[%get3A_1308] {strides = array<i32>} : memref<800xi32, #tpu.memory_space<vmem>>, vector<16xi32>,
      %get3A_1310 = vector.shape_cast %get3A_1309 : vector<16xi32> to vector<16xi32>
      %gt3A_1311 = arith.constant 100000 : i32
      %gt3A_1312 = vector.broadcast %gt3A_1311 : i32 to vector<16xi32>
      %gt3A_1313 = arith.cmpi sgt, %get3A_1310, %gt3A_1312 : vector<16xi32>
      %jit3A_1314 = arith.constant 0 : i32
      %broadcast_in_dim3A_1315 = vector.broadcast %jit3A_1314 : i32 to vector<16xi32>
      %select_n3A_1316 = arith.select %gt3A_1313, %broadcast_in_dim3A_1315, %get3A_1310 : vector<16xi1>, vector<16xi32>
      %swap3A_1317 = arith.constant 528 : index
      %swap3A_1318 = tpu.vector_load %arg6[%swap3A_1317] {strides = array<i32>} : memref<800xi32, #tpu.memory_space<vmem>>, vector<16xi32>,
      %swap3A_1319 = vector.shape_cast %swap3A_1318 : vector<16xi32> to vector<16xi32>
      %swap3A_1320 = vector.shape_cast %select_n3A_1316 : vector<16xi32> to vector<16xi32>
      tpu.vector_store %arg6[%swap3A_1317], %swap3A_1320 {strides = array<i32>} : memref<800xi32, #tpu.memory_space<vmem>>, vector<16xi32>,
      %get3A_1321 = arith.constant 544 : index
      %get3A_1322 = tpu.vector_load %arg6[%get3A_1321] {strides = array<i32>} : memref<800xi32, #tpu.memory_space<vmem>>, vector<16xi32>,
      %get3A_1323 = vector.shape_cast %get3A_1322 : vector<16xi32> to vector<16xi32>
      %gt3A_1324 = arith.constant 100000 : i32
      %gt3A_1325 = vector.broadcast %gt3A_1324 : i32 to vector<16xi32>
      %gt3A_1326 = arith.cmpi sgt, %get3A_1323, %gt3A_1325 : vector<16xi32>
      %jit3A_1327 = arith.constant 0 : i32
      %broadcast_in_dim3A_1328 = vector.broadcast %jit3A_1327 : i32 to vector<16xi32>
      %select_n3A_1329 = arith.select %gt3A_1326, %broadcast_in_dim3A_1328, %get3A_1323 : vector<16xi1>, vector<16xi32>
      %swap3A_1330 = arith.constant 544 : index
      %swap3A_1331 = tpu.vector_load %arg6[%swap3A_1330] {strides = array<i32>} : memref<800xi32, #tpu.memory_space<vmem>>, vector<16xi32>,
      %swap3A_1332 = vector.shape_cast %swap3A_1331 : vector<16xi32> to vector<16xi32>
      %swap3A_1333 = vector.shape_cast %select_n3A_1329 : vector<16xi32> to vector<16xi32>
      tpu.vector_store %arg6[%swap3A_1330], %swap3A_1333 {strides = array<i32>} : memref<800xi32, #tpu.memory_space<vmem>>, vector<16xi32>,
      %get3A_1334 = arith.constant 560 : index
      %get3A_1335 = tpu.vector_load %arg6[%get3A_1334] {strides = array<i32>} : memref<800xi32, #tpu.memory_space<vmem>>, vector<16xi32>,
      %get3A_1336 = vector.shape_cast %get3A_1335 : vector<16xi32> to vector<16xi32>
      %gt3A_1337 = arith.constant 100000 : i32
      %gt3A_1338 = vector.broadcast %gt3A_1337 : i32 to vector<16xi32>
      %gt3A_1339 = arith.cmpi sgt, %get3A_1336, %gt3A_1338 : vector<16xi32>
      %jit3A_1340 = arith.constant 0 : i32
      %broadcast_in_dim3A_1341 = vector.broadcast %jit3A_1340 : i32 to vector<16xi32>
      %select_n3A_1342 = arith.select %gt3A_1339, %broadcast_in_dim3A_1341, %get3A_1336 : vector<16xi1>, vector<16xi32>
      %swap3A_1343 = arith.constant 560 : index
      %swap3A_1344 = tpu.vector_load %arg6[%swap3A_1343] {strides = array<i32>} : memref<800xi32, #tpu.memory_space<vmem>>, vector<16xi32>,
      %swap3A_1345 = vector.shape_cast %swap3A_1344 : vector<16xi32> to vector<16xi32>
      %swap3A_1346 = vector.shape_cast %select_n3A_1342 : vector<16xi32> to vector<16xi32>
      tpu.vector_store %arg6[%swap3A_1343], %swap3A_1346 {strides = array<i32>} : memref<800xi32, #tpu.memory_space<vmem>>, vector<16xi32>,
      %get3A_1347 = arith.constant 576 : index
      %get3A_1348 = tpu.vector_load %arg6[%get3A_1347] {strides = array<i32>} : memref<800xi32, #tpu.memory_space<vmem>>, vector<16xi32>,
      %get3A_1349 = vector.shape_cast %get3A_1348 : vector<16xi32> to vector<16xi32>
      %gt3A_1350 = arith.constant 100000 : i32
      %gt3A_1351 = vector.broadcast %gt3A_1350 : i32 to vector<16xi32>
      %gt3A_1352 = arith.cmpi sgt, %get3A_1349, %gt3A_1351 : vector<16xi32>
      %jit3A_1353 = arith.constant 0 : i32
      %broadcast_in_dim3A_1354 = vector.broadcast %jit3A_1353 : i32 to vector<16xi32>
      %select_n3A_1355 = arith.select %gt3A_1352, %broadcast_in_dim3A_1354, %get3A_1349 : vector<16xi1>, vector<16xi32>
      %swap3A_1356 = arith.constant 576 : index
      %swap3A_1357 = tpu.vector_load %arg6[%swap3A_1356] {strides = array<i32>} : memref<800xi32, #tpu.memory_space<vmem>>, vector<16xi32>,
      %swap3A_1358 = vector.shape_cast %swap3A_1357 : vector<16xi32> to vector<16xi32>
      %swap3A_1359 = vector.shape_cast %select_n3A_1355 : vector<16xi32> to vector<16xi32>
      tpu.vector_store %arg6[%swap3A_1356], %swap3A_1359 {strides = array<i32>} : memref<800xi32, #tpu.memory_space<vmem>>, vector<16xi32>,
      %get3A_1360 = arith.constant 592 : index
      %get3A_1361 = tpu.vector_load %arg6[%get3A_1360] {strides = array<i32>} : memref<800xi32, #tpu.memory_space<vmem>>, vector<16xi32>,
      %get3A_1362 = vector.shape_cast %get3A_1361 : vector<16xi32> to vector<16xi32>
      %gt3A_1363 = arith.constant 100000 : i32
      %gt3A_1364 = vector.broadcast %gt3A_1363 : i32 to vector<16xi32>
      %gt3A_1365 = arith.cmpi sgt, %get3A_1362, %gt3A_1364 : vector<16xi32>
      %jit3A_1366 = arith.constant 0 : i32
      %broadcast_in_dim3A_1367 = vector.broadcast %jit3A_1366 : i32 to vector<16xi32>
      %select_n3A_1368 = arith.select %gt3A_1365, %broadcast_in_dim3A_1367, %get3A_1362 : vector<16xi1>, vector<16xi32>
      %swap3A_1369 = arith.constant 592 : index
      %swap3A_1370 = tpu.vector_load %arg6[%swap3A_1369] {strides = array<i32>} : memref<800xi32, #tpu.memory_space<vmem>>, vector<16xi32>,
      %swap3A_1371 = vector.shape_cast %swap3A_1370 : vector<16xi32> to vector<16xi32>
      %swap3A_1372 = vector.shape_cast %select_n3A_1368 : vector<16xi32> to vector<16xi32>
      tpu.vector_store %arg6[%swap3A_1369], %swap3A_1372 {strides = array<i32>} : memref<800xi32, #tpu.memory_space<vmem>>, vector<16xi32>,
      %get3A_1373 = arith.constant 608 : index
      %get3A_1374 = tpu.vector_load %arg6[%get3A_1373] {strides = array<i32>} : memref<800xi32, #tpu.memory_space<vmem>>, vector<16xi32>,
      %get3A_1375 = vector.shape_cast %get3A_1374 : vector<16xi32> to vector<16xi32>
      %gt3A_1376 = arith.constant 100000 : i32
      %gt3A_1377 = vector.broadcast %gt3A_1376 : i32 to vector<16xi32>
      %gt3A_1378 = arith.cmpi sgt, %get3A_1375, %gt3A_1377 : vector<16xi32>
      %jit3A_1379 = arith.constant 0 : i32
      %broadcast_in_dim3A_1380 = vector.broadcast %jit3A_1379 : i32 to vector<16xi32>
      %select_n3A_1381 = arith.select %gt3A_1378, %broadcast_in_dim3A_1380, %get3A_1375 : vector<16xi1>, vector<16xi32>
      %swap3A_1382 = arith.constant 608 : index
      %swap3A_1383 = tpu.vector_load %arg6[%swap3A_1382] {strides = array<i32>} : memref<800xi32, #tpu.memory_space<vmem>>, vector<16xi32>,
      %swap3A_1384 = vector.shape_cast %swap3A_1383 : vector<16xi32> to vector<16xi32>
      %swap3A_1385 = vector.shape_cast %select_n3A_1381 : vector<16xi32> to vector<16xi32>
      tpu.vector_store %arg6[%swap3A_1382], %swap3A_1385 {strides = array<i32>} : memref<800xi32, #tpu.memory_space<vmem>>, vector<16xi32>,
      %get3A_1386 = arith.constant 624 : index
      %get3A_1387 = tpu.vector_load %arg6[%get3A_1386] {strides = array<i32>} : memref<800xi32, #tpu.memory_space<vmem>>, vector<16xi32>,
      %get3A_1388 = vector.shape_cast %get3A_1387 : vector<16xi32> to vector<16xi32>
      %gt3A_1389 = arith.constant 100000 : i32
      %gt3A_1390 = vector.broadcast %gt3A_1389 : i32 to vector<16xi32>
      %gt3A_1391 = arith.cmpi sgt, %get3A_1388, %gt3A_1390 : vector<16xi32>
      %jit3A_1392 = arith.constant 0 : i32
      %broadcast_in_dim3A_1393 = vector.broadcast %jit3A_1392 : i32 to vector<16xi32>
      %select_n3A_1394 = arith.select %gt3A_1391, %broadcast_in_dim3A_1393, %get3A_1388 : vector<16xi1>, vector<16xi32>
      %swap3A_1395 = arith.constant 624 : index
      %swap3A_1396 = tpu.vector_load %arg6[%swap3A_1395] {strides = array<i32>} : memref<800xi32, #tpu.memory_space<vmem>>, vector<16xi32>,
      %swap3A_1397 = vector.shape_cast %swap3A_1396 : vector<16xi32> to vector<16xi32>
      %swap3A_1398 = vector.shape_cast %select_n3A_1394 : vector<16xi32> to vector<16xi32>
      tpu.vector_store %arg6[%swap3A_1395], %swap3A_1398 {strides = array<i32>} : memref<800xi32, #tpu.memory_space<vmem>>, vector<16xi32>,
      %get3A_1399 = arith.constant 640 : index
      %get3A_1400 = tpu.vector_load %arg6[%get3A_1399] {strides = array<i32>} : memref<800xi32, #tpu.memory_space<vmem>>, vector<16xi32>,
      %get3A_1401 = vector.shape_cast %get3A_1400 : vector<16xi32> to vector<16xi32>
      %gt3A_1402 = arith.constant 100000 : i32
      %gt3A_1403 = vector.broadcast %gt3A_1402 : i32 to vector<16xi32>
      %gt3A_1404 = arith.cmpi sgt, %get3A_1401, %gt3A_1403 : vector<16xi32>
      %jit3A_1405 = arith.constant 0 : i32
      %broadcast_in_dim3A_1406 = vector.broadcast %jit3A_1405 : i32 to vector<16xi32>
      %select_n3A_1407 = arith.select %gt3A_1404, %broadcast_in_dim3A_1406, %get3A_1401 : vector<16xi1>, vector<16xi32>
      %swap3A_1408 = arith.constant 640 : index
      %swap3A_1409 = tpu.vector_load %arg6[%swap3A_1408] {strides = array<i32>} : memref<800xi32, #tpu.memory_space<vmem>>, vector<16xi32>,
      %swap3A_1410 = vector.shape_cast %swap3A_1409 : vector<16xi32> to vector<16xi32>
      %swap3A_1411 = vector.shape_cast %select_n3A_1407 : vector<16xi32> to vector<16xi32>
      tpu.vector_store %arg6[%swap3A_1408], %swap3A_1411 {strides = array<i32>} : memref<800xi32, #tpu.memory_space<vmem>>, vector<16xi32>,
      %get3A_1412 = arith.constant 656 : index
      %get3A_1413 = tpu.vector_load %arg6[%get3A_1412] {strides = array<i32>} : memref<800xi32, #tpu.memory_space<vmem>>, vector<16xi32>,
      %get3A_1414 = vector.shape_cast %get3A_1413 : vector<16xi32> to vector<16xi32>
      %gt3A_1415 = arith.constant 100000 : i32
      %gt3A_1416 = vector.broadcast %gt3A_1415 : i32 to vector<16xi32>
      %gt3A_1417 = arith.cmpi sgt, %get3A_1414, %gt3A_1416 : vector<16xi32>
      %jit3A_1418 = arith.constant 0 : i32
      %broadcast_in_dim3A_1419 = vector.broadcast %jit3A_1418 : i32 to vector<16xi32>
      %select_n3A_1420 = arith.select %gt3A_1417, %broadcast_in_dim3A_1419, %get3A_1414 : vector<16xi1>, vector<16xi32>
      %swap3A_1421 = arith.constant 656 : index
      %swap3A_1422 = tpu.vector_load %arg6[%swap3A_1421] {strides = array<i32>} : memref<800xi32, #tpu.memory_space<vmem>>, vector<16xi32>,
      %swap3A_1423 = vector.shape_cast %swap3A_1422 : vector<16xi32> to vector<16xi32>
      %swap3A_1424 = vector.shape_cast %select_n3A_1420 : vector<16xi32> to vector<16xi32>
      tpu.vector_store %arg6[%swap3A_1421], %swap3A_1424 {strides = array<i32>} : memref<800xi32, #tpu.memory_space<vmem>>, vector<16xi32>,
      %get3A_1425 = arith.constant 672 : index
      %get3A_1426 = tpu.vector_load %arg6[%get3A_1425] {strides = array<i32>} : memref<800xi32, #tpu.memory_space<vmem>>, vector<16xi32>,
      %get3A_1427 = vector.shape_cast %get3A_1426 : vector<16xi32> to vector<16xi32>
      %gt3A_1428 = arith.constant 100000 : i32
      %gt3A_1429 = vector.broadcast %gt3A_1428 : i32 to vector<16xi32>
      %gt3A_1430 = arith.cmpi sgt, %get3A_1427, %gt3A_1429 : vector<16xi32>
      %jit3A_1431 = arith.constant 0 : i32
      %broadcast_in_dim3A_1432 = vector.broadcast %jit3A_1431 : i32 to vector<16xi32>
      %select_n3A_1433 = arith.select %gt3A_1430, %broadcast_in_dim3A_1432, %get3A_1427 : vector<16xi1>, vector<16xi32>
      %swap3A_1434 = arith.constant 672 : index
      %swap3A_1435 = tpu.vector_load %arg6[%swap3A_1434] {strides = array<i32>} : memref<800xi32, #tpu.memory_space<vmem>>, vector<16xi32>,
      %swap3A_1436 = vector.shape_cast %swap3A_1435 : vector<16xi32> to vector<16xi32>
      %swap3A_1437 = vector.shape_cast %select_n3A_1433 : vector<16xi32> to vector<16xi32>
      tpu.vector_store %arg6[%swap3A_1434], %swap3A_1437 {strides = array<i32>} : memref<800xi32, #tpu.memory_space<vmem>>, vector<16xi32>,
      %get3A_1438 = arith.constant 688 : index
      %get3A_1439 = tpu.vector_load %arg6[%get3A_1438] {strides = array<i32>} : memref<800xi32, #tpu.memory_space<vmem>>, vector<16xi32>,
      %get3A_1440 = vector.shape_cast %get3A_1439 : vector<16xi32> to vector<16xi32>
      %gt3A_1441 = arith.constant 100000 : i32
      %gt3A_1442 = vector.broadcast %gt3A_1441 : i32 to vector<16xi32>
      %gt3A_1443 = arith.cmpi sgt, %get3A_1440, %gt3A_1442 : vector<16xi32>
      %jit3A_1444 = arith.constant 0 : i32
      %broadcast_in_dim3A_1445 = vector.broadcast %jit3A_1444 : i32 to vector<16xi32>
      %select_n3A_1446 = arith.select %gt3A_1443, %broadcast_in_dim3A_1445, %get3A_1440 : vector<16xi1>, vector<16xi32>
      %swap3A_1447 = arith.constant 688 : index
      %swap3A_1448 = tpu.vector_load %arg6[%swap3A_1447] {strides = array<i32>} : memref<800xi32, #tpu.memory_space<vmem>>, vector<16xi32>,
      %swap3A_1449 = vector.shape_cast %swap3A_1448 : vector<16xi32> to vector<16xi32>
      %swap3A_1450 = vector.shape_cast %select_n3A_1446 : vector<16xi32> to vector<16xi32>
      tpu.vector_store %arg6[%swap3A_1447], %swap3A_1450 {strides = array<i32>} : memref<800xi32, #tpu.memory_space<vmem>>, vector<16xi32>,
      %get3A_1451 = arith.constant 704 : index
      %get3A_1452 = tpu.vector_load %arg6[%get3A_1451] {strides = array<i32>} : memref<800xi32, #tpu.memory_space<vmem>>, vector<16xi32>,
      %get3A_1453 = vector.shape_cast %get3A_1452 : vector<16xi32> to vector<16xi32>
      %gt3A_1454 = arith.constant 100000 : i32
      %gt3A_1455 = vector.broadcast %gt3A_1454 : i32 to vector<16xi32>
      %gt3A_1456 = arith.cmpi sgt, %get3A_1453, %gt3A_1455 : vector<16xi32>
      %jit3A_1457 = arith.constant 0 : i32
      %broadcast_in_dim3A_1458 = vector.broadcast %jit3A_1457 : i32 to vector<16xi32>
      %select_n3A_1459 = arith.select %gt3A_1456, %broadcast_in_dim3A_1458, %get3A_1453 : vector<16xi1>, vector<16xi32>
      %swap3A_1460 = arith.constant 704 : index
      %swap3A_1461 = tpu.vector_load %arg6[%swap3A_1460] {strides = array<i32>} : memref<800xi32, #tpu.memory_space<vmem>>, vector<16xi32>,
      %swap3A_1462 = vector.shape_cast %swap3A_1461 : vector<16xi32> to vector<16xi32>
      %swap3A_1463 = vector.shape_cast %select_n3A_1459 : vector<16xi32> to vector<16xi32>
      tpu.vector_store %arg6[%swap3A_1460], %swap3A_1463 {strides = array<i32>} : memref<800xi32, #tpu.memory_space<vmem>>, vector<16xi32>,
      %get3A_1464 = arith.constant 720 : index
      %get3A_1465 = tpu.vector_load %arg6[%get3A_1464] {strides = array<i32>} : memref<800xi32, #tpu.memory_space<vmem>>, vector<16xi32>,
      %get3A_1466 = vector.shape_cast %get3A_1465 : vector<16xi32> to vector<16xi32>
      %gt3A_1467 = arith.constant 100000 : i32
      %gt3A_1468 = vector.broadcast %gt3A_1467 : i32 to vector<16xi32>
      %gt3A_1469 = arith.cmpi sgt, %get3A_1466, %gt3A_1468 : vector<16xi32>
      %jit3A_1470 = arith.constant 0 : i32
      %broadcast_in_dim3A_1471 = vector.broadcast %jit3A_1470 : i32 to vector<16xi32>
      %select_n3A_1472 = arith.select %gt3A_1469, %broadcast_in_dim3A_1471, %get3A_1466 : vector<16xi1>, vector<16xi32>
      %swap3A_1473 = arith.constant 720 : index
      %swap3A_1474 = tpu.vector_load %arg6[%swap3A_1473] {strides = array<i32>} : memref<800xi32, #tpu.memory_space<vmem>>, vector<16xi32>,
      %swap3A_1475 = vector.shape_cast %swap3A_1474 : vector<16xi32> to vector<16xi32>
      %swap3A_1476 = vector.shape_cast %select_n3A_1472 : vector<16xi32> to vector<16xi32>
      tpu.vector_store %arg6[%swap3A_1473], %swap3A_1476 {strides = array<i32>} : memref<800xi32, #tpu.memory_space<vmem>>, vector<16xi32>,
      %get3A_1477 = arith.constant 736 : index
      %get3A_1478 = tpu.vector_load %arg6[%get3A_1477] {strides = array<i32>} : memref<800xi32, #tpu.memory_space<vmem>>, vector<16xi32>,
      %get3A_1479 = vector.shape_cast %get3A_1478 : vector<16xi32> to vector<16xi32>
      %gt3A_1480 = arith.constant 100000 : i32
      %gt3A_1481 = vector.broadcast %gt3A_1480 : i32 to vector<16xi32>
      %gt3A_1482 = arith.cmpi sgt, %get3A_1479, %gt3A_1481 : vector<16xi32>
      %jit3A_1483 = arith.constant 0 : i32
      %broadcast_in_dim3A_1484 = vector.broadcast %jit3A_1483 : i32 to vector<16xi32>
      %select_n3A_1485 = arith.select %gt3A_1482, %broadcast_in_dim3A_1484, %get3A_1479 : vector<16xi1>, vector<16xi32>
      %swap3A_1486 = arith.constant 736 : index
      %swap3A_1487 = tpu.vector_load %arg6[%swap3A_1486] {strides = array<i32>} : memref<800xi32, #tpu.memory_space<vmem>>, vector<16xi32>,
      %swap3A_1488 = vector.shape_cast %swap3A_1487 : vector<16xi32> to vector<16xi32>
      %swap3A_1489 = vector.shape_cast %select_n3A_1485 : vector<16xi32> to vector<16xi32>
      tpu.vector_store %arg6[%swap3A_1486], %swap3A_1489 {strides = array<i32>} : memref<800xi32, #tpu.memory_space<vmem>>, vector<16xi32>,
      %get3A_1490 = arith.constant 752 : index
      %get3A_1491 = tpu.vector_load %arg6[%get3A_1490] {strides = array<i32>} : memref<800xi32, #tpu.memory_space<vmem>>, vector<16xi32>,
      %get3A_1492 = vector.shape_cast %get3A_1491 : vector<16xi32> to vector<16xi32>
      %gt3A_1493 = arith.constant 100000 : i32
      %gt3A_1494 = vector.broadcast %gt3A_1493 : i32 to vector<16xi32>
      %gt3A_1495 = arith.cmpi sgt, %get3A_1492, %gt3A_1494 : vector<16xi32>
      %jit3A_1496 = arith.constant 0 : i32
      %broadcast_in_dim3A_1497 = vector.broadcast %jit3A_1496 : i32 to vector<16xi32>
      %select_n3A_1498 = arith.select %gt3A_1495, %broadcast_in_dim3A_1497, %get3A_1492 : vector<16xi1>, vector<16xi32>
      %swap3A_1499 = arith.constant 752 : index
      %swap3A_1500 = tpu.vector_load %arg6[%swap3A_1499] {strides = array<i32>} : memref<800xi32, #tpu.memory_space<vmem>>, vector<16xi32>,
      %swap3A_1501 = vector.shape_cast %swap3A_1500 : vector<16xi32> to vector<16xi32>
      %swap3A_1502 = vector.shape_cast %select_n3A_1498 : vector<16xi32> to vector<16xi32>
      tpu.vector_store %arg6[%swap3A_1499], %swap3A_1502 {strides = array<i32>} : memref<800xi32, #tpu.memory_space<vmem>>, vector<16xi32>,
      %get3A_1503 = arith.constant 768 : index
      %get3A_1504 = tpu.vector_load %arg6[%get3A_1503] {strides = array<i32>} : memref<800xi32, #tpu.memory_space<vmem>>, vector<16xi32>,
      %get3A_1505 = vector.shape_cast %get3A_1504 : vector<16xi32> to vector<16xi32>
      %gt3A_1506 = arith.constant 100000 : i32
      %gt3A_1507 = vector.broadcast %gt3A_1506 : i32 to vector<16xi32>
      %gt3A_1508 = arith.cmpi sgt, %get3A_1505, %gt3A_1507 : vector<16xi32>
      %jit3A_1509 = arith.constant 0 : i32
      %broadcast_in_dim3A_1510 = vector.broadcast %jit3A_1509 : i32 to vector<16xi32>
      %select_n3A_1511 = arith.select %gt3A_1508, %broadcast_in_dim3A_1510, %get3A_1505 : vector<16xi1>, vector<16xi32>
      %swap3A_1512 = arith.constant 768 : index
      %swap3A_1513 = tpu.vector_load %arg6[%swap3A_1512] {strides = array<i32>} : memref<800xi32, #tpu.memory_space<vmem>>, vector<16xi32>,
      %swap3A_1514 = vector.shape_cast %swap3A_1513 : vector<16xi32> to vector<16xi32>
      %swap3A_1515 = vector.shape_cast %select_n3A_1511 : vector<16xi32> to vector<16xi32>
      tpu.vector_store %arg6[%swap3A_1512], %swap3A_1515 {strides = array<i32>} : memref<800xi32, #tpu.memory_space<vmem>>, vector<16xi32>,
      %get3A_1516 = arith.constant 784 : index
      %get3A_1517 = tpu.vector_load %arg6[%get3A_1516] {strides = array<i32>} : memref<800xi32, #tpu.memory_space<vmem>>, vector<16xi32>,
      %get3A_1518 = vector.shape_cast %get3A_1517 : vector<16xi32> to vector<16xi32>
      %gt3A_1519 = arith.constant 100000 : i32
      %gt3A_1520 = vector.broadcast %gt3A_1519 : i32 to vector<16xi32>
      %gt3A_1521 = arith.cmpi sgt, %get3A_1518, %gt3A_1520 : vector<16xi32>
      %jit3A_1522 = arith.constant 0 : i32
      %broadcast_in_dim3A_1523 = vector.broadcast %jit3A_1522 : i32 to vector<16xi32>
      %select_n3A_1524 = arith.select %gt3A_1521, %broadcast_in_dim3A_1523, %get3A_1518 : vector<16xi1>, vector<16xi32>
      %swap3A_1525 = arith.constant 784 : index
      %swap3A_1526 = tpu.vector_load %arg6[%swap3A_1525] {strides = array<i32>} : memref<800xi32, #tpu.memory_space<vmem>>, vector<16xi32>,
      %swap3A_1527 = vector.shape_cast %swap3A_1526 : vector<16xi32> to vector<16xi32>
      %swap3A_1528 = vector.shape_cast %select_n3A_1524 : vector<16xi32> to vector<16xi32>
      tpu.vector_store %arg6[%swap3A_1525], %swap3A_1528 {strides = array<i32>} : memref<800xi32, #tpu.memory_space<vmem>>, vector<16xi32>,
      %gt3A_1529 = arith.constant 0 : i32
      %gt3A_1530 = arith.cmpi sgt, %scan3A_27, %gt3A_1529 : i32
      %convert_element_type3A_1531 = arith.extui %gt3A_1530 : i1 to i32
      %cond3A_1532 = arith.constant 0 : i32
      %cond3A_1533 = arith.cmpi ne, %convert_element_type3A_1531, %cond3A_1532 : i32
      scf.if %cond3A_1533 {
        %dma_wait3A_2154 = arith.constant 0 : i32
        %dma_wait3A_2155 = arith.constant 0 : i32
        %dma_wait3A_2156 = arith.constant 0 : i32
        %dma_wait3A_2157 = tpu.memref_slice %arg4[%add3A_32, %dma_wait3A_2154, %dma_wait3A_2155, %dma_wait3A_2156] : memref<4096x20x40x64xf32, #tpu.memory_space<hbm>> -> memref<1x20x40x64xf32, #tpu.memory_space<hbm>>
        %dma_wait3A_2158 = tpu.memref_squeeze %dma_wait3A_2157 : memref<1x20x40x64xf32, #tpu.memory_space<hbm>> -> memref<20x40x64xf32, #tpu.memory_space<hbm>>
        %dma_wait3A_2159 = arith.constant 0 : i32
        %dma_wait3A_2160 = arith.constant 0 : i32
        %dma_wait3A_2161 = arith.constant 0 : i32
        %dma_wait3A_2162 = tpu.memref_slice %arg4[%add3A_32, %dma_wait3A_2159, %dma_wait3A_2160, %dma_wait3A_2161] : memref<4096x20x40x64xf32, #tpu.memory_space<hbm>> -> memref<1x20x40x64xf32, #tpu.memory_space<hbm>>
        %dma_wait3A_2163 = tpu.memref_squeeze %dma_wait3A_2162 : memref<1x20x40x64xf32, #tpu.memory_space<hbm>> -> memref<20x40x64xf32, #tpu.memory_space<hbm>>
        tpu.wait_dma2 semaphore(%arg12 : memref<!tpu.dma_semaphore, #tpu.memory_space<semaphore_mem>>) src(%arg8 : memref<20x40x64xf32, #tpu.memory_space<vmem>>) dst(%dma_wait3A_2163 : memref<20x40x64xf32, #tpu.memory_space<hbm>>)
      } else {
      }
      %dma_start3A_1534 = arith.constant 0 : i32
      %dma_start3A_1535 = arith.constant 0 : i32
      %dma_start3A_1536 = arith.constant 0 : i32
      %dma_start3A_1537 = tpu.memref_slice %arg8[%dma_start3A_1534, %dma_start3A_1535, %dma_start3A_1536] : memref<20x40x64xf32, #tpu.memory_space<vmem>> -> memref<1x40x64xf32, #tpu.memory_space<vmem>>
      %dma_start3A_1538 = tpu.memref_squeeze %dma_start3A_1537 : memref<1x40x64xf32, #tpu.memory_space<vmem>> -> memref<40x64xf32, #tpu.memory_space<vmem>>
      %dma_start3A_1539 = arith.constant 0 : i32
      %dma_start3A_1540 = tpu.memref_slice %arg6[%dma_start3A_1539] : memref<800xi32, #tpu.memory_space<vmem>> -> memref<40xi32, #tpu.memory_space<vmem>>
      %dma_start3A_1541 = arith.constant 0 : i32
      %dma_start3A_1542 = arith.constant 0 : i32
      %dma_start3A_1543 = tpu.memref_slice %arg2[%dma_start3A_1541, %dma_start3A_1542] : memref<100001x64xf32, #tpu.memory_space<hbm>> -> memref<100001x64xf32, #tpu.memory_space<hbm>>
      tpu.enqueue_indirect_dma source(%dma_start3A_1543 : memref<100001x64xf32, #tpu.memory_space<hbm>>) target(%dma_start3A_1538 : memref<40x64xf32, #tpu.memory_space<vmem>>) offsets(%dma_start3A_1540 : memref<40xi32, #tpu.memory_space<vmem>>) semaphore(%arg10 : memref<!tpu.dma_semaphore, #tpu.memory_space<semaphore_mem>>)
      %dma_start3A_1544 = arith.constant 1 : i32
      %dma_start3A_1545 = arith.constant 0 : i32
      %dma_start3A_1546 = arith.constant 0 : i32
      %dma_start3A_1547 = tpu.memref_slice %arg8[%dma_start3A_1544, %dma_start3A_1545, %dma_start3A_1546] : memref<20x40x64xf32, #tpu.memory_space<vmem>> -> memref<1x40x64xf32, #tpu.memory_space<vmem>>
      %dma_start3A_1548 = tpu.memref_squeeze %dma_start3A_1547 : memref<1x40x64xf32, #tpu.memory_space<vmem>> -> memref<40x64xf32, #tpu.memory_space<vmem>>
      %dma_start3A_1549 = arith.constant 40 : i32
      %dma_start3A_1550 = tpu.memref_slice %arg6[%dma_start3A_1549] : memref<800xi32, #tpu.memory_space<vmem>> -> memref<40xi32, #tpu.memory_space<vmem>>
      %dma_start3A_1551 = arith.constant 0 : i32
      %dma_start3A_1552 = arith.constant 0 : i32
      %dma_start3A_1553 = tpu.memref_slice %arg2[%dma_start3A_1551, %dma_start3A_1552] : memref<100001x64xf32, #tpu.memory_space<hbm>> -> memref<100001x64xf32, #tpu.memory_space<hbm>>
      tpu.enqueue_indirect_dma source(%dma_start3A_1553 : memref<100001x64xf32, #tpu.memory_space<hbm>>) target(%dma_start3A_1548 : memref<40x64xf32, #tpu.memory_space<vmem>>) offsets(%dma_start3A_1550 : memref<40xi32, #tpu.memory_space<vmem>>) semaphore(%arg10 : memref<!tpu.dma_semaphore, #tpu.memory_space<semaphore_mem>>)
      %dma_start3A_1554 = arith.constant 2 : i32
      %dma_start3A_1555 = arith.constant 0 : i32
      %dma_start3A_1556 = arith.constant 0 : i32
      %dma_start3A_1557 = tpu.memref_slice %arg8[%dma_start3A_1554, %dma_start3A_1555, %dma_start3A_1556] : memref<20x40x64xf32, #tpu.memory_space<vmem>> -> memref<1x40x64xf32, #tpu.memory_space<vmem>>
      %dma_start3A_1558 = tpu.memref_squeeze %dma_start3A_1557 : memref<1x40x64xf32, #tpu.memory_space<vmem>> -> memref<40x64xf32, #tpu.memory_space<vmem>>
      %dma_start3A_1559 = arith.constant 80 : i32
      %dma_start3A_1560 = tpu.memref_slice %arg6[%dma_start3A_1559] : memref<800xi32, #tpu.memory_space<vmem>> -> memref<40xi32, #tpu.memory_space<vmem>>
      %dma_start3A_1561 = arith.constant 0 : i32
      %dma_start3A_1562 = arith.constant 0 : i32
      %dma_start3A_1563 = tpu.memref_slice %arg2[%dma_start3A_1561, %dma_start3A_1562] : memref<100001x64xf32, #tpu.memory_space<hbm>> -> memref<100001x64xf32, #tpu.memory_space<hbm>>
      tpu.enqueue_indirect_dma source(%dma_start3A_1563 : memref<100001x64xf32, #tpu.memory_space<hbm>>) target(%dma_start3A_1558 : memref<40x64xf32, #tpu.memory_space<vmem>>) offsets(%dma_start3A_1560 : memref<40xi32, #tpu.memory_space<vmem>>) semaphore(%arg10 : memref<!tpu.dma_semaphore, #tpu.memory_space<semaphore_mem>>)
      %dma_start3A_1564 = arith.constant 3 : i32
      %dma_start3A_1565 = arith.constant 0 : i32
      %dma_start3A_1566 = arith.constant 0 : i32
      %dma_start3A_1567 = tpu.memref_slice %arg8[%dma_start3A_1564, %dma_start3A_1565, %dma_start3A_1566] : memref<20x40x64xf32, #tpu.memory_space<vmem>> -> memref<1x40x64xf32, #tpu.memory_space<vmem>>
      %dma_start3A_1568 = tpu.memref_squeeze %dma_start3A_1567 : memref<1x40x64xf32, #tpu.memory_space<vmem>> -> memref<40x64xf32, #tpu.memory_space<vmem>>
      %dma_start3A_1569 = arith.constant 120 : i32
      %dma_start3A_1570 = tpu.memref_slice %arg6[%dma_start3A_1569] : memref<800xi32, #tpu.memory_space<vmem>> -> memref<40xi32, #tpu.memory_space<vmem>>
      %dma_start3A_1571 = arith.constant 0 : i32
      %dma_start3A_1572 = arith.constant 0 : i32
      %dma_start3A_1573 = tpu.memref_slice %arg2[%dma_start3A_1571, %dma_start3A_1572] : memref<100001x64xf32, #tpu.memory_space<hbm>> -> memref<100001x64xf32, #tpu.memory_space<hbm>>
      tpu.enqueue_indirect_dma source(%dma_start3A_1573 : memref<100001x64xf32, #tpu.memory_space<hbm>>) target(%dma_start3A_1568 : memref<40x64xf32, #tpu.memory_space<vmem>>) offsets(%dma_start3A_1570 : memref<40xi32, #tpu.memory_space<vmem>>) semaphore(%arg10 : memref<!tpu.dma_semaphore, #tpu.memory_space<semaphore_mem>>)
      %dma_start3A_1574 = arith.constant 4 : i32
      %dma_start3A_1575 = arith.constant 0 : i32
      %dma_start3A_1576 = arith.constant 0 : i32
      %dma_start3A_1577 = tpu.memref_slice %arg8[%dma_start3A_1574, %dma_start3A_1575, %dma_start3A_1576] : memref<20x40x64xf32, #tpu.memory_space<vmem>> -> memref<1x40x64xf32, #tpu.memory_space<vmem>>
      %dma_start3A_1578 = tpu.memref_squeeze %dma_start3A_1577 : memref<1x40x64xf32, #tpu.memory_space<vmem>> -> memref<40x64xf32, #tpu.memory_space<vmem>>
      %dma_start3A_1579 = arith.constant 160 : i32
      %dma_start3A_1580 = tpu.memref_slice %arg6[%dma_start3A_1579] : memref<800xi32, #tpu.memory_space<vmem>> -> memref<40xi32, #tpu.memory_space<vmem>>
      %dma_start3A_1581 = arith.constant 0 : i32
      %dma_start3A_1582 = arith.constant 0 : i32
      %dma_start3A_1583 = tpu.memref_slice %arg2[%dma_start3A_1581, %dma_start3A_1582] : memref<100001x64xf32, #tpu.memory_space<hbm>> -> memref<100001x64xf32, #tpu.memory_space<hbm>>
      tpu.enqueue_indirect_dma source(%dma_start3A_1583 : memref<100001x64xf32, #tpu.memory_space<hbm>>) target(%dma_start3A_1578 : memref<40x64xf32, #tpu.memory_space<vmem>>) offsets(%dma_start3A_1580 : memref<40xi32, #tpu.memory_space<vmem>>) semaphore(%arg10 : memref<!tpu.dma_semaphore, #tpu.memory_space<semaphore_mem>>)
      %dma_start3A_1584 = arith.constant 5 : i32
      %dma_start3A_1585 = arith.constant 0 : i32
      %dma_start3A_1586 = arith.constant 0 : i32
      %dma_start3A_1587 = tpu.memref_slice %arg8[%dma_start3A_1584, %dma_start3A_1585, %dma_start3A_1586] : memref<20x40x64xf32, #tpu.memory_space<vmem>> -> memref<1x40x64xf32, #tpu.memory_space<vmem>>
      %dma_start3A_1588 = tpu.memref_squeeze %dma_start3A_1587 : memref<1x40x64xf32, #tpu.memory_space<vmem>> -> memref<40x64xf32, #tpu.memory_space<vmem>>
      %dma_start3A_1589 = arith.constant 200 : i32
      %dma_start3A_1590 = tpu.memref_slice %arg6[%dma_start3A_1589] : memref<800xi32, #tpu.memory_space<vmem>> -> memref<40xi32, #tpu.memory_space<vmem>>
      %dma_start3A_1591 = arith.constant 0 : i32
      %dma_start3A_1592 = arith.constant 0 : i32
      %dma_start3A_1593 = tpu.memref_slice %arg2[%dma_start3A_1591, %dma_start3A_1592] : memref<100001x64xf32, #tpu.memory_space<hbm>> -> memref<100001x64xf32, #tpu.memory_space<hbm>>
      tpu.enqueue_indirect_dma source(%dma_start3A_1593 : memref<100001x64xf32, #tpu.memory_space<hbm>>) target(%dma_start3A_1588 : memref<40x64xf32, #tpu.memory_space<vmem>>) offsets(%dma_start3A_1590 : memref<40xi32, #tpu.memory_space<vmem>>) semaphore(%arg10 : memref<!tpu.dma_semaphore, #tpu.memory_space<semaphore_mem>>)
      %dma_start3A_1594 = arith.constant 6 : i32
      %dma_start3A_1595 = arith.constant 0 : i32
      %dma_start3A_1596 = arith.constant 0 : i32
      %dma_start3A_1597 = tpu.memref_slice %arg8[%dma_start3A_1594, %dma_start3A_1595, %dma_start3A_1596] : memref<20x40x64xf32, #tpu.memory_space<vmem>> -> memref<1x40x64xf32, #tpu.memory_space<vmem>>
      %dma_start3A_1598 = tpu.memref_squeeze %dma_start3A_1597 : memref<1x40x64xf32, #tpu.memory_space<vmem>> -> memref<40x64xf32, #tpu.memory_space<vmem>>
      %dma_start3A_1599 = arith.constant 240 : i32
      %dma_start3A_1600 = tpu.memref_slice %arg6[%dma_start3A_1599] : memref<800xi32, #tpu.memory_space<vmem>> -> memref<40xi32, #tpu.memory_space<vmem>>
      %dma_start3A_1601 = arith.constant 0 : i32
      %dma_start3A_1602 = arith.constant 0 : i32
      %dma_start3A_1603 = tpu.memref_slice %arg2[%dma_start3A_1601, %dma_start3A_1602] : memref<100001x64xf32, #tpu.memory_space<hbm>> -> memref<100001x64xf32, #tpu.memory_space<hbm>>
      tpu.enqueue_indirect_dma source(%dma_start3A_1603 : memref<100001x64xf32, #tpu.memory_space<hbm>>) target(%dma_start3A_1598 : memref<40x64xf32, #tpu.memory_space<vmem>>) offsets(%dma_start3A_1600 : memref<40xi32, #tpu.memory_space<vmem>>) semaphore(%arg10 : memref<!tpu.dma_semaphore, #tpu.memory_space<semaphore_mem>>)
      %dma_start3A_1604 = arith.constant 7 : i32
      %dma_start3A_1605 = arith.constant 0 : i32
      %dma_start3A_1606 = arith.constant 0 : i32
      %dma_start3A_1607 = tpu.memref_slice %arg8[%dma_start3A_1604, %dma_start3A_1605, %dma_start3A_1606] : memref<20x40x64xf32, #tpu.memory_space<vmem>> -> memref<1x40x64xf32, #tpu.memory_space<vmem>>
      %dma_start3A_1608 = tpu.memref_squeeze %dma_start3A_1607 : memref<1x40x64xf32, #tpu.memory_space<vmem>> -> memref<40x64xf32, #tpu.memory_space<vmem>>
      %dma_start3A_1609 = arith.constant 280 : i32
      %dma_start3A_1610 = tpu.memref_slice %arg6[%dma_start3A_1609] : memref<800xi32, #tpu.memory_space<vmem>> -> memref<40xi32, #tpu.memory_space<vmem>>
      %dma_start3A_1611 = arith.constant 0 : i32
      %dma_start3A_1612 = arith.constant 0 : i32
      %dma_start3A_1613 = tpu.memref_slice %arg2[%dma_start3A_1611, %dma_start3A_1612] : memref<100001x64xf32, #tpu.memory_space<hbm>> -> memref<100001x64xf32, #tpu.memory_space<hbm>>
      tpu.enqueue_indirect_dma source(%dma_start3A_1613 : memref<100001x64xf32, #tpu.memory_space<hbm>>) target(%dma_start3A_1608 : memref<40x64xf32, #tpu.memory_space<vmem>>) offsets(%dma_start3A_1610 : memref<40xi32, #tpu.memory_space<vmem>>) semaphore(%arg10 : memref<!tpu.dma_semaphore, #tpu.memory_space<semaphore_mem>>)
      %dma_start3A_1614 = arith.constant 8 : i32
      %dma_start3A_1615 = arith.constant 0 : i32
      %dma_start3A_1616 = arith.constant 0 : i32
      %dma_start3A_1617 = tpu.memref_slice %arg8[%dma_start3A_1614, %dma_start3A_1615, %dma_start3A_1616] : memref<20x40x64xf32, #tpu.memory_space<vmem>> -> memref<1x40x64xf32, #tpu.memory_space<vmem>>
      %dma_start3A_1618 = tpu.memref_squeeze %dma_start3A_1617 : memref<1x40x64xf32, #tpu.memory_space<vmem>> -> memref<40x64xf32, #tpu.memory_space<vmem>>
      %dma_start3A_1619 = arith.constant 320 : i32
      %dma_start3A_1620 = tpu.memref_slice %arg6[%dma_start3A_1619] : memref<800xi32, #tpu.memory_space<vmem>> -> memref<40xi32, #tpu.memory_space<vmem>>
      %dma_start3A_1621 = arith.constant 0 : i32
      %dma_start3A_1622 = arith.constant 0 : i32
      %dma_start3A_1623 = tpu.memref_slice %arg2[%dma_start3A_1621, %dma_start3A_1622] : memref<100001x64xf32, #tpu.memory_space<hbm>> -> memref<100001x64xf32, #tpu.memory_space<hbm>>
      tpu.enqueue_indirect_dma source(%dma_start3A_1623 : memref<100001x64xf32, #tpu.memory_space<hbm>>) target(%dma_start3A_1618 : memref<40x64xf32, #tpu.memory_space<vmem>>) offsets(%dma_start3A_1620 : memref<40xi32, #tpu.memory_space<vmem>>) semaphore(%arg10 : memref<!tpu.dma_semaphore, #tpu.memory_space<semaphore_mem>>)
      %dma_start3A_1624 = arith.constant 9 : i32
      %dma_start3A_1625 = arith.constant 0 : i32
      %dma_start3A_1626 = arith.constant 0 : i32
      %dma_start3A_1627 = tpu.memref_slice %arg8[%dma_start3A_1624, %dma_start3A_1625, %dma_start3A_1626] : memref<20x40x64xf32, #tpu.memory_space<vmem>> -> memref<1x40x64xf32, #tpu.memory_space<vmem>>
      %dma_start3A_1628 = tpu.memref_squeeze %dma_start3A_1627 : memref<1x40x64xf32, #tpu.memory_space<vmem>> -> memref<40x64xf32, #tpu.memory_space<vmem>>
      %dma_start3A_1629 = arith.constant 360 : i32
      %dma_start3A_1630 = tpu.memref_slice %arg6[%dma_start3A_1629] : memref<800xi32, #tpu.memory_space<vmem>> -> memref<40xi32, #tpu.memory_space<vmem>>
      %dma_start3A_1631 = arith.constant 0 : i32
      %dma_start3A_1632 = arith.constant 0 : i32
      %dma_start3A_1633 = tpu.memref_slice %arg2[%dma_start3A_1631, %dma_start3A_1632] : memref<100001x64xf32, #tpu.memory_space<hbm>> -> memref<100001x64xf32, #tpu.memory_space<hbm>>
      tpu.enqueue_indirect_dma source(%dma_start3A_1633 : memref<100001x64xf32, #tpu.memory_space<hbm>>) target(%dma_start3A_1628 : memref<40x64xf32, #tpu.memory_space<vmem>>) offsets(%dma_start3A_1630 : memref<40xi32, #tpu.memory_space<vmem>>) semaphore(%arg10 : memref<!tpu.dma_semaphore, #tpu.memory_space<semaphore_mem>>)
      %dma_start3A_1634 = arith.constant 10 : i32
      %dma_start3A_1635 = arith.constant 0 : i32
      %dma_start3A_1636 = arith.constant 0 : i32
      %dma_start3A_1637 = tpu.memref_slice %arg8[%dma_start3A_1634, %dma_start3A_1635, %dma_start3A_1636] : memref<20x40x64xf32, #tpu.memory_space<vmem>> -> memref<1x40x64xf32, #tpu.memory_space<vmem>>
      %dma_start3A_1638 = tpu.memref_squeeze %dma_start3A_1637 : memref<1x40x64xf32, #tpu.memory_space<vmem>> -> memref<40x64xf32, #tpu.memory_space<vmem>>
      %dma_start3A_1639 = arith.constant 400 : i32
      %dma_start3A_1640 = tpu.memref_slice %arg6[%dma_start3A_1639] : memref<800xi32, #tpu.memory_space<vmem>> -> memref<40xi32, #tpu.memory_space<vmem>>
      %dma_start3A_1641 = arith.constant 0 : i32
      %dma_start3A_1642 = arith.constant 0 : i32
      %dma_start3A_1643 = tpu.memref_slice %arg2[%dma_start3A_1641, %dma_start3A_1642] : memref<100001x64xf32, #tpu.memory_space<hbm>> -> memref<100001x64xf32, #tpu.memory_space<hbm>>
      tpu.enqueue_indirect_dma source(%dma_start3A_1643 : memref<100001x64xf32, #tpu.memory_space<hbm>>) target(%dma_start3A_1638 : memref<40x64xf32, #tpu.memory_space<vmem>>) offsets(%dma_start3A_1640 : memref<40xi32, #tpu.memory_space<vmem>>) semaphore(%arg10 : memref<!tpu.dma_semaphore, #tpu.memory_space<semaphore_mem>>)
      %dma_start3A_1644 = arith.constant 11 : i32
      %dma_start3A_1645 = arith.constant 0 : i32
      %dma_start3A_1646 = arith.constant 0 : i32
      %dma_start3A_1647 = tpu.memref_slice %arg8[%dma_start3A_1644, %dma_start3A_1645, %dma_start3A_1646] : memref<20x40x64xf32, #tpu.memory_space<vmem>> -> memref<1x40x64xf32, #tpu.memory_space<vmem>>
      %dma_start3A_1648 = tpu.memref_squeeze %dma_start3A_1647 : memref<1x40x64xf32, #tpu.memory_space<vmem>> -> memref<40x64xf32, #tpu.memory_space<vmem>>
      %dma_start3A_1649 = arith.constant 440 : i32
      %dma_start3A_1650 = tpu.memref_slice %arg6[%dma_start3A_1649] : memref<800xi32, #tpu.memory_space<vmem>> -> memref<40xi32, #tpu.memory_space<vmem>>
      %dma_start3A_1651 = arith.constant 0 : i32
      %dma_start3A_1652 = arith.constant 0 : i32
      %dma_start3A_1653 = tpu.memref_slice %arg2[%dma_start3A_1651, %dma_start3A_1652] : memref<100001x64xf32, #tpu.memory_space<hbm>> -> memref<100001x64xf32, #tpu.memory_space<hbm>>
      tpu.enqueue_indirect_dma source(%dma_start3A_1653 : memref<100001x64xf32, #tpu.memory_space<hbm>>) target(%dma_start3A_1648 : memref<40x64xf32, #tpu.memory_space<vmem>>) offsets(%dma_start3A_1650 : memref<40xi32, #tpu.memory_space<vmem>>) semaphore(%arg10 : memref<!tpu.dma_semaphore, #tpu.memory_space<semaphore_mem>>)
      %dma_start3A_1654 = arith.constant 12 : i32
      %dma_start3A_1655 = arith.constant 0 : i32
      %dma_start3A_1656 = arith.constant 0 : i32
      %dma_start3A_1657 = tpu.memref_slice %arg8[%dma_start3A_1654, %dma_start3A_1655, %dma_start3A_1656] : memref<20x40x64xf32, #tpu.memory_space<vmem>> -> memref<1x40x64xf32, #tpu.memory_space<vmem>>
      %dma_start3A_1658 = tpu.memref_squeeze %dma_start3A_1657 : memref<1x40x64xf32, #tpu.memory_space<vmem>> -> memref<40x64xf32, #tpu.memory_space<vmem>>
      %dma_start3A_1659 = arith.constant 480 : i32
      %dma_start3A_1660 = tpu.memref_slice %arg6[%dma_start3A_1659] : memref<800xi32, #tpu.memory_space<vmem>> -> memref<40xi32, #tpu.memory_space<vmem>>
      %dma_start3A_1661 = arith.constant 0 : i32
      %dma_start3A_1662 = arith.constant 0 : i32
      %dma_start3A_1663 = tpu.memref_slice %arg2[%dma_start3A_1661, %dma_start3A_1662] : memref<100001x64xf32, #tpu.memory_space<hbm>> -> memref<100001x64xf32, #tpu.memory_space<hbm>>
      tpu.enqueue_indirect_dma source(%dma_start3A_1663 : memref<100001x64xf32, #tpu.memory_space<hbm>>) target(%dma_start3A_1658 : memref<40x64xf32, #tpu.memory_space<vmem>>) offsets(%dma_start3A_1660 : memref<40xi32, #tpu.memory_space<vmem>>) semaphore(%arg10 : memref<!tpu.dma_semaphore, #tpu.memory_space<semaphore_mem>>)
      %dma_start3A_1664 = arith.constant 13 : i32
      %dma_start3A_1665 = arith.constant 0 : i32
      %dma_start3A_1666 = arith.constant 0 : i32
      %dma_start3A_1667 = tpu.memref_slice %arg8[%dma_start3A_1664, %dma_start3A_1665, %dma_start3A_1666] : memref<20x40x64xf32, #tpu.memory_space<vmem>> -> memref<1x40x64xf32, #tpu.memory_space<vmem>>
      %dma_start3A_1668 = tpu.memref_squeeze %dma_start3A_1667 : memref<1x40x64xf32, #tpu.memory_space<vmem>> -> memref<40x64xf32, #tpu.memory_space<vmem>>
      %dma_start3A_1669 = arith.constant 520 : i32
      %dma_start3A_1670 = tpu.memref_slice %arg6[%dma_start3A_1669] : memref<800xi32, #tpu.memory_space<vmem>> -> memref<40xi32, #tpu.memory_space<vmem>>
      %dma_start3A_1671 = arith.constant 0 : i32
      %dma_start3A_1672 = arith.constant 0 : i32
      %dma_start3A_1673 = tpu.memref_slice %arg2[%dma_start3A_1671, %dma_start3A_1672] : memref<100001x64xf32, #tpu.memory_space<hbm>> -> memref<100001x64xf32, #tpu.memory_space<hbm>>
      tpu.enqueue_indirect_dma source(%dma_start3A_1673 : memref<100001x64xf32, #tpu.memory_space<hbm>>) target(%dma_start3A_1668 : memref<40x64xf32, #tpu.memory_space<vmem>>) offsets(%dma_start3A_1670 : memref<40xi32, #tpu.memory_space<vmem>>) semaphore(%arg10 : memref<!tpu.dma_semaphore, #tpu.memory_space<semaphore_mem>>)
      %dma_start3A_1674 = arith.constant 14 : i32
      %dma_start3A_1675 = arith.constant 0 : i32
      %dma_start3A_1676 = arith.constant 0 : i32
      %dma_start3A_1677 = tpu.memref_slice %arg8[%dma_start3A_1674, %dma_start3A_1675, %dma_start3A_1676] : memref<20x40x64xf32, #tpu.memory_space<vmem>> -> memref<1x40x64xf32, #tpu.memory_space<vmem>>
      %dma_start3A_1678 = tpu.memref_squeeze %dma_start3A_1677 : memref<1x40x64xf32, #tpu.memory_space<vmem>> -> memref<40x64xf32, #tpu.memory_space<vmem>>
      %dma_start3A_1679 = arith.constant 560 : i32
      %dma_start3A_1680 = tpu.memref_slice %arg6[%dma_start3A_1679] : memref<800xi32, #tpu.memory_space<vmem>> -> memref<40xi32, #tpu.memory_space<vmem>>
      %dma_start3A_1681 = arith.constant 0 : i32
      %dma_start3A_1682 = arith.constant 0 : i32
      %dma_start3A_1683 = tpu.memref_slice %arg2[%dma_start3A_1681, %dma_start3A_1682] : memref<100001x64xf32, #tpu.memory_space<hbm>> -> memref<100001x64xf32, #tpu.memory_space<hbm>>
      tpu.enqueue_indirect_dma source(%dma_start3A_1683 : memref<100001x64xf32, #tpu.memory_space<hbm>>) target(%dma_start3A_1678 : memref<40x64xf32, #tpu.memory_space<vmem>>) offsets(%dma_start3A_1680 : memref<40xi32, #tpu.memory_space<vmem>>) semaphore(%arg10 : memref<!tpu.dma_semaphore, #tpu.memory_space<semaphore_mem>>)
      %dma_start3A_1684 = arith.constant 15 : i32
      %dma_start3A_1685 = arith.constant 0 : i32
      %dma_start3A_1686 = arith.constant 0 : i32
      %dma_start3A_1687 = tpu.memref_slice %arg8[%dma_start3A_1684, %dma_start3A_1685, %dma_start3A_1686] : memref<20x40x64xf32, #tpu.memory_space<vmem>> -> memref<1x40x64xf32, #tpu.memory_space<vmem>>
      %dma_start3A_1688 = tpu.memref_squeeze %dma_start3A_1687 : memref<1x40x64xf32, #tpu.memory_space<vmem>> -> memref<40x64xf32, #tpu.memory_space<vmem>>
      %dma_start3A_1689 = arith.constant 600 : i32
      %dma_start3A_1690 = tpu.memref_slice %arg6[%dma_start3A_1689] : memref<800xi32, #tpu.memory_space<vmem>> -> memref<40xi32, #tpu.memory_space<vmem>>
      %dma_start3A_1691 = arith.constant 0 : i32
      %dma_start3A_1692 = arith.constant 0 : i32
      %dma_start3A_1693 = tpu.memref_slice %arg2[%dma_start3A_1691, %dma_start3A_1692] : memref<100001x64xf32, #tpu.memory_space<hbm>> -> memref<100001x64xf32, #tpu.memory_space<hbm>>
      tpu.enqueue_indirect_dma source(%dma_start3A_1693 : memref<100001x64xf32, #tpu.memory_space<hbm>>) target(%dma_start3A_1688 : memref<40x64xf32, #tpu.memory_space<vmem>>) offsets(%dma_start3A_1690 : memref<40xi32, #tpu.memory_space<vmem>>) semaphore(%arg10 : memref<!tpu.dma_semaphore, #tpu.memory_space<semaphore_mem>>)
      %dma_start3A_1694 = arith.constant 16 : i32
      %dma_start3A_1695 = arith.constant 0 : i32
      %dma_start3A_1696 = arith.constant 0 : i32
      %dma_start3A_1697 = tpu.memref_slice %arg8[%dma_start3A_1694, %dma_start3A_1695, %dma_start3A_1696] : memref<20x40x64xf32, #tpu.memory_space<vmem>> -> memref<1x40x64xf32, #tpu.memory_space<vmem>>
      %dma_start3A_1698 = tpu.memref_squeeze %dma_start3A_1697 : memref<1x40x64xf32, #tpu.memory_space<vmem>> -> memref<40x64xf32, #tpu.memory_space<vmem>>
      %dma_start3A_1699 = arith.constant 640 : i32
      %dma_start3A_1700 = tpu.memref_slice %arg6[%dma_start3A_1699] : memref<800xi32, #tpu.memory_space<vmem>> -> memref<40xi32, #tpu.memory_space<vmem>>
      %dma_start3A_1701 = arith.constant 0 : i32
      %dma_start3A_1702 = arith.constant 0 : i32
      %dma_start3A_1703 = tpu.memref_slice %arg2[%dma_start3A_1701, %dma_start3A_1702] : memref<100001x64xf32, #tpu.memory_space<hbm>> -> memref<100001x64xf32, #tpu.memory_space<hbm>>
      tpu.enqueue_indirect_dma source(%dma_start3A_1703 : memref<100001x64xf32, #tpu.memory_space<hbm>>) target(%dma_start3A_1698 : memref<40x64xf32, #tpu.memory_space<vmem>>) offsets(%dma_start3A_1700 : memref<40xi32, #tpu.memory_space<vmem>>) semaphore(%arg10 : memref<!tpu.dma_semaphore, #tpu.memory_space<semaphore_mem>>)
      %dma_start3A_1704 = arith.constant 17 : i32
      %dma_start3A_1705 = arith.constant 0 : i32
      %dma_start3A_1706 = arith.constant 0 : i32
      %dma_start3A_1707 = tpu.memref_slice %arg8[%dma_start3A_1704, %dma_start3A_1705, %dma_start3A_1706] : memref<20x40x64xf32, #tpu.memory_space<vmem>> -> memref<1x40x64xf32, #tpu.memory_space<vmem>>
      %dma_start3A_1708 = tpu.memref_squeeze %dma_start3A_1707 : memref<1x40x64xf32, #tpu.memory_space<vmem>> -> memref<40x64xf32, #tpu.memory_space<vmem>>
      %dma_start3A_1709 = arith.constant 680 : i32
      %dma_start3A_1710 = tpu.memref_slice %arg6[%dma_start3A_1709] : memref<800xi32, #tpu.memory_space<vmem>> -> memref<40xi32, #tpu.memory_space<vmem>>
      %dma_start3A_1711 = arith.constant 0 : i32
      %dma_start3A_1712 = arith.constant 0 : i32
      %dma_start3A_1713 = tpu.memref_slice %arg2[%dma_start3A_1711, %dma_start3A_1712] : memref<100001x64xf32, #tpu.memory_space<hbm>> -> memref<100001x64xf32, #tpu.memory_space<hbm>>
      tpu.enqueue_indirect_dma source(%dma_start3A_1713 : memref<100001x64xf32, #tpu.memory_space<hbm>>) target(%dma_start3A_1708 : memref<40x64xf32, #tpu.memory_space<vmem>>) offsets(%dma_start3A_1710 : memref<40xi32, #tpu.memory_space<vmem>>) semaphore(%arg10 : memref<!tpu.dma_semaphore, #tpu.memory_space<semaphore_mem>>)
      %dma_start3A_1714 = arith.constant 18 : i32
      %dma_start3A_1715 = arith.constant 0 : i32
      %dma_start3A_1716 = arith.constant 0 : i32
      %dma_start3A_1717 = tpu.memref_slice %arg8[%dma_start3A_1714, %dma_start3A_1715, %dma_start3A_1716] : memref<20x40x64xf32, #tpu.memory_space<vmem>> -> memref<1x40x64xf32, #tpu.memory_space<vmem>>
      %dma_start3A_1718 = tpu.memref_squeeze %dma_start3A_1717 : memref<1x40x64xf32, #tpu.memory_space<vmem>> -> memref<40x64xf32, #tpu.memory_space<vmem>>
      %dma_start3A_1719 = arith.constant 720 : i32
      %dma_start3A_1720 = tpu.memref_slice %arg6[%dma_start3A_1719] : memref<800xi32, #tpu.memory_space<vmem>> -> memref<40xi32, #tpu.memory_space<vmem>>
      %dma_start3A_1721 = arith.constant 0 : i32
      %dma_start3A_1722 = arith.constant 0 : i32
      %dma_start3A_1723 = tpu.memref_slice %arg2[%dma_start3A_1721, %dma_start3A_1722] : memref<100001x64xf32, #tpu.memory_space<hbm>> -> memref<100001x64xf32, #tpu.memory_space<hbm>>
      tpu.enqueue_indirect_dma source(%dma_start3A_1723 : memref<100001x64xf32, #tpu.memory_space<hbm>>) target(%dma_start3A_1718 : memref<40x64xf32, #tpu.memory_space<vmem>>) offsets(%dma_start3A_1720 : memref<40xi32, #tpu.memory_space<vmem>>) semaphore(%arg10 : memref<!tpu.dma_semaphore, #tpu.memory_space<semaphore_mem>>)
      %dma_start3A_1724 = arith.constant 19 : i32
      %dma_start3A_1725 = arith.constant 0 : i32
      %dma_start3A_1726 = arith.constant 0 : i32
      %dma_start3A_1727 = tpu.memref_slice %arg8[%dma_start3A_1724, %dma_start3A_1725, %dma_start3A_1726] : memref<20x40x64xf32, #tpu.memory_space<vmem>> -> memref<1x40x64xf32, #tpu.memory_space<vmem>>
      %dma_start3A_1728 = tpu.memref_squeeze %dma_start3A_1727 : memref<1x40x64xf32, #tpu.memory_space<vmem>> -> memref<40x64xf32, #tpu.memory_space<vmem>>
      %dma_start3A_1729 = arith.constant 760 : i32
      %dma_start3A_1730 = tpu.memref_slice %arg6[%dma_start3A_1729] : memref<800xi32, #tpu.memory_space<vmem>> -> memref<40xi32, #tpu.memory_space<vmem>>
      %dma_start3A_1731 = arith.constant 0 : i32
      %dma_start3A_1732 = arith.constant 0 : i32
      %dma_start3A_1733 = tpu.memref_slice %arg2[%dma_start3A_1731, %dma_start3A_1732] : memref<100001x64xf32, #tpu.memory_space<hbm>> -> memref<100001x64xf32, #tpu.memory_space<hbm>>
      tpu.enqueue_indirect_dma source(%dma_start3A_1733 : memref<100001x64xf32, #tpu.memory_space<hbm>>) target(%dma_start3A_1728 : memref<40x64xf32, #tpu.memory_space<vmem>>) offsets(%dma_start3A_1730 : memref<40xi32, #tpu.memory_space<vmem>>) semaphore(%arg10 : memref<!tpu.dma_semaphore, #tpu.memory_space<semaphore_mem>>)
      %dma_wait3A_1734 = arith.constant 0 : i32
      %dma_wait3A_1735 = arith.constant 0 : i32
      %dma_wait3A_1736 = arith.constant 0 : i32
      %dma_wait3A_1737 = tpu.memref_slice %arg7[%dma_wait3A_1734, %dma_wait3A_1735, %dma_wait3A_1736] : memref<20x40x64xf32, #tpu.memory_space<vmem>> -> memref<1x40x64xf32, #tpu.memory_space<vmem>>
      %dma_wait3A_1738 = tpu.memref_squeeze %dma_wait3A_1737 : memref<1x40x64xf32, #tpu.memory_space<vmem>> -> memref<40x64xf32, #tpu.memory_space<vmem>>
      %dma_wait3A_1739 = arith.constant 0 : i32
      %dma_wait3A_1740 = tpu.memref_slice %arg5[%dma_wait3A_1739] : memref<800xi32, #tpu.memory_space<vmem>> -> memref<40xi32, #tpu.memory_space<vmem>>
      %dma_wait3A_1741 = arith.constant 0 : i32
      %dma_wait3A_1742 = arith.constant 0 : i32
      %dma_wait3A_1743 = tpu.memref_slice %arg2[%dma_wait3A_1741, %dma_wait3A_1742] : memref<100001x64xf32, #tpu.memory_space<hbm>> -> memref<100001x64xf32, #tpu.memory_space<hbm>>
      tpu.wait_indirect_dma semaphore(%arg9 : memref<!tpu.dma_semaphore, #tpu.memory_space<semaphore_mem>>) src(%dma_wait3A_1743 : memref<100001x64xf32, #tpu.memory_space<hbm>>) dst(%dma_wait3A_1738 : memref<40x64xf32, #tpu.memory_space<vmem>>)
      %dma_wait3A_1744 = arith.constant 1 : i32
      %dma_wait3A_1745 = arith.constant 0 : i32
      %dma_wait3A_1746 = arith.constant 0 : i32
      %dma_wait3A_1747 = tpu.memref_slice %arg7[%dma_wait3A_1744, %dma_wait3A_1745, %dma_wait3A_1746] : memref<20x40x64xf32, #tpu.memory_space<vmem>> -> memref<1x40x64xf32, #tpu.memory_space<vmem>>
      %dma_wait3A_1748 = tpu.memref_squeeze %dma_wait3A_1747 : memref<1x40x64xf32, #tpu.memory_space<vmem>> -> memref<40x64xf32, #tpu.memory_space<vmem>>
      %dma_wait3A_1749 = arith.constant 40 : i32
      %dma_wait3A_1750 = tpu.memref_slice %arg5[%dma_wait3A_1749] : memref<800xi32, #tpu.memory_space<vmem>> -> memref<40xi32, #tpu.memory_space<vmem>>
      %dma_wait3A_1751 = arith.constant 0 : i32
      %dma_wait3A_1752 = arith.constant 0 : i32
      %dma_wait3A_1753 = tpu.memref_slice %arg2[%dma_wait3A_1751, %dma_wait3A_1752] : memref<100001x64xf32, #tpu.memory_space<hbm>> -> memref<100001x64xf32, #tpu.memory_space<hbm>>
      tpu.wait_indirect_dma semaphore(%arg9 : memref<!tpu.dma_semaphore, #tpu.memory_space<semaphore_mem>>) src(%dma_wait3A_1753 : memref<100001x64xf32, #tpu.memory_space<hbm>>) dst(%dma_wait3A_1748 : memref<40x64xf32, #tpu.memory_space<vmem>>)
      %dma_wait3A_1754 = arith.constant 2 : i32
      %dma_wait3A_1755 = arith.constant 0 : i32
      %dma_wait3A_1756 = arith.constant 0 : i32
      %dma_wait3A_1757 = tpu.memref_slice %arg7[%dma_wait3A_1754, %dma_wait3A_1755, %dma_wait3A_1756] : memref<20x40x64xf32, #tpu.memory_space<vmem>> -> memref<1x40x64xf32, #tpu.memory_space<vmem>>
      %dma_wait3A_1758 = tpu.memref_squeeze %dma_wait3A_1757 : memref<1x40x64xf32, #tpu.memory_space<vmem>> -> memref<40x64xf32, #tpu.memory_space<vmem>>
      %dma_wait3A_1759 = arith.constant 80 : i32
      %dma_wait3A_1760 = tpu.memref_slice %arg5[%dma_wait3A_1759] : memref<800xi32, #tpu.memory_space<vmem>> -> memref<40xi32, #tpu.memory_space<vmem>>
      %dma_wait3A_1761 = arith.constant 0 : i32
      %dma_wait3A_1762 = arith.constant 0 : i32
      %dma_wait3A_1763 = tpu.memref_slice %arg2[%dma_wait3A_1761, %dma_wait3A_1762] : memref<100001x64xf32, #tpu.memory_space<hbm>> -> memref<100001x64xf32, #tpu.memory_space<hbm>>
      tpu.wait_indirect_dma semaphore(%arg9 : memref<!tpu.dma_semaphore, #tpu.memory_space<semaphore_mem>>) src(%dma_wait3A_1763 : memref<100001x64xf32, #tpu.memory_space<hbm>>) dst(%dma_wait3A_1758 : memref<40x64xf32, #tpu.memory_space<vmem>>)
      %dma_wait3A_1764 = arith.constant 3 : i32
      %dma_wait3A_1765 = arith.constant 0 : i32
      %dma_wait3A_1766 = arith.constant 0 : i32
      %dma_wait3A_1767 = tpu.memref_slice %arg7[%dma_wait3A_1764, %dma_wait3A_1765, %dma_wait3A_1766] : memref<20x40x64xf32, #tpu.memory_space<vmem>> -> memref<1x40x64xf32, #tpu.memory_space<vmem>>
      %dma_wait3A_1768 = tpu.memref_squeeze %dma_wait3A_1767 : memref<1x40x64xf32, #tpu.memory_space<vmem>> -> memref<40x64xf32, #tpu.memory_space<vmem>>
      %dma_wait3A_1769 = arith.constant 120 : i32
      %dma_wait3A_1770 = tpu.memref_slice %arg5[%dma_wait3A_1769] : memref<800xi32, #tpu.memory_space<vmem>> -> memref<40xi32, #tpu.memory_space<vmem>>
      %dma_wait3A_1771 = arith.constant 0 : i32
      %dma_wait3A_1772 = arith.constant 0 : i32
      %dma_wait3A_1773 = tpu.memref_slice %arg2[%dma_wait3A_1771, %dma_wait3A_1772] : memref<100001x64xf32, #tpu.memory_space<hbm>> -> memref<100001x64xf32, #tpu.memory_space<hbm>>
      tpu.wait_indirect_dma semaphore(%arg9 : memref<!tpu.dma_semaphore, #tpu.memory_space<semaphore_mem>>) src(%dma_wait3A_1773 : memref<100001x64xf32, #tpu.memory_space<hbm>>) dst(%dma_wait3A_1768 : memref<40x64xf32, #tpu.memory_space<vmem>>)
      %dma_wait3A_1774 = arith.constant 4 : i32
      %dma_wait3A_1775 = arith.constant 0 : i32
      %dma_wait3A_1776 = arith.constant 0 : i32
      %dma_wait3A_1777 = tpu.memref_slice %arg7[%dma_wait3A_1774, %dma_wait3A_1775, %dma_wait3A_1776] : memref<20x40x64xf32, #tpu.memory_space<vmem>> -> memref<1x40x64xf32, #tpu.memory_space<vmem>>
      %dma_wait3A_1778 = tpu.memref_squeeze %dma_wait3A_1777 : memref<1x40x64xf32, #tpu.memory_space<vmem>> -> memref<40x64xf32, #tpu.memory_space<vmem>>
      %dma_wait3A_1779 = arith.constant 160 : i32
      %dma_wait3A_1780 = tpu.memref_slice %arg5[%dma_wait3A_1779] : memref<800xi32, #tpu.memory_space<vmem>> -> memref<40xi32, #tpu.memory_space<vmem>>
      %dma_wait3A_1781 = arith.constant 0 : i32
      %dma_wait3A_1782 = arith.constant 0 : i32
      %dma_wait3A_1783 = tpu.memref_slice %arg2[%dma_wait3A_1781, %dma_wait3A_1782] : memref<100001x64xf32, #tpu.memory_space<hbm>> -> memref<100001x64xf32, #tpu.memory_space<hbm>>
      tpu.wait_indirect_dma semaphore(%arg9 : memref<!tpu.dma_semaphore, #tpu.memory_space<semaphore_mem>>) src(%dma_wait3A_1783 : memref<100001x64xf32, #tpu.memory_space<hbm>>) dst(%dma_wait3A_1778 : memref<40x64xf32, #tpu.memory_space<vmem>>)
      %dma_wait3A_1784 = arith.constant 5 : i32
      %dma_wait3A_1785 = arith.constant 0 : i32
      %dma_wait3A_1786 = arith.constant 0 : i32
      %dma_wait3A_1787 = tpu.memref_slice %arg7[%dma_wait3A_1784, %dma_wait3A_1785, %dma_wait3A_1786] : memref<20x40x64xf32, #tpu.memory_space<vmem>> -> memref<1x40x64xf32, #tpu.memory_space<vmem>>
      %dma_wait3A_1788 = tpu.memref_squeeze %dma_wait3A_1787 : memref<1x40x64xf32, #tpu.memory_space<vmem>> -> memref<40x64xf32, #tpu.memory_space<vmem>>
      %dma_wait3A_1789 = arith.constant 200 : i32
      %dma_wait3A_1790 = tpu.memref_slice %arg5[%dma_wait3A_1789] : memref<800xi32, #tpu.memory_space<vmem>> -> memref<40xi32, #tpu.memory_space<vmem>>
      %dma_wait3A_1791 = arith.constant 0 : i32
      %dma_wait3A_1792 = arith.constant 0 : i32
      %dma_wait3A_1793 = tpu.memref_slice %arg2[%dma_wait3A_1791, %dma_wait3A_1792] : memref<100001x64xf32, #tpu.memory_space<hbm>> -> memref<100001x64xf32, #tpu.memory_space<hbm>>
      tpu.wait_indirect_dma semaphore(%arg9 : memref<!tpu.dma_semaphore, #tpu.memory_space<semaphore_mem>>) src(%dma_wait3A_1793 : memref<100001x64xf32, #tpu.memory_space<hbm>>) dst(%dma_wait3A_1788 : memref<40x64xf32, #tpu.memory_space<vmem>>)
      %dma_wait3A_1794 = arith.constant 6 : i32
      %dma_wait3A_1795 = arith.constant 0 : i32
      %dma_wait3A_1796 = arith.constant 0 : i32
      %dma_wait3A_1797 = tpu.memref_slice %arg7[%dma_wait3A_1794, %dma_wait3A_1795, %dma_wait3A_1796] : memref<20x40x64xf32, #tpu.memory_space<vmem>> -> memref<1x40x64xf32, #tpu.memory_space<vmem>>
      %dma_wait3A_1798 = tpu.memref_squeeze %dma_wait3A_1797 : memref<1x40x64xf32, #tpu.memory_space<vmem>> -> memref<40x64xf32, #tpu.memory_space<vmem>>
      %dma_wait3A_1799 = arith.constant 240 : i32
      %dma_wait3A_1800 = tpu.memref_slice %arg5[%dma_wait3A_1799] : memref<800xi32, #tpu.memory_space<vmem>> -> memref<40xi32, #tpu.memory_space<vmem>>
      %dma_wait3A_1801 = arith.constant 0 : i32
      %dma_wait3A_1802 = arith.constant 0 : i32
      %dma_wait3A_1803 = tpu.memref_slice %arg2[%dma_wait3A_1801, %dma_wait3A_1802] : memref<100001x64xf32, #tpu.memory_space<hbm>> -> memref<100001x64xf32, #tpu.memory_space<hbm>>
      tpu.wait_indirect_dma semaphore(%arg9 : memref<!tpu.dma_semaphore, #tpu.memory_space<semaphore_mem>>) src(%dma_wait3A_1803 : memref<100001x64xf32, #tpu.memory_space<hbm>>) dst(%dma_wait3A_1798 : memref<40x64xf32, #tpu.memory_space<vmem>>)
      %dma_wait3A_1804 = arith.constant 7 : i32
      %dma_wait3A_1805 = arith.constant 0 : i32
      %dma_wait3A_1806 = arith.constant 0 : i32
      %dma_wait3A_1807 = tpu.memref_slice %arg7[%dma_wait3A_1804, %dma_wait3A_1805, %dma_wait3A_1806] : memref<20x40x64xf32, #tpu.memory_space<vmem>> -> memref<1x40x64xf32, #tpu.memory_space<vmem>>
      %dma_wait3A_1808 = tpu.memref_squeeze %dma_wait3A_1807 : memref<1x40x64xf32, #tpu.memory_space<vmem>> -> memref<40x64xf32, #tpu.memory_space<vmem>>
      %dma_wait3A_1809 = arith.constant 280 : i32
      %dma_wait3A_1810 = tpu.memref_slice %arg5[%dma_wait3A_1809] : memref<800xi32, #tpu.memory_space<vmem>> -> memref<40xi32, #tpu.memory_space<vmem>>
      %dma_wait3A_1811 = arith.constant 0 : i32
      %dma_wait3A_1812 = arith.constant 0 : i32
      %dma_wait3A_1813 = tpu.memref_slice %arg2[%dma_wait3A_1811, %dma_wait3A_1812] : memref<100001x64xf32, #tpu.memory_space<hbm>> -> memref<100001x64xf32, #tpu.memory_space<hbm>>
      tpu.wait_indirect_dma semaphore(%arg9 : memref<!tpu.dma_semaphore, #tpu.memory_space<semaphore_mem>>) src(%dma_wait3A_1813 : memref<100001x64xf32, #tpu.memory_space<hbm>>) dst(%dma_wait3A_1808 : memref<40x64xf32, #tpu.memory_space<vmem>>)
      %dma_wait3A_1814 = arith.constant 8 : i32
      %dma_wait3A_1815 = arith.constant 0 : i32
      %dma_wait3A_1816 = arith.constant 0 : i32
      %dma_wait3A_1817 = tpu.memref_slice %arg7[%dma_wait3A_1814, %dma_wait3A_1815, %dma_wait3A_1816] : memref<20x40x64xf32, #tpu.memory_space<vmem>> -> memref<1x40x64xf32, #tpu.memory_space<vmem>>
      %dma_wait3A_1818 = tpu.memref_squeeze %dma_wait3A_1817 : memref<1x40x64xf32, #tpu.memory_space<vmem>> -> memref<40x64xf32, #tpu.memory_space<vmem>>
      %dma_wait3A_1819 = arith.constant 320 : i32
      %dma_wait3A_1820 = tpu.memref_slice %arg5[%dma_wait3A_1819] : memref<800xi32, #tpu.memory_space<vmem>> -> memref<40xi32, #tpu.memory_space<vmem>>
      %dma_wait3A_1821 = arith.constant 0 : i32
      %dma_wait3A_1822 = arith.constant 0 : i32
      %dma_wait3A_1823 = tpu.memref_slice %arg2[%dma_wait3A_1821, %dma_wait3A_1822] : memref<100001x64xf32, #tpu.memory_space<hbm>> -> memref<100001x64xf32, #tpu.memory_space<hbm>>
      tpu.wait_indirect_dma semaphore(%arg9 : memref<!tpu.dma_semaphore, #tpu.memory_space<semaphore_mem>>) src(%dma_wait3A_1823 : memref<100001x64xf32, #tpu.memory_space<hbm>>) dst(%dma_wait3A_1818 : memref<40x64xf32, #tpu.memory_space<vmem>>)
      %dma_wait3A_1824 = arith.constant 9 : i32
      %dma_wait3A_1825 = arith.constant 0 : i32
      %dma_wait3A_1826 = arith.constant 0 : i32
      %dma_wait3A_1827 = tpu.memref_slice %arg7[%dma_wait3A_1824, %dma_wait3A_1825, %dma_wait3A_1826] : memref<20x40x64xf32, #tpu.memory_space<vmem>> -> memref<1x40x64xf32, #tpu.memory_space<vmem>>
      %dma_wait3A_1828 = tpu.memref_squeeze %dma_wait3A_1827 : memref<1x40x64xf32, #tpu.memory_space<vmem>> -> memref<40x64xf32, #tpu.memory_space<vmem>>
      %dma_wait3A_1829 = arith.constant 360 : i32
      %dma_wait3A_1830 = tpu.memref_slice %arg5[%dma_wait3A_1829] : memref<800xi32, #tpu.memory_space<vmem>> -> memref<40xi32, #tpu.memory_space<vmem>>
      %dma_wait3A_1831 = arith.constant 0 : i32
      %dma_wait3A_1832 = arith.constant 0 : i32
      %dma_wait3A_1833 = tpu.memref_slice %arg2[%dma_wait3A_1831, %dma_wait3A_1832] : memref<100001x64xf32, #tpu.memory_space<hbm>> -> memref<100001x64xf32, #tpu.memory_space<hbm>>
      tpu.wait_indirect_dma semaphore(%arg9 : memref<!tpu.dma_semaphore, #tpu.memory_space<semaphore_mem>>) src(%dma_wait3A_1833 : memref<100001x64xf32, #tpu.memory_space<hbm>>) dst(%dma_wait3A_1828 : memref<40x64xf32, #tpu.memory_space<vmem>>)
      %dma_wait3A_1834 = arith.constant 10 : i32
      %dma_wait3A_1835 = arith.constant 0 : i32
      %dma_wait3A_1836 = arith.constant 0 : i32
      %dma_wait3A_1837 = tpu.memref_slice %arg7[%dma_wait3A_1834, %dma_wait3A_1835, %dma_wait3A_1836] : memref<20x40x64xf32, #tpu.memory_space<vmem>> -> memref<1x40x64xf32, #tpu.memory_space<vmem>>
      %dma_wait3A_1838 = tpu.memref_squeeze %dma_wait3A_1837 : memref<1x40x64xf32, #tpu.memory_space<vmem>> -> memref<40x64xf32, #tpu.memory_space<vmem>>
      %dma_wait3A_1839 = arith.constant 400 : i32
      %dma_wait3A_1840 = tpu.memref_slice %arg5[%dma_wait3A_1839] : memref<800xi32, #tpu.memory_space<vmem>> -> memref<40xi32, #tpu.memory_space<vmem>>
      %dma_wait3A_1841 = arith.constant 0 : i32
      %dma_wait3A_1842 = arith.constant 0 : i32
      %dma_wait3A_1843 = tpu.memref_slice %arg2[%dma_wait3A_1841, %dma_wait3A_1842] : memref<100001x64xf32, #tpu.memory_space<hbm>> -> memref<100001x64xf32, #tpu.memory_space<hbm>>
      tpu.wait_indirect_dma semaphore(%arg9 : memref<!tpu.dma_semaphore, #tpu.memory_space<semaphore_mem>>) src(%dma_wait3A_1843 : memref<100001x64xf32, #tpu.memory_space<hbm>>) dst(%dma_wait3A_1838 : memref<40x64xf32, #tpu.memory_space<vmem>>)
      %dma_wait3A_1844 = arith.constant 11 : i32
      %dma_wait3A_1845 = arith.constant 0 : i32
      %dma_wait3A_1846 = arith.constant 0 : i32
      %dma_wait3A_1847 = tpu.memref_slice %arg7[%dma_wait3A_1844, %dma_wait3A_1845, %dma_wait3A_1846] : memref<20x40x64xf32, #tpu.memory_space<vmem>> -> memref<1x40x64xf32, #tpu.memory_space<vmem>>
      %dma_wait3A_1848 = tpu.memref_squeeze %dma_wait3A_1847 : memref<1x40x64xf32, #tpu.memory_space<vmem>> -> memref<40x64xf32, #tpu.memory_space<vmem>>
      %dma_wait3A_1849 = arith.constant 440 : i32
      %dma_wait3A_1850 = tpu.memref_slice %arg5[%dma_wait3A_1849] : memref<800xi32, #tpu.memory_space<vmem>> -> memref<40xi32, #tpu.memory_space<vmem>>
      %dma_wait3A_1851 = arith.constant 0 : i32
      %dma_wait3A_1852 = arith.constant 0 : i32
      %dma_wait3A_1853 = tpu.memref_slice %arg2[%dma_wait3A_1851, %dma_wait3A_1852] : memref<100001x64xf32, #tpu.memory_space<hbm>> -> memref<100001x64xf32, #tpu.memory_space<hbm>>
      tpu.wait_indirect_dma semaphore(%arg9 : memref<!tpu.dma_semaphore, #tpu.memory_space<semaphore_mem>>) src(%dma_wait3A_1853 : memref<100001x64xf32, #tpu.memory_space<hbm>>) dst(%dma_wait3A_1848 : memref<40x64xf32, #tpu.memory_space<vmem>>)
      %dma_wait3A_1854 = arith.constant 12 : i32
      %dma_wait3A_1855 = arith.constant 0 : i32
      %dma_wait3A_1856 = arith.constant 0 : i32
      %dma_wait3A_1857 = tpu.memref_slice %arg7[%dma_wait3A_1854, %dma_wait3A_1855, %dma_wait3A_1856] : memref<20x40x64xf32, #tpu.memory_space<vmem>> -> memref<1x40x64xf32, #tpu.memory_space<vmem>>
      %dma_wait3A_1858 = tpu.memref_squeeze %dma_wait3A_1857 : memref<1x40x64xf32, #tpu.memory_space<vmem>> -> memref<40x64xf32, #tpu.memory_space<vmem>>
      %dma_wait3A_1859 = arith.constant 480 : i32
      %dma_wait3A_1860 = tpu.memref_slice %arg5[%dma_wait3A_1859] : memref<800xi32, #tpu.memory_space<vmem>> -> memref<40xi32, #tpu.memory_space<vmem>>
      %dma_wait3A_1861 = arith.constant 0 : i32
      %dma_wait3A_1862 = arith.constant 0 : i32
      %dma_wait3A_1863 = tpu.memref_slice %arg2[%dma_wait3A_1861, %dma_wait3A_1862] : memref<100001x64xf32, #tpu.memory_space<hbm>> -> memref<100001x64xf32, #tpu.memory_space<hbm>>
      tpu.wait_indirect_dma semaphore(%arg9 : memref<!tpu.dma_semaphore, #tpu.memory_space<semaphore_mem>>) src(%dma_wait3A_1863 : memref<100001x64xf32, #tpu.memory_space<hbm>>) dst(%dma_wait3A_1858 : memref<40x64xf32, #tpu.memory_space<vmem>>)
      %dma_wait3A_1864 = arith.constant 13 : i32
      %dma_wait3A_1865 = arith.constant 0 : i32
      %dma_wait3A_1866 = arith.constant 0 : i32
      %dma_wait3A_1867 = tpu.memref_slice %arg7[%dma_wait3A_1864, %dma_wait3A_1865, %dma_wait3A_1866] : memref<20x40x64xf32, #tpu.memory_space<vmem>> -> memref<1x40x64xf32, #tpu.memory_space<vmem>>
      %dma_wait3A_1868 = tpu.memref_squeeze %dma_wait3A_1867 : memref<1x40x64xf32, #tpu.memory_space<vmem>> -> memref<40x64xf32, #tpu.memory_space<vmem>>
      %dma_wait3A_1869 = arith.constant 520 : i32
      %dma_wait3A_1870 = tpu.memref_slice %arg5[%dma_wait3A_1869] : memref<800xi32, #tpu.memory_space<vmem>> -> memref<40xi32, #tpu.memory_space<vmem>>
      %dma_wait3A_1871 = arith.constant 0 : i32
      %dma_wait3A_1872 = arith.constant 0 : i32
      %dma_wait3A_1873 = tpu.memref_slice %arg2[%dma_wait3A_1871, %dma_wait3A_1872] : memref<100001x64xf32, #tpu.memory_space<hbm>> -> memref<100001x64xf32, #tpu.memory_space<hbm>>
      tpu.wait_indirect_dma semaphore(%arg9 : memref<!tpu.dma_semaphore, #tpu.memory_space<semaphore_mem>>) src(%dma_wait3A_1873 : memref<100001x64xf32, #tpu.memory_space<hbm>>) dst(%dma_wait3A_1868 : memref<40x64xf32, #tpu.memory_space<vmem>>)
      %dma_wait3A_1874 = arith.constant 14 : i32
      %dma_wait3A_1875 = arith.constant 0 : i32
      %dma_wait3A_1876 = arith.constant 0 : i32
      %dma_wait3A_1877 = tpu.memref_slice %arg7[%dma_wait3A_1874, %dma_wait3A_1875, %dma_wait3A_1876] : memref<20x40x64xf32, #tpu.memory_space<vmem>> -> memref<1x40x64xf32, #tpu.memory_space<vmem>>
      %dma_wait3A_1878 = tpu.memref_squeeze %dma_wait3A_1877 : memref<1x40x64xf32, #tpu.memory_space<vmem>> -> memref<40x64xf32, #tpu.memory_space<vmem>>
      %dma_wait3A_1879 = arith.constant 560 : i32
      %dma_wait3A_1880 = tpu.memref_slice %arg5[%dma_wait3A_1879] : memref<800xi32, #tpu.memory_space<vmem>> -> memref<40xi32, #tpu.memory_space<vmem>>
      %dma_wait3A_1881 = arith.constant 0 : i32
      %dma_wait3A_1882 = arith.constant 0 : i32
      %dma_wait3A_1883 = tpu.memref_slice %arg2[%dma_wait3A_1881, %dma_wait3A_1882] : memref<100001x64xf32, #tpu.memory_space<hbm>> -> memref<100001x64xf32, #tpu.memory_space<hbm>>
      tpu.wait_indirect_dma semaphore(%arg9 : memref<!tpu.dma_semaphore, #tpu.memory_space<semaphore_mem>>) src(%dma_wait3A_1883 : memref<100001x64xf32, #tpu.memory_space<hbm>>) dst(%dma_wait3A_1878 : memref<40x64xf32, #tpu.memory_space<vmem>>)
      %dma_wait3A_1884 = arith.constant 15 : i32
      %dma_wait3A_1885 = arith.constant 0 : i32
      %dma_wait3A_1886 = arith.constant 0 : i32
      %dma_wait3A_1887 = tpu.memref_slice %arg7[%dma_wait3A_1884, %dma_wait3A_1885, %dma_wait3A_1886] : memref<20x40x64xf32, #tpu.memory_space<vmem>> -> memref<1x40x64xf32, #tpu.memory_space<vmem>>
      %dma_wait3A_1888 = tpu.memref_squeeze %dma_wait3A_1887 : memref<1x40x64xf32, #tpu.memory_space<vmem>> -> memref<40x64xf32, #tpu.memory_space<vmem>>
      %dma_wait3A_1889 = arith.constant 600 : i32
      %dma_wait3A_1890 = tpu.memref_slice %arg5[%dma_wait3A_1889] : memref<800xi32, #tpu.memory_space<vmem>> -> memref<40xi32, #tpu.memory_space<vmem>>
      %dma_wait3A_1891 = arith.constant 0 : i32
      %dma_wait3A_1892 = arith.constant 0 : i32
      %dma_wait3A_1893 = tpu.memref_slice %arg2[%dma_wait3A_1891, %dma_wait3A_1892] : memref<100001x64xf32, #tpu.memory_space<hbm>> -> memref<100001x64xf32, #tpu.memory_space<hbm>>
      tpu.wait_indirect_dma semaphore(%arg9 : memref<!tpu.dma_semaphore, #tpu.memory_space<semaphore_mem>>) src(%dma_wait3A_1893 : memref<100001x64xf32, #tpu.memory_space<hbm>>) dst(%dma_wait3A_1888 : memref<40x64xf32, #tpu.memory_space<vmem>>)
      %dma_wait3A_1894 = arith.constant 16 : i32
      %dma_wait3A_1895 = arith.constant 0 : i32
      %dma_wait3A_1896 = arith.constant 0 : i32
      %dma_wait3A_1897 = tpu.memref_slice %arg7[%dma_wait3A_1894, %dma_wait3A_1895, %dma_wait3A_1896] : memref<20x40x64xf32, #tpu.memory_space<vmem>> -> memref<1x40x64xf32, #tpu.memory_space<vmem>>
      %dma_wait3A_1898 = tpu.memref_squeeze %dma_wait3A_1897 : memref<1x40x64xf32, #tpu.memory_space<vmem>> -> memref<40x64xf32, #tpu.memory_space<vmem>>
      %dma_wait3A_1899 = arith.constant 640 : i32
      %dma_wait3A_1900 = tpu.memref_slice %arg5[%dma_wait3A_1899] : memref<800xi32, #tpu.memory_space<vmem>> -> memref<40xi32, #tpu.memory_space<vmem>>
      %dma_wait3A_1901 = arith.constant 0 : i32
      %dma_wait3A_1902 = arith.constant 0 : i32
      %dma_wait3A_1903 = tpu.memref_slice %arg2[%dma_wait3A_1901, %dma_wait3A_1902] : memref<100001x64xf32, #tpu.memory_space<hbm>> -> memref<100001x64xf32, #tpu.memory_space<hbm>>
      tpu.wait_indirect_dma semaphore(%arg9 : memref<!tpu.dma_semaphore, #tpu.memory_space<semaphore_mem>>) src(%dma_wait3A_1903 : memref<100001x64xf32, #tpu.memory_space<hbm>>) dst(%dma_wait3A_1898 : memref<40x64xf32, #tpu.memory_space<vmem>>)
      %dma_wait3A_1904 = arith.constant 17 : i32
      %dma_wait3A_1905 = arith.constant 0 : i32
      %dma_wait3A_1906 = arith.constant 0 : i32
      %dma_wait3A_1907 = tpu.memref_slice %arg7[%dma_wait3A_1904, %dma_wait3A_1905, %dma_wait3A_1906] : memref<20x40x64xf32, #tpu.memory_space<vmem>> -> memref<1x40x64xf32, #tpu.memory_space<vmem>>
      %dma_wait3A_1908 = tpu.memref_squeeze %dma_wait3A_1907 : memref<1x40x64xf32, #tpu.memory_space<vmem>> -> memref<40x64xf32, #tpu.memory_space<vmem>>
      %dma_wait3A_1909 = arith.constant 680 : i32
      %dma_wait3A_1910 = tpu.memref_slice %arg5[%dma_wait3A_1909] : memref<800xi32, #tpu.memory_space<vmem>> -> memref<40xi32, #tpu.memory_space<vmem>>
      %dma_wait3A_1911 = arith.constant 0 : i32
      %dma_wait3A_1912 = arith.constant 0 : i32
      %dma_wait3A_1913 = tpu.memref_slice %arg2[%dma_wait3A_1911, %dma_wait3A_1912] : memref<100001x64xf32, #tpu.memory_space<hbm>> -> memref<100001x64xf32, #tpu.memory_space<hbm>>
      tpu.wait_indirect_dma semaphore(%arg9 : memref<!tpu.dma_semaphore, #tpu.memory_space<semaphore_mem>>) src(%dma_wait3A_1913 : memref<100001x64xf32, #tpu.memory_space<hbm>>) dst(%dma_wait3A_1908 : memref<40x64xf32, #tpu.memory_space<vmem>>)
      %dma_wait3A_1914 = arith.constant 18 : i32
      %dma_wait3A_1915 = arith.constant 0 : i32
      %dma_wait3A_1916 = arith.constant 0 : i32
      %dma_wait3A_1917 = tpu.memref_slice %arg7[%dma_wait3A_1914, %dma_wait3A_1915, %dma_wait3A_1916] : memref<20x40x64xf32, #tpu.memory_space<vmem>> -> memref<1x40x64xf32, #tpu.memory_space<vmem>>
      %dma_wait3A_1918 = tpu.memref_squeeze %dma_wait3A_1917 : memref<1x40x64xf32, #tpu.memory_space<vmem>> -> memref<40x64xf32, #tpu.memory_space<vmem>>
      %dma_wait3A_1919 = arith.constant 720 : i32
      %dma_wait3A_1920 = tpu.memref_slice %arg5[%dma_wait3A_1919] : memref<800xi32, #tpu.memory_space<vmem>> -> memref<40xi32, #tpu.memory_space<vmem>>
      %dma_wait3A_1921 = arith.constant 0 : i32
      %dma_wait3A_1922 = arith.constant 0 : i32
      %dma_wait3A_1923 = tpu.memref_slice %arg2[%dma_wait3A_1921, %dma_wait3A_1922] : memref<100001x64xf32, #tpu.memory_space<hbm>> -> memref<100001x64xf32, #tpu.memory_space<hbm>>
      tpu.wait_indirect_dma semaphore(%arg9 : memref<!tpu.dma_semaphore, #tpu.memory_space<semaphore_mem>>) src(%dma_wait3A_1923 : memref<100001x64xf32, #tpu.memory_space<hbm>>) dst(%dma_wait3A_1918 : memref<40x64xf32, #tpu.memory_space<vmem>>)
      %dma_wait3A_1924 = arith.constant 19 : i32
      %dma_wait3A_1925 = arith.constant 0 : i32
      %dma_wait3A_1926 = arith.constant 0 : i32
      %dma_wait3A_1927 = tpu.memref_slice %arg7[%dma_wait3A_1924, %dma_wait3A_1925, %dma_wait3A_1926] : memref<20x40x64xf32, #tpu.memory_space<vmem>> -> memref<1x40x64xf32, #tpu.memory_space<vmem>>
      %dma_wait3A_1928 = tpu.memref_squeeze %dma_wait3A_1927 : memref<1x40x64xf32, #tpu.memory_space<vmem>> -> memref<40x64xf32, #tpu.memory_space<vmem>>
      %dma_wait3A_1929 = arith.constant 760 : i32
      %dma_wait3A_1930 = tpu.memref_slice %arg5[%dma_wait3A_1929] : memref<800xi32, #tpu.memory_space<vmem>> -> memref<40xi32, #tpu.memory_space<vmem>>
      %dma_wait3A_1931 = arith.constant 0 : i32
      %dma_wait3A_1932 = arith.constant 0 : i32
      %dma_wait3A_1933 = tpu.memref_slice %arg2[%dma_wait3A_1931, %dma_wait3A_1932] : memref<100001x64xf32, #tpu.memory_space<hbm>> -> memref<100001x64xf32, #tpu.memory_space<hbm>>
      tpu.wait_indirect_dma semaphore(%arg9 : memref<!tpu.dma_semaphore, #tpu.memory_space<semaphore_mem>>) src(%dma_wait3A_1933 : memref<100001x64xf32, #tpu.memory_space<hbm>>) dst(%dma_wait3A_1928 : memref<40x64xf32, #tpu.memory_space<vmem>>)
      %dma_start3A_1934 = arith.constant 0 : i32
      %dma_start3A_1935 = arith.constant 0 : i32
      %dma_start3A_1936 = arith.constant 0 : i32
      %dma_start3A_1937 = tpu.memref_slice %arg4[%add3A_30, %dma_start3A_1934, %dma_start3A_1935, %dma_start3A_1936] : memref<4096x20x40x64xf32, #tpu.memory_space<hbm>> -> memref<1x20x40x64xf32, #tpu.memory_space<hbm>>
      %dma_start3A_1938 = tpu.memref_squeeze %dma_start3A_1937 : memref<1x20x40x64xf32, #tpu.memory_space<hbm>> -> memref<20x40x64xf32, #tpu.memory_space<hbm>>
      %dma_start3A_1939 = arith.constant 0 : i32
      %dma_start3A_1940 = arith.constant 0 : i32
      %dma_start3A_1941 = arith.constant 0 : i32
      %dma_start3A_1942 = tpu.memref_slice %arg4[%add3A_30, %dma_start3A_1939, %dma_start3A_1940, %dma_start3A_1941] : memref<4096x20x40x64xf32, #tpu.memory_space<hbm>> -> memref<1x20x40x64xf32, #tpu.memory_space<hbm>>
      %dma_start3A_1943 = tpu.memref_squeeze %dma_start3A_1942 : memref<1x20x40x64xf32, #tpu.memory_space<hbm>> -> memref<20x40x64xf32, #tpu.memory_space<hbm>>
      tpu.enqueue_dma source(%arg7 : memref<20x40x64xf32, #tpu.memory_space<vmem>>) target(%dma_start3A_1943 : memref<20x40x64xf32, #tpu.memory_space<hbm>>) target_semaphore(%arg11 : memref<!tpu.dma_semaphore, #tpu.memory_space<semaphore_mem>>)
      %dma_wait3A_1944 = arith.constant 0 : i32
      %dma_wait3A_1945 = arith.constant 0 : i32
      %dma_wait3A_1946 = arith.constant 0 : i32
      %dma_wait3A_1947 = tpu.memref_slice %arg8[%dma_wait3A_1944, %dma_wait3A_1945, %dma_wait3A_1946] : memref<20x40x64xf32, #tpu.memory_space<vmem>> -> memref<1x40x64xf32, #tpu.memory_space<vmem>>
      %dma_wait3A_1948 = tpu.memref_squeeze %dma_wait3A_1947 : memref<1x40x64xf32, #tpu.memory_space<vmem>> -> memref<40x64xf32, #tpu.memory_space<vmem>>
      %dma_wait3A_1949 = arith.constant 0 : i32
      %dma_wait3A_1950 = tpu.memref_slice %arg6[%dma_wait3A_1949] : memref<800xi32, #tpu.memory_space<vmem>> -> memref<40xi32, #tpu.memory_space<vmem>>
      %dma_wait3A_1951 = arith.constant 0 : i32
      %dma_wait3A_1952 = arith.constant 0 : i32
      %dma_wait3A_1953 = tpu.memref_slice %arg2[%dma_wait3A_1951, %dma_wait3A_1952] : memref<100001x64xf32, #tpu.memory_space<hbm>> -> memref<100001x64xf32, #tpu.memory_space<hbm>>
      tpu.wait_indirect_dma semaphore(%arg10 : memref<!tpu.dma_semaphore, #tpu.memory_space<semaphore_mem>>) src(%dma_wait3A_1953 : memref<100001x64xf32, #tpu.memory_space<hbm>>) dst(%dma_wait3A_1948 : memref<40x64xf32, #tpu.memory_space<vmem>>)
      %dma_wait3A_1954 = arith.constant 1 : i32
      %dma_wait3A_1955 = arith.constant 0 : i32
      %dma_wait3A_1956 = arith.constant 0 : i32
      %dma_wait3A_1957 = tpu.memref_slice %arg8[%dma_wait3A_1954, %dma_wait3A_1955, %dma_wait3A_1956] : memref<20x40x64xf32, #tpu.memory_space<vmem>> -> memref<1x40x64xf32, #tpu.memory_space<vmem>>
      %dma_wait3A_1958 = tpu.memref_squeeze %dma_wait3A_1957 : memref<1x40x64xf32, #tpu.memory_space<vmem>> -> memref<40x64xf32, #tpu.memory_space<vmem>>
      %dma_wait3A_1959 = arith.constant 40 : i32
      %dma_wait3A_1960 = tpu.memref_slice %arg6[%dma_wait3A_1959] : memref<800xi32, #tpu.memory_space<vmem>> -> memref<40xi32, #tpu.memory_space<vmem>>
      %dma_wait3A_1961 = arith.constant 0 : i32
      %dma_wait3A_1962 = arith.constant 0 : i32
      %dma_wait3A_1963 = tpu.memref_slice %arg2[%dma_wait3A_1961, %dma_wait3A_1962] : memref<100001x64xf32, #tpu.memory_space<hbm>> -> memref<100001x64xf32, #tpu.memory_space<hbm>>
      tpu.wait_indirect_dma semaphore(%arg10 : memref<!tpu.dma_semaphore, #tpu.memory_space<semaphore_mem>>) src(%dma_wait3A_1963 : memref<100001x64xf32, #tpu.memory_space<hbm>>) dst(%dma_wait3A_1958 : memref<40x64xf32, #tpu.memory_space<vmem>>)
      %dma_wait3A_1964 = arith.constant 2 : i32
      %dma_wait3A_1965 = arith.constant 0 : i32
      %dma_wait3A_1966 = arith.constant 0 : i32
      %dma_wait3A_1967 = tpu.memref_slice %arg8[%dma_wait3A_1964, %dma_wait3A_1965, %dma_wait3A_1966] : memref<20x40x64xf32, #tpu.memory_space<vmem>> -> memref<1x40x64xf32, #tpu.memory_space<vmem>>
      %dma_wait3A_1968 = tpu.memref_squeeze %dma_wait3A_1967 : memref<1x40x64xf32, #tpu.memory_space<vmem>> -> memref<40x64xf32, #tpu.memory_space<vmem>>
      %dma_wait3A_1969 = arith.constant 80 : i32
      %dma_wait3A_1970 = tpu.memref_slice %arg6[%dma_wait3A_1969] : memref<800xi32, #tpu.memory_space<vmem>> -> memref<40xi32, #tpu.memory_space<vmem>>
      %dma_wait3A_1971 = arith.constant 0 : i32
      %dma_wait3A_1972 = arith.constant 0 : i32
      %dma_wait3A_1973 = tpu.memref_slice %arg2[%dma_wait3A_1971, %dma_wait3A_1972] : memref<100001x64xf32, #tpu.memory_space<hbm>> -> memref<100001x64xf32, #tpu.memory_space<hbm>>
      tpu.wait_indirect_dma semaphore(%arg10 : memref<!tpu.dma_semaphore, #tpu.memory_space<semaphore_mem>>) src(%dma_wait3A_1973 : memref<100001x64xf32, #tpu.memory_space<hbm>>) dst(%dma_wait3A_1968 : memref<40x64xf32, #tpu.memory_space<vmem>>)
      %dma_wait3A_1974 = arith.constant 3 : i32
      %dma_wait3A_1975 = arith.constant 0 : i32
      %dma_wait3A_1976 = arith.constant 0 : i32
      %dma_wait3A_1977 = tpu.memref_slice %arg8[%dma_wait3A_1974, %dma_wait3A_1975, %dma_wait3A_1976] : memref<20x40x64xf32, #tpu.memory_space<vmem>> -> memref<1x40x64xf32, #tpu.memory_space<vmem>>
      %dma_wait3A_1978 = tpu.memref_squeeze %dma_wait3A_1977 : memref<1x40x64xf32, #tpu.memory_space<vmem>> -> memref<40x64xf32, #tpu.memory_space<vmem>>
      %dma_wait3A_1979 = arith.constant 120 : i32
      %dma_wait3A_1980 = tpu.memref_slice %arg6[%dma_wait3A_1979] : memref<800xi32, #tpu.memory_space<vmem>> -> memref<40xi32, #tpu.memory_space<vmem>>
      %dma_wait3A_1981 = arith.constant 0 : i32
      %dma_wait3A_1982 = arith.constant 0 : i32
      %dma_wait3A_1983 = tpu.memref_slice %arg2[%dma_wait3A_1981, %dma_wait3A_1982] : memref<100001x64xf32, #tpu.memory_space<hbm>> -> memref<100001x64xf32, #tpu.memory_space<hbm>>
      tpu.wait_indirect_dma semaphore(%arg10 : memref<!tpu.dma_semaphore, #tpu.memory_space<semaphore_mem>>) src(%dma_wait3A_1983 : memref<100001x64xf32, #tpu.memory_space<hbm>>) dst(%dma_wait3A_1978 : memref<40x64xf32, #tpu.memory_space<vmem>>)
      %dma_wait3A_1984 = arith.constant 4 : i32
      %dma_wait3A_1985 = arith.constant 0 : i32
      %dma_wait3A_1986 = arith.constant 0 : i32
      %dma_wait3A_1987 = tpu.memref_slice %arg8[%dma_wait3A_1984, %dma_wait3A_1985, %dma_wait3A_1986] : memref<20x40x64xf32, #tpu.memory_space<vmem>> -> memref<1x40x64xf32, #tpu.memory_space<vmem>>
      %dma_wait3A_1988 = tpu.memref_squeeze %dma_wait3A_1987 : memref<1x40x64xf32, #tpu.memory_space<vmem>> -> memref<40x64xf32, #tpu.memory_space<vmem>>
      %dma_wait3A_1989 = arith.constant 160 : i32
      %dma_wait3A_1990 = tpu.memref_slice %arg6[%dma_wait3A_1989] : memref<800xi32, #tpu.memory_space<vmem>> -> memref<40xi32, #tpu.memory_space<vmem>>
      %dma_wait3A_1991 = arith.constant 0 : i32
      %dma_wait3A_1992 = arith.constant 0 : i32
      %dma_wait3A_1993 = tpu.memref_slice %arg2[%dma_wait3A_1991, %dma_wait3A_1992] : memref<100001x64xf32, #tpu.memory_space<hbm>> -> memref<100001x64xf32, #tpu.memory_space<hbm>>
      tpu.wait_indirect_dma semaphore(%arg10 : memref<!tpu.dma_semaphore, #tpu.memory_space<semaphore_mem>>) src(%dma_wait3A_1993 : memref<100001x64xf32, #tpu.memory_space<hbm>>) dst(%dma_wait3A_1988 : memref<40x64xf32, #tpu.memory_space<vmem>>)
      %dma_wait3A_1994 = arith.constant 5 : i32
      %dma_wait3A_1995 = arith.constant 0 : i32
      %dma_wait3A_1996 = arith.constant 0 : i32
      %dma_wait3A_1997 = tpu.memref_slice %arg8[%dma_wait3A_1994, %dma_wait3A_1995, %dma_wait3A_1996] : memref<20x40x64xf32, #tpu.memory_space<vmem>> -> memref<1x40x64xf32, #tpu.memory_space<vmem>>
      %dma_wait3A_1998 = tpu.memref_squeeze %dma_wait3A_1997 : memref<1x40x64xf32, #tpu.memory_space<vmem>> -> memref<40x64xf32, #tpu.memory_space<vmem>>
      %dma_wait3A_1999 = arith.constant 200 : i32
      %dma_wait3A_2000 = tpu.memref_slice %arg6[%dma_wait3A_1999] : memref<800xi32, #tpu.memory_space<vmem>> -> memref<40xi32, #tpu.memory_space<vmem>>
      %dma_wait3A_2001 = arith.constant 0 : i32
      %dma_wait3A_2002 = arith.constant 0 : i32
      %dma_wait3A_2003 = tpu.memref_slice %arg2[%dma_wait3A_2001, %dma_wait3A_2002] : memref<100001x64xf32, #tpu.memory_space<hbm>> -> memref<100001x64xf32, #tpu.memory_space<hbm>>
      tpu.wait_indirect_dma semaphore(%arg10 : memref<!tpu.dma_semaphore, #tpu.memory_space<semaphore_mem>>) src(%dma_wait3A_2003 : memref<100001x64xf32, #tpu.memory_space<hbm>>) dst(%dma_wait3A_1998 : memref<40x64xf32, #tpu.memory_space<vmem>>)
      %dma_wait3A_2004 = arith.constant 6 : i32
      %dma_wait3A_2005 = arith.constant 0 : i32
      %dma_wait3A_2006 = arith.constant 0 : i32
      %dma_wait3A_2007 = tpu.memref_slice %arg8[%dma_wait3A_2004, %dma_wait3A_2005, %dma_wait3A_2006] : memref<20x40x64xf32, #tpu.memory_space<vmem>> -> memref<1x40x64xf32, #tpu.memory_space<vmem>>
      %dma_wait3A_2008 = tpu.memref_squeeze %dma_wait3A_2007 : memref<1x40x64xf32, #tpu.memory_space<vmem>> -> memref<40x64xf32, #tpu.memory_space<vmem>>
      %dma_wait3A_2009 = arith.constant 240 : i32
      %dma_wait3A_2010 = tpu.memref_slice %arg6[%dma_wait3A_2009] : memref<800xi32, #tpu.memory_space<vmem>> -> memref<40xi32, #tpu.memory_space<vmem>>
      %dma_wait3A_2011 = arith.constant 0 : i32
      %dma_wait3A_2012 = arith.constant 0 : i32
      %dma_wait3A_2013 = tpu.memref_slice %arg2[%dma_wait3A_2011, %dma_wait3A_2012] : memref<100001x64xf32, #tpu.memory_space<hbm>> -> memref<100001x64xf32, #tpu.memory_space<hbm>>
      tpu.wait_indirect_dma semaphore(%arg10 : memref<!tpu.dma_semaphore, #tpu.memory_space<semaphore_mem>>) src(%dma_wait3A_2013 : memref<100001x64xf32, #tpu.memory_space<hbm>>) dst(%dma_wait3A_2008 : memref<40x64xf32, #tpu.memory_space<vmem>>)
      %dma_wait3A_2014 = arith.constant 7 : i32
      %dma_wait3A_2015 = arith.constant 0 : i32
      %dma_wait3A_2016 = arith.constant 0 : i32
      %dma_wait3A_2017 = tpu.memref_slice %arg8[%dma_wait3A_2014, %dma_wait3A_2015, %dma_wait3A_2016] : memref<20x40x64xf32, #tpu.memory_space<vmem>> -> memref<1x40x64xf32, #tpu.memory_space<vmem>>
      %dma_wait3A_2018 = tpu.memref_squeeze %dma_wait3A_2017 : memref<1x40x64xf32, #tpu.memory_space<vmem>> -> memref<40x64xf32, #tpu.memory_space<vmem>>
      %dma_wait3A_2019 = arith.constant 280 : i32
      %dma_wait3A_2020 = tpu.memref_slice %arg6[%dma_wait3A_2019] : memref<800xi32, #tpu.memory_space<vmem>> -> memref<40xi32, #tpu.memory_space<vmem>>
      %dma_wait3A_2021 = arith.constant 0 : i32
      %dma_wait3A_2022 = arith.constant 0 : i32
      %dma_wait3A_2023 = tpu.memref_slice %arg2[%dma_wait3A_2021, %dma_wait3A_2022] : memref<100001x64xf32, #tpu.memory_space<hbm>> -> memref<100001x64xf32, #tpu.memory_space<hbm>>
      tpu.wait_indirect_dma semaphore(%arg10 : memref<!tpu.dma_semaphore, #tpu.memory_space<semaphore_mem>>) src(%dma_wait3A_2023 : memref<100001x64xf32, #tpu.memory_space<hbm>>) dst(%dma_wait3A_2018 : memref<40x64xf32, #tpu.memory_space<vmem>>)
      %dma_wait3A_2024 = arith.constant 8 : i32
      %dma_wait3A_2025 = arith.constant 0 : i32
      %dma_wait3A_2026 = arith.constant 0 : i32
      %dma_wait3A_2027 = tpu.memref_slice %arg8[%dma_wait3A_2024, %dma_wait3A_2025, %dma_wait3A_2026] : memref<20x40x64xf32, #tpu.memory_space<vmem>> -> memref<1x40x64xf32, #tpu.memory_space<vmem>>
      %dma_wait3A_2028 = tpu.memref_squeeze %dma_wait3A_2027 : memref<1x40x64xf32, #tpu.memory_space<vmem>> -> memref<40x64xf32, #tpu.memory_space<vmem>>
      %dma_wait3A_2029 = arith.constant 320 : i32
      %dma_wait3A_2030 = tpu.memref_slice %arg6[%dma_wait3A_2029] : memref<800xi32, #tpu.memory_space<vmem>> -> memref<40xi32, #tpu.memory_space<vmem>>
      %dma_wait3A_2031 = arith.constant 0 : i32
      %dma_wait3A_2032 = arith.constant 0 : i32
      %dma_wait3A_2033 = tpu.memref_slice %arg2[%dma_wait3A_2031, %dma_wait3A_2032] : memref<100001x64xf32, #tpu.memory_space<hbm>> -> memref<100001x64xf32, #tpu.memory_space<hbm>>
      tpu.wait_indirect_dma semaphore(%arg10 : memref<!tpu.dma_semaphore, #tpu.memory_space<semaphore_mem>>) src(%dma_wait3A_2033 : memref<100001x64xf32, #tpu.memory_space<hbm>>) dst(%dma_wait3A_2028 : memref<40x64xf32, #tpu.memory_space<vmem>>)
      %dma_wait3A_2034 = arith.constant 9 : i32
      %dma_wait3A_2035 = arith.constant 0 : i32
      %dma_wait3A_2036 = arith.constant 0 : i32
      %dma_wait3A_2037 = tpu.memref_slice %arg8[%dma_wait3A_2034, %dma_wait3A_2035, %dma_wait3A_2036] : memref<20x40x64xf32, #tpu.memory_space<vmem>> -> memref<1x40x64xf32, #tpu.memory_space<vmem>>
      %dma_wait3A_2038 = tpu.memref_squeeze %dma_wait3A_2037 : memref<1x40x64xf32, #tpu.memory_space<vmem>> -> memref<40x64xf32, #tpu.memory_space<vmem>>
      %dma_wait3A_2039 = arith.constant 360 : i32
      %dma_wait3A_2040 = tpu.memref_slice %arg6[%dma_wait3A_2039] : memref<800xi32, #tpu.memory_space<vmem>> -> memref<40xi32, #tpu.memory_space<vmem>>
      %dma_wait3A_2041 = arith.constant 0 : i32
      %dma_wait3A_2042 = arith.constant 0 : i32
      %dma_wait3A_2043 = tpu.memref_slice %arg2[%dma_wait3A_2041, %dma_wait3A_2042] : memref<100001x64xf32, #tpu.memory_space<hbm>> -> memref<100001x64xf32, #tpu.memory_space<hbm>>
      tpu.wait_indirect_dma semaphore(%arg10 : memref<!tpu.dma_semaphore, #tpu.memory_space<semaphore_mem>>) src(%dma_wait3A_2043 : memref<100001x64xf32, #tpu.memory_space<hbm>>) dst(%dma_wait3A_2038 : memref<40x64xf32, #tpu.memory_space<vmem>>)
      %dma_wait3A_2044 = arith.constant 10 : i32
      %dma_wait3A_2045 = arith.constant 0 : i32
      %dma_wait3A_2046 = arith.constant 0 : i32
      %dma_wait3A_2047 = tpu.memref_slice %arg8[%dma_wait3A_2044, %dma_wait3A_2045, %dma_wait3A_2046] : memref<20x40x64xf32, #tpu.memory_space<vmem>> -> memref<1x40x64xf32, #tpu.memory_space<vmem>>
      %dma_wait3A_2048 = tpu.memref_squeeze %dma_wait3A_2047 : memref<1x40x64xf32, #tpu.memory_space<vmem>> -> memref<40x64xf32, #tpu.memory_space<vmem>>
      %dma_wait3A_2049 = arith.constant 400 : i32
      %dma_wait3A_2050 = tpu.memref_slice %arg6[%dma_wait3A_2049] : memref<800xi32, #tpu.memory_space<vmem>> -> memref<40xi32, #tpu.memory_space<vmem>>
      %dma_wait3A_2051 = arith.constant 0 : i32
      %dma_wait3A_2052 = arith.constant 0 : i32
      %dma_wait3A_2053 = tpu.memref_slice %arg2[%dma_wait3A_2051, %dma_wait3A_2052] : memref<100001x64xf32, #tpu.memory_space<hbm>> -> memref<100001x64xf32, #tpu.memory_space<hbm>>
      tpu.wait_indirect_dma semaphore(%arg10 : memref<!tpu.dma_semaphore, #tpu.memory_space<semaphore_mem>>) src(%dma_wait3A_2053 : memref<100001x64xf32, #tpu.memory_space<hbm>>) dst(%dma_wait3A_2048 : memref<40x64xf32, #tpu.memory_space<vmem>>)
      %dma_wait3A_2054 = arith.constant 11 : i32
      %dma_wait3A_2055 = arith.constant 0 : i32
      %dma_wait3A_2056 = arith.constant 0 : i32
      %dma_wait3A_2057 = tpu.memref_slice %arg8[%dma_wait3A_2054, %dma_wait3A_2055, %dma_wait3A_2056] : memref<20x40x64xf32, #tpu.memory_space<vmem>> -> memref<1x40x64xf32, #tpu.memory_space<vmem>>
      %dma_wait3A_2058 = tpu.memref_squeeze %dma_wait3A_2057 : memref<1x40x64xf32, #tpu.memory_space<vmem>> -> memref<40x64xf32, #tpu.memory_space<vmem>>
      %dma_wait3A_2059 = arith.constant 440 : i32
      %dma_wait3A_2060 = tpu.memref_slice %arg6[%dma_wait3A_2059] : memref<800xi32, #tpu.memory_space<vmem>> -> memref<40xi32, #tpu.memory_space<vmem>>
      %dma_wait3A_2061 = arith.constant 0 : i32
      %dma_wait3A_2062 = arith.constant 0 : i32
      %dma_wait3A_2063 = tpu.memref_slice %arg2[%dma_wait3A_2061, %dma_wait3A_2062] : memref<100001x64xf32, #tpu.memory_space<hbm>> -> memref<100001x64xf32, #tpu.memory_space<hbm>>
      tpu.wait_indirect_dma semaphore(%arg10 : memref<!tpu.dma_semaphore, #tpu.memory_space<semaphore_mem>>) src(%dma_wait3A_2063 : memref<100001x64xf32, #tpu.memory_space<hbm>>) dst(%dma_wait3A_2058 : memref<40x64xf32, #tpu.memory_space<vmem>>)
      %dma_wait3A_2064 = arith.constant 12 : i32
      %dma_wait3A_2065 = arith.constant 0 : i32
      %dma_wait3A_2066 = arith.constant 0 : i32
      %dma_wait3A_2067 = tpu.memref_slice %arg8[%dma_wait3A_2064, %dma_wait3A_2065, %dma_wait3A_2066] : memref<20x40x64xf32, #tpu.memory_space<vmem>> -> memref<1x40x64xf32, #tpu.memory_space<vmem>>
      %dma_wait3A_2068 = tpu.memref_squeeze %dma_wait3A_2067 : memref<1x40x64xf32, #tpu.memory_space<vmem>> -> memref<40x64xf32, #tpu.memory_space<vmem>>
      %dma_wait3A_2069 = arith.constant 480 : i32
      %dma_wait3A_2070 = tpu.memref_slice %arg6[%dma_wait3A_2069] : memref<800xi32, #tpu.memory_space<vmem>> -> memref<40xi32, #tpu.memory_space<vmem>>
      %dma_wait3A_2071 = arith.constant 0 : i32
      %dma_wait3A_2072 = arith.constant 0 : i32
      %dma_wait3A_2073 = tpu.memref_slice %arg2[%dma_wait3A_2071, %dma_wait3A_2072] : memref<100001x64xf32, #tpu.memory_space<hbm>> -> memref<100001x64xf32, #tpu.memory_space<hbm>>
      tpu.wait_indirect_dma semaphore(%arg10 : memref<!tpu.dma_semaphore, #tpu.memory_space<semaphore_mem>>) src(%dma_wait3A_2073 : memref<100001x64xf32, #tpu.memory_space<hbm>>) dst(%dma_wait3A_2068 : memref<40x64xf32, #tpu.memory_space<vmem>>)
      %dma_wait3A_2074 = arith.constant 13 : i32
      %dma_wait3A_2075 = arith.constant 0 : i32
      %dma_wait3A_2076 = arith.constant 0 : i32
      %dma_wait3A_2077 = tpu.memref_slice %arg8[%dma_wait3A_2074, %dma_wait3A_2075, %dma_wait3A_2076] : memref<20x40x64xf32, #tpu.memory_space<vmem>> -> memref<1x40x64xf32, #tpu.memory_space<vmem>>
      %dma_wait3A_2078 = tpu.memref_squeeze %dma_wait3A_2077 : memref<1x40x64xf32, #tpu.memory_space<vmem>> -> memref<40x64xf32, #tpu.memory_space<vmem>>
      %dma_wait3A_2079 = arith.constant 520 : i32
      %dma_wait3A_2080 = tpu.memref_slice %arg6[%dma_wait3A_2079] : memref<800xi32, #tpu.memory_space<vmem>> -> memref<40xi32, #tpu.memory_space<vmem>>
      %dma_wait3A_2081 = arith.constant 0 : i32
      %dma_wait3A_2082 = arith.constant 0 : i32
      %dma_wait3A_2083 = tpu.memref_slice %arg2[%dma_wait3A_2081, %dma_wait3A_2082] : memref<100001x64xf32, #tpu.memory_space<hbm>> -> memref<100001x64xf32, #tpu.memory_space<hbm>>
      tpu.wait_indirect_dma semaphore(%arg10 : memref<!tpu.dma_semaphore, #tpu.memory_space<semaphore_mem>>) src(%dma_wait3A_2083 : memref<100001x64xf32, #tpu.memory_space<hbm>>) dst(%dma_wait3A_2078 : memref<40x64xf32, #tpu.memory_space<vmem>>)
      %dma_wait3A_2084 = arith.constant 14 : i32
      %dma_wait3A_2085 = arith.constant 0 : i32
      %dma_wait3A_2086 = arith.constant 0 : i32
      %dma_wait3A_2087 = tpu.memref_slice %arg8[%dma_wait3A_2084, %dma_wait3A_2085, %dma_wait3A_2086] : memref<20x40x64xf32, #tpu.memory_space<vmem>> -> memref<1x40x64xf32, #tpu.memory_space<vmem>>
      %dma_wait3A_2088 = tpu.memref_squeeze %dma_wait3A_2087 : memref<1x40x64xf32, #tpu.memory_space<vmem>> -> memref<40x64xf32, #tpu.memory_space<vmem>>
      %dma_wait3A_2089 = arith.constant 560 : i32
      %dma_wait3A_2090 = tpu.memref_slice %arg6[%dma_wait3A_2089] : memref<800xi32, #tpu.memory_space<vmem>> -> memref<40xi32, #tpu.memory_space<vmem>>
      %dma_wait3A_2091 = arith.constant 0 : i32
      %dma_wait3A_2092 = arith.constant 0 : i32
      %dma_wait3A_2093 = tpu.memref_slice %arg2[%dma_wait3A_2091, %dma_wait3A_2092] : memref<100001x64xf32, #tpu.memory_space<hbm>> -> memref<100001x64xf32, #tpu.memory_space<hbm>>
      tpu.wait_indirect_dma semaphore(%arg10 : memref<!tpu.dma_semaphore, #tpu.memory_space<semaphore_mem>>) src(%dma_wait3A_2093 : memref<100001x64xf32, #tpu.memory_space<hbm>>) dst(%dma_wait3A_2088 : memref<40x64xf32, #tpu.memory_space<vmem>>)
      %dma_wait3A_2094 = arith.constant 15 : i32
      %dma_wait3A_2095 = arith.constant 0 : i32
      %dma_wait3A_2096 = arith.constant 0 : i32
      %dma_wait3A_2097 = tpu.memref_slice %arg8[%dma_wait3A_2094, %dma_wait3A_2095, %dma_wait3A_2096] : memref<20x40x64xf32, #tpu.memory_space<vmem>> -> memref<1x40x64xf32, #tpu.memory_space<vmem>>
      %dma_wait3A_2098 = tpu.memref_squeeze %dma_wait3A_2097 : memref<1x40x64xf32, #tpu.memory_space<vmem>> -> memref<40x64xf32, #tpu.memory_space<vmem>>
      %dma_wait3A_2099 = arith.constant 600 : i32
      %dma_wait3A_2100 = tpu.memref_slice %arg6[%dma_wait3A_2099] : memref<800xi32, #tpu.memory_space<vmem>> -> memref<40xi32, #tpu.memory_space<vmem>>
      %dma_wait3A_2101 = arith.constant 0 : i32
      %dma_wait3A_2102 = arith.constant 0 : i32
      %dma_wait3A_2103 = tpu.memref_slice %arg2[%dma_wait3A_2101, %dma_wait3A_2102] : memref<100001x64xf32, #tpu.memory_space<hbm>> -> memref<100001x64xf32, #tpu.memory_space<hbm>>
      tpu.wait_indirect_dma semaphore(%arg10 : memref<!tpu.dma_semaphore, #tpu.memory_space<semaphore_mem>>) src(%dma_wait3A_2103 : memref<100001x64xf32, #tpu.memory_space<hbm>>) dst(%dma_wait3A_2098 : memref<40x64xf32, #tpu.memory_space<vmem>>)
      %dma_wait3A_2104 = arith.constant 16 : i32
      %dma_wait3A_2105 = arith.constant 0 : i32
      %dma_wait3A_2106 = arith.constant 0 : i32
      %dma_wait3A_2107 = tpu.memref_slice %arg8[%dma_wait3A_2104, %dma_wait3A_2105, %dma_wait3A_2106] : memref<20x40x64xf32, #tpu.memory_space<vmem>> -> memref<1x40x64xf32, #tpu.memory_space<vmem>>
      %dma_wait3A_2108 = tpu.memref_squeeze %dma_wait3A_2107 : memref<1x40x64xf32, #tpu.memory_space<vmem>> -> memref<40x64xf32, #tpu.memory_space<vmem>>
      %dma_wait3A_2109 = arith.constant 640 : i32
      %dma_wait3A_2110 = tpu.memref_slice %arg6[%dma_wait3A_2109] : memref<800xi32, #tpu.memory_space<vmem>> -> memref<40xi32, #tpu.memory_space<vmem>>
      %dma_wait3A_2111 = arith.constant 0 : i32
      %dma_wait3A_2112 = arith.constant 0 : i32
      %dma_wait3A_2113 = tpu.memref_slice %arg2[%dma_wait3A_2111, %dma_wait3A_2112] : memref<100001x64xf32, #tpu.memory_space<hbm>> -> memref<100001x64xf32, #tpu.memory_space<hbm>>
      tpu.wait_indirect_dma semaphore(%arg10 : memref<!tpu.dma_semaphore, #tpu.memory_space<semaphore_mem>>) src(%dma_wait3A_2113 : memref<100001x64xf32, #tpu.memory_space<hbm>>) dst(%dma_wait3A_2108 : memref<40x64xf32, #tpu.memory_space<vmem>>)
      %dma_wait3A_2114 = arith.constant 17 : i32
      %dma_wait3A_2115 = arith.constant 0 : i32
      %dma_wait3A_2116 = arith.constant 0 : i32
      %dma_wait3A_2117 = tpu.memref_slice %arg8[%dma_wait3A_2114, %dma_wait3A_2115, %dma_wait3A_2116] : memref<20x40x64xf32, #tpu.memory_space<vmem>> -> memref<1x40x64xf32, #tpu.memory_space<vmem>>
      %dma_wait3A_2118 = tpu.memref_squeeze %dma_wait3A_2117 : memref<1x40x64xf32, #tpu.memory_space<vmem>> -> memref<40x64xf32, #tpu.memory_space<vmem>>
      %dma_wait3A_2119 = arith.constant 680 : i32
      %dma_wait3A_2120 = tpu.memref_slice %arg6[%dma_wait3A_2119] : memref<800xi32, #tpu.memory_space<vmem>> -> memref<40xi32, #tpu.memory_space<vmem>>
      %dma_wait3A_2121 = arith.constant 0 : i32
      %dma_wait3A_2122 = arith.constant 0 : i32
      %dma_wait3A_2123 = tpu.memref_slice %arg2[%dma_wait3A_2121, %dma_wait3A_2122] : memref<100001x64xf32, #tpu.memory_space<hbm>> -> memref<100001x64xf32, #tpu.memory_space<hbm>>
      tpu.wait_indirect_dma semaphore(%arg10 : memref<!tpu.dma_semaphore, #tpu.memory_space<semaphore_mem>>) src(%dma_wait3A_2123 : memref<100001x64xf32, #tpu.memory_space<hbm>>) dst(%dma_wait3A_2118 : memref<40x64xf32, #tpu.memory_space<vmem>>)
      %dma_wait3A_2124 = arith.constant 18 : i32
      %dma_wait3A_2125 = arith.constant 0 : i32
      %dma_wait3A_2126 = arith.constant 0 : i32
      %dma_wait3A_2127 = tpu.memref_slice %arg8[%dma_wait3A_2124, %dma_wait3A_2125, %dma_wait3A_2126] : memref<20x40x64xf32, #tpu.memory_space<vmem>> -> memref<1x40x64xf32, #tpu.memory_space<vmem>>
      %dma_wait3A_2128 = tpu.memref_squeeze %dma_wait3A_2127 : memref<1x40x64xf32, #tpu.memory_space<vmem>> -> memref<40x64xf32, #tpu.memory_space<vmem>>
      %dma_wait3A_2129 = arith.constant 720 : i32
      %dma_wait3A_2130 = tpu.memref_slice %arg6[%dma_wait3A_2129] : memref<800xi32, #tpu.memory_space<vmem>> -> memref<40xi32, #tpu.memory_space<vmem>>
      %dma_wait3A_2131 = arith.constant 0 : i32
      %dma_wait3A_2132 = arith.constant 0 : i32
      %dma_wait3A_2133 = tpu.memref_slice %arg2[%dma_wait3A_2131, %dma_wait3A_2132] : memref<100001x64xf32, #tpu.memory_space<hbm>> -> memref<100001x64xf32, #tpu.memory_space<hbm>>
      tpu.wait_indirect_dma semaphore(%arg10 : memref<!tpu.dma_semaphore, #tpu.memory_space<semaphore_mem>>) src(%dma_wait3A_2133 : memref<100001x64xf32, #tpu.memory_space<hbm>>) dst(%dma_wait3A_2128 : memref<40x64xf32, #tpu.memory_space<vmem>>)
      %dma_wait3A_2134 = arith.constant 19 : i32
      %dma_wait3A_2135 = arith.constant 0 : i32
      %dma_wait3A_2136 = arith.constant 0 : i32
      %dma_wait3A_2137 = tpu.memref_slice %arg8[%dma_wait3A_2134, %dma_wait3A_2135, %dma_wait3A_2136] : memref<20x40x64xf32, #tpu.memory_space<vmem>> -> memref<1x40x64xf32, #tpu.memory_space<vmem>>
      %dma_wait3A_2138 = tpu.memref_squeeze %dma_wait3A_2137 : memref<1x40x64xf32, #tpu.memory_space<vmem>> -> memref<40x64xf32, #tpu.memory_space<vmem>>
      %dma_wait3A_2139 = arith.constant 760 : i32
      %dma_wait3A_2140 = tpu.memref_slice %arg6[%dma_wait3A_2139] : memref<800xi32, #tpu.memory_space<vmem>> -> memref<40xi32, #tpu.memory_space<vmem>>
      %dma_wait3A_2141 = arith.constant 0 : i32
      %dma_wait3A_2142 = arith.constant 0 : i32
      %dma_wait3A_2143 = tpu.memref_slice %arg2[%dma_wait3A_2141, %dma_wait3A_2142] : memref<100001x64xf32, #tpu.memory_space<hbm>> -> memref<100001x64xf32, #tpu.memory_space<hbm>>
      tpu.wait_indirect_dma semaphore(%arg10 : memref<!tpu.dma_semaphore, #tpu.memory_space<semaphore_mem>>) src(%dma_wait3A_2143 : memref<100001x64xf32, #tpu.memory_space<hbm>>) dst(%dma_wait3A_2138 : memref<40x64xf32, #tpu.memory_space<vmem>>)
      %dma_start3A_2144 = arith.constant 0 : i32
      %dma_start3A_2145 = arith.constant 0 : i32
      %dma_start3A_2146 = arith.constant 0 : i32
      %dma_start3A_2147 = tpu.memref_slice %arg4[%add3A_32, %dma_start3A_2144, %dma_start3A_2145, %dma_start3A_2146] : memref<4096x20x40x64xf32, #tpu.memory_space<hbm>> -> memref<1x20x40x64xf32, #tpu.memory_space<hbm>>
      %dma_start3A_2148 = tpu.memref_squeeze %dma_start3A_2147 : memref<1x20x40x64xf32, #tpu.memory_space<hbm>> -> memref<20x40x64xf32, #tpu.memory_space<hbm>>
      %dma_start3A_2149 = arith.constant 0 : i32
      %dma_start3A_2150 = arith.constant 0 : i32
      %dma_start3A_2151 = arith.constant 0 : i32
      %dma_start3A_2152 = tpu.memref_slice %arg4[%add3A_32, %dma_start3A_2149, %dma_start3A_2150, %dma_start3A_2151] : memref<4096x20x40x64xf32, #tpu.memory_space<hbm>> -> memref<1x20x40x64xf32, #tpu.memory_space<hbm>>
      %dma_start3A_2153 = tpu.memref_squeeze %dma_start3A_2152 : memref<1x20x40x64xf32, #tpu.memory_space<hbm>> -> memref<20x40x64xf32, #tpu.memory_space<hbm>>
      tpu.enqueue_dma source(%arg8 : memref<20x40x64xf32, #tpu.memory_space<vmem>>) target(%dma_start3A_2153 : memref<20x40x64xf32, #tpu.memory_space<hbm>>) target_semaphore(%arg12 : memref<!tpu.dma_semaphore, #tpu.memory_space<semaphore_mem>>)
    }
    %scan3A_7 = arith.constant 64 : i32
    %dma_wait3A = arith.constant 0 : i32
    %dma_wait3A_8 = arith.constant 0 : i32
    %dma_wait3A_9 = arith.constant 0 : i32
    %dma_wait3A_10 = tpu.memref_slice %arg4[%mul3A_2, %dma_wait3A, %dma_wait3A_8, %dma_wait3A_9] : memref<4096x20x40x64xf32, #tpu.memory_space<hbm>> -> memref<1x20x40x64xf32, #tpu.memory_space<hbm>>
    %dma_wait3A_11 = tpu.memref_squeeze %dma_wait3A_10 : memref<1x20x40x64xf32, #tpu.memory_space<hbm>> -> memref<20x40x64xf32, #tpu.memory_space<hbm>>
    %dma_wait3A_12 = arith.constant 0 : i32
    %dma_wait3A_13 = arith.constant 0 : i32
    %dma_wait3A_14 = arith.constant 0 : i32
    %dma_wait3A_15 = tpu.memref_slice %arg4[%mul3A_2, %dma_wait3A_12, %dma_wait3A_13, %dma_wait3A_14] : memref<4096x20x40x64xf32, #tpu.memory_space<hbm>> -> memref<1x20x40x64xf32, #tpu.memory_space<hbm>>
    %dma_wait3A_16 = tpu.memref_squeeze %dma_wait3A_15 : memref<1x20x40x64xf32, #tpu.memory_space<hbm>> -> memref<20x40x64xf32, #tpu.memory_space<hbm>>
    tpu.wait_dma2 semaphore(%arg11 : memref<!tpu.dma_semaphore, #tpu.memory_space<semaphore_mem>>) src(%arg7 : memref<20x40x64xf32, #tpu.memory_space<vmem>>) dst(%dma_wait3A_16 : memref<20x40x64xf32, #tpu.memory_space<hbm>>)
    %dma_wait3A_17 = arith.constant 0 : i32
    %dma_wait3A_18 = arith.constant 0 : i32
    %dma_wait3A_19 = arith.constant 0 : i32
    %dma_wait3A_20 = tpu.memref_slice %arg4[%mul3A_2, %dma_wait3A_17, %dma_wait3A_18, %dma_wait3A_19] : memref<4096x20x40x64xf32, #tpu.memory_space<hbm>> -> memref<1x20x40x64xf32, #tpu.memory_space<hbm>>
    %dma_wait3A_21 = tpu.memref_squeeze %dma_wait3A_20 : memref<1x20x40x64xf32, #tpu.memory_space<hbm>> -> memref<20x40x64xf32, #tpu.memory_space<hbm>>
    %dma_wait3A_22 = arith.constant 0 : i32
    %dma_wait3A_23 = arith.constant 0 : i32
    %dma_wait3A_24 = arith.constant 0 : i32
    %dma_wait3A_25 = tpu.memref_slice %arg4[%mul3A_2, %dma_wait3A_22, %dma_wait3A_23, %dma_wait3A_24] : memref<4096x20x40x64xf32, #tpu.memory_space<hbm>> -> memref<1x20x40x64xf32, #tpu.memory_space<hbm>>
    %dma_wait3A_26 = tpu.memref_squeeze %dma_wait3A_25 : memref<1x20x40x64xf32, #tpu.memory_space<hbm>> -> memref<20x40x64xf32, #tpu.memory_space<hbm>>
    tpu.wait_dma2 semaphore(%arg12 : memref<!tpu.dma_semaphore, #tpu.memory_space<semaphore_mem>>) src(%arg8 : memref<20x40x64xf32, #tpu.memory_space<vmem>>) dst(%dma_wait3A_26 : memref<20x40x64xf32, #tpu.memory_space<hbm>>)
    return
  }
}

</mosaic_0001>

<sc_bundles>
// kernel: kernel.3.cloned.1.call-start
scs
__scs_entry_jumppad:
0x0: {  	(pc) =	sbr.rel $0x88, $3  }
0x1: {  	(tag) =	ssettag $0x0;
	lr =	simm.s32 $0x1  }
0x2: {  	[smem:$0x3F9F] =	sst lr;
	_ =	strace $0xD0000000  }
0x3: {  	_ = 	snop  }
0x4: {  	_ = 	snop  }
0x5: {  	_ = 	snop  }
0x6: {  	_ = 	snop  }
0x7: {  	_ = 	snop  }
__scs_overlays_trampoline_lowered:
0x8: {  	[smem:$0x3FAE] =	sst s0  }
0x9: {  	[smem:$0x3FAF] =	sst s1  }
0xa: {  	[smem:$0x3FB0] =	sst s2  }
0xb: {  	[smem:$0x3FB1] =	sst s3  }
0xc: {  	[smem:$0x3FB2] =	sst s4  }
0xd: {  	[smem:$0x3FB3] =	sst s5  }
0xe: {  	[smem:$0x3FB4] =	sst s6  }
0xf: {  	[smem:$0x3FB5] =	sst s7  }
0x10: {  	[smem:$0x3FB6] =	sst s8  }
0x11: {  	[smem:$0x3FB7] =	sst s9;
	s0 =	simm.s32 @!p0 $0x0  }
0x12: {  	s1 =	sld [smem:$0x3F9D];
	s0 =	simm.s32 @p0 $0x1  }
0x13: {  	[smem:$0x3FB8] =	sst s0;
	s0 =	simm.s32 @!p1 $0x0  }
0x14: {  	s2 =	sld [smem:$0x3F9C];
	s0 =	simm.s32 @p1 $0x1  }
0x15: {  	[smem:$0x3FB9] =	sst s0;
	s0 =	simm.s32 @!p2 $0x0  }
0x16: {  	s3 =	sld [smem:$0x3FDB];
	s0 =	simm.s32 @p2 $0x1  }
0x17: {  	s4 =	simm.s32 $0x1BF5;
	[smem:$0x3FBB] =	sst s0  }
0x18: {  	s0 =	sld [smem:$0x3F9E];
	_ =	swait.ge [sflag:s4], $0x0  }
0x19: {  	s7 =	sld [smem:$0x3F9F]  }
0x1a: {  	s8 =	sadd.s32 $0xFFFFE003, lr  }
0x1b: {  	s9 =	sadd.s32 $0xFFFFFEF7, lr;
	s5 =	simm.s32 $0xFFFFFFFF;
	p2 =	slt.u32 s8, $0xFFFFF086  }
0x1c: {  	p1 =	slt.u32 s9, $0xF7A;
	s5 =	simm.s32 @!p2 $0x0  }
0x1d: {  	s5 =	simm.s32 @p1 $0x1;
	p0 =	seq.s32 s7, s2  }
0x1e: {  	s7 =	smul.u32 @!p0 $0xF7A, s2;
	p2 =	seq.s32 @!p0 s5, $0x0  }
0x1f: {  	s9 =	smul.u32 $0xF7A, s1;
	s8 =	simm.s32 @!p0 $0x1BF5;
	p2 =	por !p2, p0  }
0x20: {  	[sflag:s8] =	ssyncset.s32 @!p0 $0xFFFFF086;
	s6 =	sadd.s32 @!p0 s3, s7;
	s7 =	simm.s32 @!p0 $0x108  }
0x21: {  	s3 =	sadd.s32 s3, s9;
	s6 =	sadd.s32 @!p0 $0x88, s6;
	s7 =	simm.s32 @p2 $0x1082  }
0x22: {  	[simem:s7], [sflag:s8] =	dma.local @!p0 [hbm:s6], $0xF7A  }
0x23: {  	s9 =	sor.u32 $0xD0000000, s2;
	s6 =	simm.s32 $0x108;
	_ =	swait.ge @!p0 [sflag:s8], $0x0  }
0x24: {  	s3 =	sadd.s32 $0x88, s3;
	s6 =	simm.s32 @!p1 $0x1082;
	[sflag:s4] =	ssyncset.s32 $0xFFFFF086  }
0x25: {  	[simem:s6], [sflag:s4] =	dma.local [hbm:s3], $0xF7A  }
0x26: {  	[smem:$0x3F9F] =	sst s1;
	(tag) =	ssettag s2;
	_ =	strace s9  }
0x27: {  	s1 =	sld [smem:$0x3FAF]  }
0x28: {  	s2 =	sld [smem:$0x3FB0]  }
0x29: {  	s4 =	sld [smem:$0x3FB2]  }
0x2a: {  	p0 =	seq.s32 s5, $0x0;
	s5 =	sld [smem:$0x3FB3]  }
0x2b: {  	s6 =	sld [smem:$0x3FB4]  }
0x2c: {  	s7 =	sld [smem:$0x3FB5]  }
0x2d: {  	s3 =	simm.s32 $0x108;
	s8 =	sld [smem:$0x3FB6]  }
0x2e: {  	s3 =	simm.s32 @!p0 $0x1082;
	s9 =	sld [smem:$0x3FB7]  }
0x2f: {  	lr =	sadd.s32 s0, s3;
	s0 =	sld [smem:$0x3FAE]  }
0x30: {  	s3 =	sld [smem:$0x3FB1]  }
0x31: {  	[smem:$0x3FBA] =	sst s10  }
0x32: {  	s10 =	sld [smem:$0x3FB8];
	_ =	sdelay $0x3  }
0x33: {  	p0 =	seq.s32 s10, $0x1;
	s10 =	sld [smem:$0x3FBA];
	_ =	sdelay $0x3  }
0x34: {  	[smem:$0x3FBA] =	sst s10  }
0x35: {  	s10 =	sld [smem:$0x3FB9];
	_ =	sdelay $0x3  }
0x36: {  	p1 =	seq.s32 s10, $0x1;
	s10 =	sld [smem:$0x3FBA];
	_ =	sdelay $0x3  }
0x37: {  	[smem:$0x3FBA] =	sst s10  }
0x38: {  	s10 =	sld [smem:$0x3FBB]  }
0x39: {  	_ = 	snop;
	(pc) =	sbr.ind lr, $3  }
0x3a: {  	_ = 	snop  }
0x3b: {  	_ = 	snop  }
0x3c: {  	p2 =	seq.s32 s10, $0x1;
	s10 =	sld [smem:$0x3FBA]  }
0x3d: {  	_ =	shalt  }
0x3e: {  	_ =	shalt  }
0x3f: {  	_ =	shalt  }
0x40: {  	_ =	shalt  }
0x41: {  	_ =	shalt  }
0x42: {  	_ =	shalt  }
0x43: {  	_ =	shalt  }
0x44: {  	_ =	shalt  }
0x45: {  	_ =	shalt  }
0x46: {  	_ =	shalt  }
0x47: {  	_ =	shalt  }
0x48: {  	_ =	shalt  }
0x49: {  	_ =	shalt  }
0x4a: {  	_ =	shalt  }
0x4b: {  	_ =	shalt  }
0x4c: {  	_ =	shalt  }
0x4d: {  	_ =	shalt  }
0x4e: {  	_ =	shalt  }
0x4f: {  	_ =	shalt  }
0x50: {  	_ =	shalt  }
0x51: {  	_ =	shalt  }
0x52: {  	_ =	shalt  }
0x53: {  	_ =	shalt  }
0x54: {  	_ =	shalt  }
0x55: {  	_ =	shalt  }
0x56: {  	_ =	shalt  }
0x57: {  	_ =	shalt  }
0x58: {  	_ =	shalt  }
0x59: {  	_ =	shalt  }
0x5a: {  	_ =	shalt  }
0x5b: {  	_ =	shalt  }
0x5c: {  	_ =	shalt  }
0x5d: {  	_ =	shalt  }
0x5e: {  	_ =	shalt  }
0x5f: {  	_ =	shalt  }
0x60: {  	_ =	shalt  }
0x61: {  	_ =	shalt  }
0x62: {  	_ =	shalt  }
0x63: {  	_ =	shalt  }
0x64: {  	_ =	shalt  }
0x65: {  	_ =	shalt  }
0x66: {  	_ =	shalt  }
0x67: {  	_ =	shalt  }
0x68: {  	_ =	shalt  }
0x69: {  	_ =	shalt  }
0x6a: {  	_ =	shalt  }
0x6b: {  	_ =	shalt  }
0x6c: {  	_ =	shalt  }
0x6d: {  	_ =	shalt  }
0x6e: {  	_ =	shalt  }
0x6f: {  	_ =	shalt  }
0x70: {  	_ =	shalt  }
0x71: {  	_ =	shalt  }
0x72: {  	_ =	shalt  }
0x73: {  	_ =	shalt  }
0x74: {  	_ =	shalt  }
0x75: {  	_ =	shalt  }
0x76: {  	_ =	shalt  }
0x77: {  	_ =	shalt  }
0x78: {  	_ =	shalt  }
0x79: {  	_ =	shalt  }
0x7a: {  	_ =	shalt  }
0x7b: {  	_ =	shalt  }
0x7c: {  	_ =	shalt  }
0x7d: {  	_ =	shalt  }
0x7e: {  	_ =	shalt  }
0x7f: {  	_ =	shalt  }
0x80: {  	_ =	shalt  }
0x81: {  	_ =	shalt  }
0x82: {  	_ =	shalt  }
0x83: {  	_ =	shalt  }
0x84: {  	_ =	shalt  }
0x85: {  	_ =	shalt  }
0x86: {  	_ =	shalt  }
0x87: {  	_ =	shalt  }
.Lfunc_end0:
.L_simem_size_0:
called_computation.1_lowered:
.L_overlay_start_0:
0x88: {  	s2 =	sld [smem:$0x3FD9]  }
0x89: {  	s3 =	sld [smem:$0x3FFE];
	_ =	sdelay $0x1  }
0x8a: {  	s1 =	srdreg.scid  }
0x8b: {  	s0 =	sand.u32 $0x1, s1  }
0x8c: {  	s17 =	sshll.u32 s0, $0xA;
	s2 =	sadd.s32 s3, s2  }
0x8d: {  	s2 =	sadd.s32 s2, s17  }
0x8e: {  	[smem:$0x3FC6] =	sst s2  }
0x8f: {  	_ = 	snop  }
0x90: {  	s2 =	sld [smem:$0x3FD0];
	(tm) =	ssettm $0x1  }
0x91: {  	s18 =	sld [smem:$0x3FFB];
	_ =	sdelay $0x3  }
0x92: {  	_ =	strace s18  }
0x93: {  	s3 =	sld [smem:$0x3FFC];
	_ =	sdelay $0x3  }
0x94: {  	_ =	strace s3  }
0x95: {  	s3 =	sld [smem:$0x3FFD];
	_ =	sdelay $0x3  }
0x96: {  	_ =	strace s3  }
0x97: {  	_ =	strace $0x8FFFFFFF  }
0x98: {  	s19 =	sld [smem:$0x3FDB];
	_ =	sdelay $0x1  }
0x99: {  	s4 =	simm.s32 $_scs_section_size  }
0x9a: {  	s5 =	simm.s32 $_size__tile_overlayer_lowered;
	s6 =	simm.s32 $_tile_overlayer_lowered  }
0x9b: {  	s22 =	simm.s32 $0x1BFF;
	s21 =	sshll.u32 s6, $0x1;
	s3 =	sadd.s32 s4, s19  }
0x9c: {  	s7 =	simm.s32 $0x0;
	s20 =	sshll.u32 s5, $0x1;
	s5 =	sadd.s32 s21, s3  }
0x9d: {  	[timem:s7], [sflag:s22] =	dma.local [hbm:s5], s20  }
0x9e: {  	_ =	swait.ge [sflag:s22], s20  }
0x9f: {  	s4 =	ssub.s32 $0x0, s20;
	[sflag:s22] =	ssyncset.done $0x0  }
0xa0: {  	[sflag:s22] =	ssyncadd.s32 s4;
	_ =	sdelay $0x1  }
0xa1: {  	s23 =	simm.s32 $0x1B8B  }
0xa2: {  	_ =	swait.ge [sflag:s23], $0x1  }
0xa3: {  	[sflag:s23] =	ssyncset.done $0x0  }
0xa4: {  	s25 =	simm.s32 $0x1B8E;
	s24 =	sld [smem:$0x3FFE];
	[sflag:s23] =	ssyncadd.s32 $0xFFFFFFFF  }
0xa5: {  	s26 =	simm.s32 $execute0_lowered;
	[smem:$0x3FD2] =	sst s25  }
0xa6: {  	s5 =	sshll.u32 s26, $0x1;
	_ =	strace $0x80000046;
	[dreg:$0x1] =	wrdreg $0xFFFFFFFF  }
0xa7: {  	s28 =	simm.s32 $_size_execute0_lowered;
	s3 =	sadd.s32 s3, s5;
	[dreg:$0x0] =	wrdreg $0x0  }
0xa8: {  	s5 =	sshll.u32 s28, $0x1;
	[dreg:$0x2] =	wrdreg s3  }
0xa9: {  	[dreg:$0x3] =	wrdreg s5  }
0xaa: {  	[dreg:$0x4] =	wrdreg $0xC0  }
0xab: {  	_ =	task [dreg:s7], $0x5FFFF  }
0xac: {  	[dreg:$0x1] =	wrdreg $0xFFFFFFFF  }
0xad: {  	[dreg:$0x0] =	wrdreg $0x60  }
0xae: {  	[dreg:$0x2] =	wrdreg s24  }
0xaf: {  	[dreg:$0x3] =	wrdreg s2  }
0xb0: {  	[dreg:$0x4] =	wrdreg $0x9  }
0xb1: {  	_ =	task.clear_ibuf [dreg:s7], $0x5FFFF;
	_ =	strace $0x90000046  }
0xb2: {  	s29 =	simm.s32 $0x9;
	_ =	strace $0x80000048  }
0xb3: {  	_ =	swait.ge [sflag:s29], $0x1  }
0xb4: {  	[sflag:s29] =	ssyncadd.s32 $0xFFFFFFFF  }
0xb5: {  	_ =	strace $0x90000048  }
0xb6: {  	_ =	sfence  }
0xb7: {  	s30 =	sld [smem:$0x0];
	_ =	sdelay $0x2  }
0xb8: {  	s31 =	sshll.u32 s1, $0xD;
	s1 =	sshrl.u32 s1, $0x2  }
0xb9: {  	s3 =	sand.u32 $0x4000, s31;
	s1 =	sadd.s32 s1, s30  }
0xba: {  	s0 =	sor.u32 s3, s0;
	s1 =	sshll.u32 s1, $0x11  }
0xbb: {  	s0 =	sor.u32 s1, s0  }
0xbc: {  	s0 =	sadd.s32 $0x8F2B, s0  }
0xbd: {  	[sflag:s0] =	ssyncadd.remote.s32 $0x1  }
0xbe: {  	_ =	sfence.sel $0xFFFF  }
0xbf: {  	[dreg:$0x0] =	wrdreg $0xFFFFFFFF;
	(pc) =	sbr.abs _section_cstart, $3  }
0xc0: {  	[dreg:$0x1] =	wrdreg $0xFFFFFFFF  }
0xc1: {  	_ =	task.clear_ibuf [dreg:s7], $0x2FFFF;
	_ =	strace $0x9FFFFFFF  }
0xc2: {  	(tm) =	ssettm $0x7FFFFFFF  }
0xc3: {  	_ =	shalt  }
tec
execute0_lowered:
.L_overlay_start_1:
0x0: {  	(tag) =	ssettag $0x1  }
0x1: {  	s4 =	rddreg [dreg:$0x0]  }
0x2: {  	s3 =	rddreg [dreg:$0x1];
	s2 =	simm.s32 $0x0  }
0x3: {  	s12 =	simm.s32 $0x1040;
	[smem:$0x7FF] =	sst s2  }
0x4: {  	s13 =	simm.s32 $0x50;
	_ =	strace $0x80000047;
	[dreg:$0x4] =	wrdreg s12  }
0x5: {  	s14 =	simm.s32 $0x1A40;
	[dreg:$0x5] =	wrdreg s13  }
0x6: {  	s15 =	simm.s32 $0x78;
	[dreg:$0x6] =	wrdreg s14  }
0x7: {  	s16 =	simm.s32 $0x2440;
	[dreg:$0x7] =	wrdreg s15  }
0x8: {  	s17 =	simm.s32 $0xA0;
	[dreg:$0x8] =	wrdreg s16  }
0x9: {  	s18 =	simm.s32 $0x2E40;
	[dreg:$0x9] =	wrdreg s17  }
0xa: {  	s19 =	simm.s32 $0xC8;
	[dreg:$0xa] =	wrdreg s18  }
0xb: {  	s20 =	simm.s32 $0x3840;
	[dreg:$0xb] =	wrdreg s19  }
0xc: {  	s21 =	simm.s32 $0xF0;
	[dreg:$0xc] =	wrdreg s20  }
0xd: {  	s22 =	simm.s32 $0x4240;
	[dreg:$0xd] =	wrdreg s21  }
0xe: {  	s23 =	simm.s32 $0x118;
	[dreg:$0xe] =	wrdreg s22  }
0xf: {  	s24 =	simm.s32 $0x4C40;
	[dreg:$0xf] =	wrdreg s23  }
0x10: {  	s25 =	simm.s32 $0x140;
	[dreg:$0x10] =	wrdreg s24  }
0x11: {  	s26 =	simm.s32 $0x5640;
	[dreg:$0x11] =	wrdreg s25  }
0x12: {  	s28 =	simm.s32 $0x168;
	[dreg:$0x12] =	wrdreg s26  }
0x13: {  	s31 =	simm.s32 $0x6040;
	[dreg:$0x13] =	wrdreg s28  }
0x14: {  	s7 =	simm.s32 $0x1B8;
	[dreg:$0x14] =	wrdreg s31  }
0x15: {  	s8 =	simm.s32 $0x7440;
	[dreg:$0x17] =	wrdreg s7  }
0x16: {  	s9 =	simm.s32 $0x1E0;
	[dreg:$0x18] =	wrdreg s8  }
0x17: {  	s10 =	simm.s32 $0x7E40;
	[dreg:$0x19] =	wrdreg s9  }
0x18: {  	s11 =	simm.s32 $0x208;
	[dreg:$0x1a] =	wrdreg s10  }
0x19: {  	[dreg:$0x1b] =	wrdreg s11;
	s12 =	simm.s32 $0x8840  }
0x1a: {  	s13 =	simm.s32 $0x230;
	[dreg:$0x1c] =	wrdreg s12  }
0x1b: {  	s14 =	simm.s32 $0x9240;
	[dreg:$0x1d] =	wrdreg s13  }
0x1c: {  	s15 =	simm.s32 $0x258;
	[dreg:$0x1e] =	wrdreg s14  }
0x1d: {  	s16 =	simm.s32 $0x9C40;
	[dreg:$0x1f] =	wrdreg s15  }
0x1e: {  	s17 =	simm.s32 $0x280;
	[smem:$0x7DB] =	sst s16  }
0x1f: {  	s18 =	simm.s32 $0xA640;
	[smem:$0x7DC] =	sst s17  }
0x20: {  	s19 =	simm.s32 $0x2A8;
	[smem:$0x7DD] =	sst s18  }
0x21: {  	s20 =	simm.s32 $0xB040;
	[smem:$0x7DE] =	sst s19  }
0x22: {  	s21 =	simm.s32 $0x2D0;
	[smem:$0x7DF] =	sst s20  }
0x23: {  	s22 =	simm.s32 $0xBA40;
	[smem:$0x7E0] =	sst s21  }
0x24: {  	s23 =	simm.s32 $0x2F8;
	[smem:$0x7E1] =	sst s22  }
0x25: {  	s24 =	simm.s32 $0xC440;
	[smem:$0x7E2] =	sst s23  }
0x26: {  	s25 =	simm.s32 $0x348;
	[smem:$0x7E3] =	sst s24  }
0x27: {  	s26 =	simm.s32 $0xD840;
	[smem:$0x7E4] =	sst s25  }
0x28: {  	s28 =	simm.s32 $0x370;
	[smem:$0x7E5] =	sst s26  }
0x29: {  	s31 =	simm.s32 $0xE240;
	[smem:$0x7E6] =	sst s28  }
0x2a: {  	s7 =	simm.s32 $0x3C0;
	[smem:$0x7E7] =	sst s31  }
0x2b: {  	s0 =	stileid.u32;
	s8 =	simm.s32 $0xF640;
	[smem:$0x7EA] =	sst s7  }
0x2c: {  	s5 =	smul.u32 $0x190000, s0;
	s9 =	simm.s32 $0x3E8;
	[smem:$0x7EB] =	sst s8  }
0x2d: {  	s10 =	simm.s32 $0x10040;
	[smem:$0x7EC] =	sst s9  }
0x2e: {  	s3 =	sadd.s32 s5, s3;
	s5 =	simm.s32 $0x190;
	[smem:$0x7ED] =	sst s10  }
0x2f: {  	s1 =	srdreg.scid;
	s12 =	simm.s32 $0x410;
	[dreg:$0x15] =	wrdreg s5  }
0x30: {  	s29 =	simm.s32 $0x4;
	s13 =	simm.s32 $0x10A40;
	[smem:$0x7EE] =	sst s12  }
0x31: {  	s30 =	simm.s32 $0x0;
	s14 =	simm.s32 $0x438;
	[smem:$0x7EF] =	sst s13  }
0x32: {  	s1 =	sand.u32 $0x1, s1;
	s16 =	simm.s32 $0x11440;
	[smem:$0x7F0] =	sst s14  }
0x33: {  	s6 =	smul.u32 $0xC8000, s1;
	s17 =	simm.s32 $0x460;
	[smem:$0x7F1] =	sst s16  }
0x34: {  	s11 =	smul.u32 $0x6400, s0;
	s18 =	simm.s32 $0x11E40;
	[smem:$0x7F2] =	sst s17  }
0x35: {  	s15 =	ssub.s32 $0x2, s1;
	s19 =	simm.s32 $0x488;
	[smem:$0x7F3] =	sst s18  }
0x36: {  	s1 =	smul.u32 $0x3200, s1;
	s21 =	simm.s32 $0x12840;
	[smem:$0x7F5] =	sst s19  }
0x37: {  	s22 =	simm.s32 $0x4B0;
	s24 =	simm.s32 $0x13240;
	[smem:$0x7F6] =	sst s21  }
0x38: {  	s25 =	simm.s32 $0x4D8;
	s26 =	simm.s32 $0x13C40;
	[smem:$0x7F8] =	sst s22  }
0x39: {  	s8 =	simm.s32 $0x640;
	s28 =	simm.s32 $0x500;
	[smem:$0x7F9] =	sst s24  }
0x3a: {  	s9 =	simm.s32 $0x320;
	s31 =	simm.s32 $0x14640;
	[smem:$0x7FA] =	sst s25  }
0x3b: {  	s10 =	simm.s32 $0xCE40;
	s3 =	sadd.s32 s6, s3;
	[smem:$0x7FB] =	sst s26  }
0x3c: {  	s6 =	simm.s32 $0x6A40;
	s5 =	simm.s32 $0x398;
	[smem:$0x7FC] =	sst s28  }
0x3d: {  	s7 =	sshrl.u32 s15, $0x1;
	[smem:$0x7FD] =	sst s31;
	s12 =	simm.s32 $0x15040  }
0x3e: {  	s13 =	simm.s32 $0x550;
	s14 =	simm.s32 $0x15A40;
	s16 =	simm.s32 $0x16440  }
0x3f: {  	s17 =	simm.s32 $0x5A0;
	s18 =	simm.s32 $0x16E40;
	s19 =	simm.s32 $0x5C8  }
0x40: {  	s21 =	simm.s32 $0x5F0;
	s22 =	simm.s32 $0x18240;
	[dreg:$0x3] =	wrdreg s3  }
0x41: {  	s24 =	simm.s32 $0x18C40;
	s25 =	simm.s32 $0x1;
	[dreg:$0x16] =	wrdreg s6  }
0x42: {  	s26 =	simm.s32 $0x2;
	[smem:$0x7E8] =	sst s5;
	s6 =	simm.s32 $0xEC40  }
0x43: {  	s3 =	sadd.s32 $0x64800, s4;
	s5 =	sadd.s32 s11, s4;
	s11 =	simm.s32 $0x528  }
0x44: {  	[smem:$0x7E9] =	sst s6;
	s6 =	ssub.s32 s15, s7;
	s1 =	sadd.s32 s1, s5  }
0x45: {  	s7 =	simm.s32 $0x28;
	s15 =	simm.s32 $0x578;
	s20 =	smax.u32 s6, $0x1  }
0x46: {  	s23 =	sadd.s32 $0x864, s1;
	s6 =	simm.s32 $0x5;
	[smem:$0x7F4] =	sst s20  }
0x47: {  	[smem:$0x7F7] =	sst s23;
	s20 =	simm.s32 $0x17840;
	s23 =	simm.s32 $0x618  }
.LBB2_1:
0x48: {  	s31 =	sld [smem:$0x7F7];
	_ =	sdelay $0x1  }
0x49: {  	s1 =	simm.s32 $0x0  }
.LBB2_2:
0x4a: {  	s0 =	sadd.s32 $0xFFFFFF9C, s31  }
0x4b: {  	[tilespmem:s2], [sflag:$0x5] =	stream.linear.gather [hbm4b:s0+s2], $0x320, $0x38;
	[tilespmem:$0x19640] =	vst v63  }
0x4c: {  	_ =	swait.ge [sflag:s6], $0x320  }
0x4d: {  	[sflag:s6] =	ssyncset.done $0x0  }
0x4e: {  	[sflag:s6] =	ssyncadd.s32 $0xFFFFFCE0  }
0x4f: {  	v0 =	vld [tilespmem:$0x0]  }
0x50: {  	v1 =	vld [tilespmem:$0x10]  }
0x51: {  	v2 =	vld [tilespmem:$0x20]  }
0x52: {  	v3 =	vld [tilespmem:$0x30]  }
0x53: {  	v4 =	vld [tilespmem:$0x40]  }
0x54: {  	v5 =	vld [tilespmem:$0x50];
	vm0 =	vgt.s32 v0, $0x186A0  }
0x55: {  	v6 =	vld [tilespmem:$0x60];
	vm13 =	vgt.s32 v1, $0x186A0;
	v0 =	vsel vm0, $0x0, v0  }
0x56: {  	v41 =	vld [tilespmem:$0x70];
	vm14 =	vgt.s32 v2, $0x186A0;
	v40 =	vsel vm13, $0x0, v1;
	[tilespmem:$0x0] =	vst v0  }
0x57: {  	v43 =	vld [tilespmem:$0x80];
	vm15 =	vgt.s32 v3, $0x186A0;
	v42 =	vsel vm14, $0x0, v2;
	[tilespmem:$0x10] =	vst v40  }
0x58: {  	v45 =	vld [tilespmem:$0x90];
	vm4 =	vgt.s32 v4, $0x186A0;
	v44 =	vsel vm15, $0x0, v3;
	[tilespmem:$0x20] =	vst v42  }
0x59: {  	v47 =	vld [tilespmem:$0xA0];
	vm5 =	vgt.s32 v5, $0x186A0;
	v46 =	vsel vm4, $0x0, v4;
	[tilespmem:$0x30] =	vst v44  }
0x5a: {  	v49 =	vld [tilespmem:$0xB0];
	vm6 =	vgt.s32 v6, $0x186A0;
	v48 =	vsel vm5, $0x0, v5;
	[tilespmem:$0x40] =	vst v46  }
0x5b: {  	v51 =	vld [tilespmem:$0xC0];
	vm7 =	vgt.s32 v41, $0x186A0;
	v50 =	vsel vm6, $0x0, v6;
	[tilespmem:$0x50] =	vst v48  }
0x5c: {  	v53 =	vld [tilespmem:$0xD0];
	vm8 =	vgt.s32 v43, $0x186A0;
	v52 =	vsel vm7, $0x0, v41;
	[tilespmem:$0x60] =	vst v50  }
0x5d: {  	v55 =	vld [tilespmem:$0xE0];
	vm9 =	vgt.s32 v45, $0x186A0;
	v54 =	vsel vm8, $0x0, v43;
	[tilespmem:$0x70] =	vst v52  }
0x5e: {  	v57 =	vld [tilespmem:$0xF0];
	vm10 =	vgt.s32 v47, $0x186A0;
	v56 =	vsel vm9, $0x0, v45;
	[tilespmem:$0x80] =	vst v54  }
0x5f: {  	v59 =	vld [tilespmem:$0x100];
	vm11 =	vgt.s32 v49, $0x186A0;
	v58 =	vsel vm10, $0x0, v47;
	[tilespmem:$0x90] =	vst v56  }
0x60: {  	v61 =	vld [tilespmem:$0x110];
	vm12 =	vgt.s32 v51, $0x186A0;
	v60 =	vsel vm11, $0x0, v49;
	[tilespmem:$0xA0] =	vst v58  }
0x61: {  	v63 =	vld [tilespmem:$0x120];
	v62 =	vsel vm12, $0x0, v51;
	vm13 =	vgt.s32 v53, $0x186A0;
	[tilespmem:$0xB0] =	vst v60  }
0x62: {  	v9 =	vld [tilespmem:$0x130];
	vm14 =	vgt.s32 v55, $0x186A0;
	[tilespmem:$0xC0] =	vst v62;
	v8 =	vsel vm13, $0x0, v53  }
0x63: {  	v11 =	vld [tilespmem:$0x140];
	vm15 =	vgt.s32 v57, $0x186A0;
	v10 =	vsel vm14, $0x0, v55;
	[tilespmem:$0xD0] =	vst v8  }
0x64: {  	v13 =	vld [tilespmem:$0x150];
	vm4 =	vgt.s32 v59, $0x186A0;
	v12 =	vsel vm15, $0x0, v57;
	[tilespmem:$0xE0] =	vst v10  }
0x65: {  	v15 =	vld [tilespmem:$0x160];
	vm5 =	vgt.s32 v61, $0x186A0;
	v14 =	vsel vm4, $0x0, v59;
	[tilespmem:$0xF0] =	vst v12  }
0x66: {  	v17 =	vld [tilespmem:$0x170];
	vm6 =	vgt.s32 v63, $0x186A0;
	v16 =	vsel vm5, $0x0, v61;
	[tilespmem:$0x100] =	vst v14  }
0x67: {  	v19 =	vld [tilespmem:$0x180];
	vm7 =	vgt.s32 v9, $0x186A0;
	v18 =	vsel vm6, $0x0, v63;
	[tilespmem:$0x110] =	vst v16  }
0x68: {  	v21 =	vld [tilespmem:$0x190];
	vm8 =	vgt.s32 v11, $0x186A0;
	v20 =	vsel vm7, $0x0, v9;
	[tilespmem:$0x120] =	vst v18  }
0x69: {  	v23 =	vld [tilespmem:$0x1A0];
	vm9 =	vgt.s32 v13, $0x186A0;
	v22 =	vsel vm8, $0x0, v11;
	[tilespmem:$0x130] =	vst v20  }
0x6a: {  	v25 =	vld [tilespmem:$0x1B0];
	vm10 =	vgt.s32 v15, $0x186A0;
	v24 =	vsel vm9, $0x0, v13;
	[tilespmem:$0x140] =	vst v22  }
0x6b: {  	v27 =	vld [tilespmem:$0x1C0];
	vm11 =	vgt.s32 v17, $0x186A0;
	v26 =	vsel vm10, $0x0, v15;
	[tilespmem:$0x150] =	vst v24  }
0x6c: {  	v29 =	vld [tilespmem:$0x1D0];
	vm12 =	vgt.s32 v19, $0x186A0;
	v28 =	vsel vm11, $0x0, v17;
	[tilespmem:$0x160] =	vst v26  }
0x6d: {  	v31 =	vld [tilespmem:$0x1E0];
	v30 =	vsel vm12, $0x0, v19;
	vm13 =	vgt.s32 v21, $0x186A0;
	[tilespmem:$0x170] =	vst v28  }
0x6e: {  	v33 =	vld [tilespmem:$0x1F0];
	vm14 =	vgt.s32 v23, $0x186A0;
	[tilespmem:$0x180] =	vst v30;
	v32 =	vsel vm13, $0x0, v21  }
0x6f: {  	v35 =	vld [tilespmem:$0x200];
	vm15 =	vgt.s32 v25, $0x186A0;
	v34 =	vsel vm14, $0x0, v23;
	[tilespmem:$0x190] =	vst v32  }
0x70: {  	v37 =	vld [tilespmem:$0x210];
	vm4 =	vgt.s32 v27, $0x186A0;
	v36 =	vsel vm15, $0x0, v25;
	[tilespmem:$0x1A0] =	vst v34  }
0x71: {  	v39 =	vld [tilespmem:$0x220];
	vm5 =	vgt.s32 v29, $0x186A0;
	v38 =	vsel vm4, $0x0, v27;
	[tilespmem:$0x1B0] =	vst v36  }
0x72: {  	v41 =	vld [tilespmem:$0x230];
	vm6 =	vgt.s32 v31, $0x186A0;
	v40 =	vsel vm5, $0x0, v29;
	[tilespmem:$0x1C0] =	vst v38  }
0x73: {  	v43 =	vld [tilespmem:$0x240];
	vm7 =	vgt.s32 v33, $0x186A0;
	v42 =	vsel vm6, $0x0, v31;
	[tilespmem:$0x1D0] =	vst v40  }
0x74: {  	v45 =	vld [tilespmem:$0x250];
	vm8 =	vgt.s32 v35, $0x186A0;
	v44 =	vsel vm7, $0x0, v33;
	[tilespmem:$0x1E0] =	vst v42  }
0x75: {  	v47 =	vld [tilespmem:$0x260];
	vm9 =	vgt.s32 v37, $0x186A0;
	v46 =	vsel vm8, $0x0, v35;
	[tilespmem:$0x1F0] =	vst v44  }
0x76: {  	v49 =	vld [tilespmem:$0x270];
	vm10 =	vgt.s32 v39, $0x186A0;
	v48 =	vsel vm9, $0x0, v37;
	[tilespmem:$0x200] =	vst v46  }
0x77: {  	v51 =	vld [tilespmem:$0x280];
	v50 =	vsel vm10, $0x0, v39;
	[tilespmem:$0x210] =	vst v48;
	vm11 =	vgt.s32 v41, $0x186A0  }
0x78: {  	v53 =	vld [tilespmem:$0x290];
	[tilespmem:$0x220] =	vst v50;
	vm12 =	vgt.s32 v43, $0x186A0;
	v52 =	vsel vm11, $0x0, v41  }
0x79: {  	v55 =	vld [tilespmem:$0x2A0];
	vm13 =	vgt.s32 v45, $0x186A0;
	v54 =	vsel vm12, $0x0, v43;
	[tilespmem:$0x230] =	vst v52  }
0x7a: {  	v57 =	vld [tilespmem:$0x2B0];
	vm14 =	vgt.s32 v47, $0x186A0;
	v56 =	vsel vm13, $0x0, v45;
	[tilespmem:$0x240] =	vst v54  }
0x7b: {  	v59 =	vld [tilespmem:$0x2C0];
	vm15 =	vgt.s32 v49, $0x186A0;
	v58 =	vsel vm14, $0x0, v47;
	[tilespmem:$0x250] =	vst v56  }
0x7c: {  	v61 =	vld [tilespmem:$0x2D0];
	vm4 =	vgt.s32 v51, $0x186A0;
	v60 =	vsel vm15, $0x0, v49;
	[tilespmem:$0x260] =	vst v58  }
0x7d: {  	v63 =	vld [tilespmem:$0x2E0];
	v62 =	vsel vm4, $0x0, v51;
	vm5 =	vgt.s32 v53, $0x186A0;
	[tilespmem:$0x270] =	vst v60  }
0x7e: {  	v10 =	vld [tilespmem:$0x2F0];
	vm6 =	vgt.s32 v55, $0x186A0;
	[tilespmem:$0x280] =	vst v62;
	v9 =	vsel vm5, $0x0, v53  }
0x7f: {  	v12 =	vld [tilespmem:$0x300];
	vm7 =	vgt.s32 v57, $0x186A0;
	v11 =	vsel vm6, $0x0, v55;
	[tilespmem:$0x290] =	vst v9  }
0x80: {  	v14 =	vld [tilespmem:$0x310];
	vm8 =	vgt.s32 v59, $0x186A0;
	v13 =	vsel vm7, $0x0, v57;
	[tilespmem:$0x2A0] =	vst v11  }
0x81: {  	vm9 =	vgt.s32 v61, $0x186A0;
	v15 =	vsel vm8, $0x0, v59;
	[tilespmem:$0x2B0] =	vst v13  }
0x82: {  	vm10 =	vgt.s32 v63, $0x186A0;
	v16 =	vsel vm9, $0x0, v61;
	[tilespmem:$0x2C0] =	vst v15  }
0x83: {  	v17 =	vsel vm10, $0x0, v63;
	vm11 =	vgt.s32 v10, $0x186A0;
	[tilespmem:$0x2D0] =	vst v16  }
0x84: {  	vm12 =	vgt.s32 v12, $0x186A0;
	[tilespmem:$0x2E0] =	vst v17;
	v18 =	vsel vm11, $0x0, v10  }
0x85: {  	vm13 =	vgt.s32 v14, $0x186A0;
	v19 =	vsel vm12, $0x0, v12;
	[tilespmem:$0x2F0] =	vst v18  }
0x86: {  	p0 =	seq.s32 s1, $0x0;
	v20 =	vsel vm13, $0x0, v14;
	[tilespmem:$0x300] =	vst v19  }
0x87: {  	s0 =	simm.s32 @!p0 $0x3;
	[tilespmem:$0x310] =	vst v20  }
0x88: {  	_ =	swait.ge @!p0 [sflag:s0], $0xC800  }
0x89: {  	s5 =	rddreg [dreg:$0x4]  }
0x8a: {  	[sflag:s0] =	ssyncset.done @!p0 $0x0;
	s4 =	rddreg [dreg:$0x6]  }
0x8b: {  	s28 =	rddreg [dreg:$0x8];
	[sflag:s0] =	ssyncadd.s32 @!p0 $0xFFFF3800  }
0x8c: {  	[tilespmem:s8], [sflag:$0x1] =	stream.indirect.gather [hbm4b:s3+s7], $0x40, s2, s7, $0xb8;
	[tilespmem:$0x19640] =	vst v63  }
0x8d: {  	s0 =	rddreg [dreg:$0x5]  }
0x8e: {  	[tilespmem:s5], [sflag:$0x1] =	stream.indirect.gather [hbm4b:s3+s7], $0x40, s7, s7, $0xb8;
	[tilespmem:$0x19640] =	vst v63  }
0x8f: {  	s5 =	rddreg [dreg:$0x7]  }
0x90: {  	[tilespmem:s4], [sflag:$0x1] =	stream.indirect.gather [hbm4b:s3+s7], $0x40, s0, s7, $0xb8;
	[tilespmem:$0x19640] =	vst v63  }
0x91: {  	s0 =	rddreg [dreg:$0x9]  }
0x92: {  	s4 =	rddreg [dreg:$0xa]  }
0x93: {  	[tilespmem:s28], [sflag:$0x1] =	stream.indirect.gather [hbm4b:s3+s7], $0x40, s5, s7, $0xb8;
	[tilespmem:$0x19640] =	vst v63  }
0x94: {  	s5 =	rddreg [dreg:$0xb]  }
0x95: {  	s28 =	rddreg [dreg:$0xc]  }
0x96: {  	[tilespmem:s4], [sflag:$0x1] =	stream.indirect.gather [hbm4b:s3+s7], $0x40, s0, s7, $0xb8;
	[tilespmem:$0x19640] =	vst v63  }
0x97: {  	s0 =	rddreg [dreg:$0xd]  }
0x98: {  	s4 =	rddreg [dreg:$0xe]  }
0x99: {  	[tilespmem:s28], [sflag:$0x1] =	stream.indirect.gather [hbm4b:s3+s7], $0x40, s5, s7, $0xb8;
	[tilespmem:$0x19640] =	vst v63  }
0x9a: {  	s5 =	rddreg [dreg:$0xf]  }
0x9b: {  	s28 =	rddreg [dreg:$0x10]  }
0x9c: {  	[tilespmem:s4], [sflag:$0x1] =	stream.indirect.gather [hbm4b:s3+s7], $0x40, s0, s7, $0xb8;
	[tilespmem:$0x19640] =	vst v63  }
0x9d: {  	s0 =	rddreg [dreg:$0x11]  }
0x9e: {  	s4 =	rddreg [dreg:$0x12]  }
0x9f: {  	[tilespmem:s28], [sflag:$0x1] =	stream.indirect.gather [hbm4b:s3+s7], $0x40, s5, s7, $0xb8;
	[tilespmem:$0x19640] =	vst v63  }
0xa0: {  	s5 =	rddreg [dreg:$0x13]  }
0xa1: {  	s28 =	rddreg [dreg:$0x14]  }
0xa2: {  	[tilespmem:s4], [sflag:$0x1] =	stream.indirect.gather [hbm4b:s3+s7], $0x40, s0, s7, $0xb8;
	[tilespmem:$0x19640] =	vst v63  }
0xa3: {  	s0 =	rddreg [dreg:$0x15]  }
0xa4: {  	s4 =	rddreg [dreg:$0x16]  }
0xa5: {  	[tilespmem:s28], [sflag:$0x1] =	stream.indirect.gather [hbm4b:s3+s7], $0x40, s5, s7, $0xb8;
	[tilespmem:$0x19640] =	vst v63  }
0xa6: {  	s5 =	rddreg [dreg:$0x17]  }
0xa7: {  	s28 =	rddreg [dreg:$0x18]  }
0xa8: {  	[tilespmem:s4], [sflag:$0x1] =	stream.indirect.gather [hbm4b:s3+s7], $0x40, s0, s7, $0xb8;
	[tilespmem:$0x19640] =	vst v63  }
0xa9: {  	s0 =	rddreg [dreg:$0x19]  }
0xaa: {  	s4 =	rddreg [dreg:$0x1a]  }
0xab: {  	[tilespmem:s28], [sflag:$0x1] =	stream.indirect.gather [hbm4b:s3+s7], $0x40, s5, s7, $0xb8;
	[tilespmem:$0x19640] =	vst v63  }
0xac: {  	s5 =	rddreg [dreg:$0x1b]  }
0xad: {  	s28 =	rddreg [dreg:$0x1c]  }
0xae: {  	[tilespmem:s4], [sflag:$0x1] =	stream.indirect.gather [hbm4b:s3+s7], $0x40, s0, s7, $0xb8;
	[tilespmem:$0x19640] =	vst v63  }
0xaf: {  	s0 =	rddreg [dreg:$0x1d]  }
0xb0: {  	s4 =	rddreg [dreg:$0x1e]  }
0xb1: {  	[tilespmem:s28], [sflag:$0x1] =	stream.indirect.gather [hbm4b:s3+s7], $0x40, s5, s7, $0xb8;
	[tilespmem:$0x19640] =	vst v63  }
0xb2: {  	s5 =	rddreg [dreg:$0x1f]  }
0xb3: {  	s28 =	sld [smem:$0x7DB]  }
0xb4: {  	[tilespmem:s4], [sflag:$0x1] =	stream.indirect.gather [hbm4b:s3+s7], $0x40, s0, s7, $0xb8;
	[tilespmem:$0x19640] =	vst v63  }
0xb5: {  	s0 =	sld [smem:$0x7DC]  }
0xb6: {  	s4 =	sld [smem:$0x7DD]  }
0xb7: {  	[tilespmem:s28], [sflag:$0x1] =	stream.indirect.gather [hbm4b:s3+s7], $0x40, s5, s7, $0xb8;
	[tilespmem:$0x19640] =	vst v63  }
0xb8: {  	s5 =	sld [smem:$0x7DE]  }
0xb9: {  	s28 =	sld [smem:$0x7DF]  }
0xba: {  	[tilespmem:s4], [sflag:$0x1] =	stream.indirect.gather [hbm4b:s3+s7], $0x40, s0, s7, $0xb8;
	[tilespmem:$0x19640] =	vst v63  }
0xbb: {  	s0 =	sld [smem:$0x7E0]  }
0xbc: {  	s4 =	sld [smem:$0x7E1]  }
0xbd: {  	[tilespmem:s28], [sflag:$0x1] =	stream.indirect.gather [hbm4b:s3+s7], $0x40, s5, s7, $0xb8;
	[tilespmem:$0x19640] =	vst v63  }
0xbe: {  	s5 =	sld [smem:$0x7E2]  }
0xbf: {  	s28 =	sld [smem:$0x7E3]  }
0xc0: {  	[tilespmem:s4], [sflag:$0x1] =	stream.indirect.gather [hbm4b:s3+s7], $0x40, s0, s7, $0xb8;
	[tilespmem:$0x19640] =	vst v63  }
0xc1: {  	_ = 	snop  }
0xc2: {  	[tilespmem:s28], [sflag:$0x1] =	stream.indirect.gather [hbm4b:s3+s7], $0x40, s5, s7, $0xb8;
	[tilespmem:$0x19640] =	vst v63  }
0xc3: {  	_ = 	snop  }
0xc4: {  	[tilespmem:s9], [sflag:$0x5] =	stream.linear.gather [hbm4b:s31+s2], $0x320, $0x38;
	[tilespmem:$0x19640] =	vst v63  }
0xc5: {  	_ =	swait.ge [sflag:s6], $0x320  }
0xc6: {  	[sflag:s6] =	ssyncset.done $0x0  }
0xc7: {  	[sflag:s6] =	ssyncadd.s32 $0xFFFFFCE0  }
0xc8: {  	v21 =	vld [tilespmem:$0x320]  }
0xc9: {  	v22 =	vld [tilespmem:$0x330]  }
0xca: {  	v23 =	vld [tilespmem:$0x340]  }
0xcb: {  	v24 =	vld [tilespmem:$0x350]  }
0xcc: {  	v25 =	vld [tilespmem:$0x360]  }
0xcd: {  	v26 =	vld [tilespmem:$0x370];
	vm14 =	vgt.s32 v21, $0x186A0  }
0xce: {  	v27 =	vld [tilespmem:$0x380];
	vm15 =	vgt.s32 v22, $0x186A0;
	v0 =	vsel vm14, $0x0, v21  }
0xcf: {  	v29 =	vld [tilespmem:$0x390];
	vm4 =	vgt.s32 v23, $0x186A0;
	v28 =	vsel vm15, $0x0, v22;
	[tilespmem:$0x320] =	vst v0  }
0xd0: {  	v31 =	vld [tilespmem:$0x3A0];
	vm5 =	vgt.s32 v24, $0x186A0;
	v30 =	vsel vm4, $0x0, v23;
	[tilespmem:$0x330] =	vst v28  }
0xd1: {  	v33 =	vld [tilespmem:$0x3B0];
	vm6 =	vgt.s32 v25, $0x186A0;
	v32 =	vsel vm5, $0x0, v24;
	[tilespmem:$0x340] =	vst v30  }
0xd2: {  	v35 =	vld [tilespmem:$0x3C0];
	vm7 =	vgt.s32 v26, $0x186A0;
	v34 =	vsel vm6, $0x0, v25;
	[tilespmem:$0x350] =	vst v32  }
0xd3: {  	v37 =	vld [tilespmem:$0x3D0];
	vm8 =	vgt.s32 v27, $0x186A0;
	v36 =	vsel vm7, $0x0, v26;
	[tilespmem:$0x360] =	vst v34  }
0xd4: {  	v39 =	vld [tilespmem:$0x3E0];
	vm9 =	vgt.s32 v29, $0x186A0;
	v38 =	vsel vm8, $0x0, v27;
	[tilespmem:$0x370] =	vst v36  }
0xd5: {  	v41 =	vld [tilespmem:$0x3F0];
	vm10 =	vgt.s32 v31, $0x186A0;
	v40 =	vsel vm9, $0x0, v29;
	[tilespmem:$0x380] =	vst v38  }
0xd6: {  	v43 =	vld [tilespmem:$0x400];
	vm11 =	vgt.s32 v33, $0x186A0;
	v42 =	vsel vm10, $0x0, v31;
	[tilespmem:$0x390] =	vst v40  }
0xd7: {  	v45 =	vld [tilespmem:$0x410];
	vm12 =	vgt.s32 v35, $0x186A0;
	v44 =	vsel vm11, $0x0, v33;
	[tilespmem:$0x3A0] =	vst v42  }
0xd8: {  	v47 =	vld [tilespmem:$0x420];
	vm13 =	vgt.s32 v37, $0x186A0;
	v46 =	vsel vm12, $0x0, v35;
	[tilespmem:$0x3B0] =	vst v44  }
0xd9: {  	v49 =	vld [tilespmem:$0x430];
	v48 =	vsel vm13, $0x0, v37;
	vm14 =	vgt.s32 v39, $0x186A0;
	[tilespmem:$0x3C0] =	vst v46  }
0xda: {  	v51 =	vld [tilespmem:$0x440];
	vm15 =	vgt.s32 v41, $0x186A0;
	[tilespmem:$0x3D0] =	vst v48;
	v50 =	vsel vm14, $0x0, v39  }
0xdb: {  	v53 =	vld [tilespmem:$0x450];
	vm4 =	vgt.s32 v43, $0x186A0;
	v52 =	vsel vm15, $0x0, v41;
	[tilespmem:$0x3E0] =	vst v50  }
0xdc: {  	v55 =	vld [tilespmem:$0x460];
	vm5 =	vgt.s32 v45, $0x186A0;
	v54 =	vsel vm4, $0x0, v43;
	[tilespmem:$0x3F0] =	vst v52  }
0xdd: {  	v57 =	vld [tilespmem:$0x470];
	vm6 =	vgt.s32 v47, $0x186A0;
	v56 =	vsel vm5, $0x0, v45;
	[tilespmem:$0x400] =	vst v54  }
0xde: {  	v59 =	vld [tilespmem:$0x480];
	vm7 =	vgt.s32 v49, $0x186A0;
	v58 =	vsel vm6, $0x0, v47;
	[tilespmem:$0x410] =	vst v56  }
0xdf: {  	v61 =	vld [tilespmem:$0x490];
	vm8 =	vgt.s32 v51, $0x186A0;
	v60 =	vsel vm7, $0x0, v49;
	[tilespmem:$0x420] =	vst v58  }
0xe0: {  	v63 =	vld [tilespmem:$0x4A0];
	vm9 =	vgt.s32 v53, $0x186A0;
	v62 =	vsel vm8, $0x0, v51;
	[tilespmem:$0x430] =	vst v60  }
0xe1: {  	v9 =	vld [tilespmem:$0x4B0];
	vm10 =	vgt.s32 v55, $0x186A0;
	v8 =	vsel vm9, $0x0, v53;
	[tilespmem:$0x440] =	vst v62  }
0xe2: {  	v11 =	vld [tilespmem:$0x4C0];
	vm11 =	vgt.s32 v57, $0x186A0;
	v10 =	vsel vm10, $0x0, v55;
	[tilespmem:$0x450] =	vst v8  }
0xe3: {  	v13 =	vld [tilespmem:$0x4D0];
	vm12 =	vgt.s32 v59, $0x186A0;
	v12 =	vsel vm11, $0x0, v57;
	[tilespmem:$0x460] =	vst v10  }
0xe4: {  	v15 =	vld [tilespmem:$0x4E0];
	vm13 =	vgt.s32 v61, $0x186A0;
	v14 =	vsel vm12, $0x0, v59;
	[tilespmem:$0x470] =	vst v12  }
0xe5: {  	v17 =	vld [tilespmem:$0x4F0];
	v16 =	vsel vm13, $0x0, v61;
	vm14 =	vgt.s32 v63, $0x186A0;
	[tilespmem:$0x480] =	vst v14  }
0xe6: {  	v19 =	vld [tilespmem:$0x500];
	vm15 =	vgt.s32 v9, $0x186A0;
	[tilespmem:$0x490] =	vst v16;
	v18 =	vsel vm14, $0x0, v63  }
0xe7: {  	v21 =	vld [tilespmem:$0x510];
	vm4 =	vgt.s32 v11, $0x186A0;
	v20 =	vsel vm15, $0x0, v9;
	[tilespmem:$0x4A0] =	vst v18  }
0xe8: {  	v23 =	vld [tilespmem:$0x520];
	vm5 =	vgt.s32 v13, $0x186A0;
	v22 =	vsel vm4, $0x0, v11;
	[tilespmem:$0x4B0] =	vst v20  }
0xe9: {  	v25 =	vld [tilespmem:$0x530];
	vm6 =	vgt.s32 v15, $0x186A0;
	v24 =	vsel vm5, $0x0, v13;
	[tilespmem:$0x4C0] =	vst v22  }
0xea: {  	v27 =	vld [tilespmem:$0x540];
	vm7 =	vgt.s32 v17, $0x186A0;
	v26 =	vsel vm6, $0x0, v15;
	[tilespmem:$0x4D0] =	vst v24  }
0xeb: {  	v29 =	vld [tilespmem:$0x550];
	vm8 =	vgt.s32 v19, $0x186A0;
	v28 =	vsel vm7, $0x0, v17;
	[tilespmem:$0x4E0] =	vst v26  }
0xec: {  	v31 =	vld [tilespmem:$0x560];
	v30 =	vsel vm8, $0x0, v19;
	[tilespmem:$0x4F0] =	vst v28;
	vm9 =	vgt.s32 v21, $0x186A0  }
0xed: {  	v33 =	vld [tilespmem:$0x570];
	[tilespmem:$0x500] =	vst v30;
	vm10 =	vgt.s32 v23, $0x186A0;
	v32 =	vsel vm9, $0x0, v21  }
0xee: {  	v35 =	vld [tilespmem:$0x580];
	vm11 =	vgt.s32 v25, $0x186A0;
	v34 =	vsel vm10, $0x0, v23;
	[tilespmem:$0x510] =	vst v32  }
0xef: {  	v37 =	vld [tilespmem:$0x590];
	vm12 =	vgt.s32 v27, $0x186A0;
	v36 =	vsel vm11, $0x0, v25;
	[tilespmem:$0x520] =	vst v34  }
0xf0: {  	v39 =	vld [tilespmem:$0x5A0];
	vm13 =	vgt.s32 v29, $0x186A0;
	v38 =	vsel vm12, $0x0, v27;
	[tilespmem:$0x530] =	vst v36  }
0xf1: {  	v41 =	vld [tilespmem:$0x5B0];
	vm14 =	vgt.s32 v31, $0x186A0;
	v40 =	vsel vm13, $0x0, v29;
	[tilespmem:$0x540] =	vst v38  }
0xf2: {  	v43 =	vld [tilespmem:$0x5C0];
	vm15 =	vgt.s32 v33, $0x186A0;
	v42 =	vsel vm14, $0x0, v31;
	[tilespmem:$0x550] =	vst v40  }
0xf3: {  	v45 =	vld [tilespmem:$0x5D0];
	vm4 =	vgt.s32 v35, $0x186A0;
	v44 =	vsel vm15, $0x0, v33;
	[tilespmem:$0x560] =	vst v42  }
0xf4: {  	v47 =	vld [tilespmem:$0x5E0];
	vm5 =	vgt.s32 v37, $0x186A0;
	v46 =	vsel vm4, $0x0, v35;
	[tilespmem:$0x570] =	vst v44  }
0xf5: {  	v49 =	vld [tilespmem:$0x5F0];
	v48 =	vsel vm5, $0x0, v37;
	vm6 =	vgt.s32 v39, $0x186A0;
	[tilespmem:$0x580] =	vst v46  }
0xf6: {  	v51 =	vld [tilespmem:$0x600];
	vm7 =	vgt.s32 v41, $0x186A0;
	[tilespmem:$0x590] =	vst v48;
	v50 =	vsel vm6, $0x0, v39  }
0xf7: {  	v53 =	vld [tilespmem:$0x610];
	vm8 =	vgt.s32 v43, $0x186A0;
	v52 =	vsel vm7, $0x0, v41;
	[tilespmem:$0x5A0] =	vst v50  }
0xf8: {  	v55 =	vld [tilespmem:$0x620];
	vm9 =	vgt.s32 v45, $0x186A0;
	v54 =	vsel vm8, $0x0, v43;
	[tilespmem:$0x5B0] =	vst v52  }
0xf9: {  	v57 =	vld [tilespmem:$0x630];
	vm10 =	vgt.s32 v47, $0x186A0;
	v56 =	vsel vm9, $0x0, v45;
	[tilespmem:$0x5C0] =	vst v54  }
0xfa: {  	vm11 =	vgt.s32 v49, $0x186A0;
	v58 =	vsel vm10, $0x0, v47;
	[tilespmem:$0x5D0] =	vst v56  }
0xfb: {  	vm12 =	vgt.s32 v51, $0x186A0;
	v59 =	vsel vm11, $0x0, v49;
	[tilespmem:$0x5E0] =	vst v58  }
0xfc: {  	vm13 =	vgt.s32 v53, $0x186A0;
	v60 =	vsel vm12, $0x0, v51;
	[tilespmem:$0x5F0] =	vst v59  }
0xfd: {  	vm14 =	vgt.s32 v55, $0x186A0;
	v61 =	vsel vm13, $0x0, v53;
	[tilespmem:$0x600] =	vst v60  }
0xfe: {  	vm15 =	vgt.s32 v57, $0x186A0;
	v62 =	vsel vm14, $0x0, v55;
	[tilespmem:$0x610] =	vst v61  }
0xff: {  	v63 =	vsel vm15, $0x0, v57;
	[tilespmem:$0x620] =	vst v62  }
0x100: {  	s0 =	simm.s32 @!p0 $0x4;
	[tilespmem:$0x630] =	vst v63  }
0x101: {  	_ =	swait.ge @!p0 [sflag:s0], $0xC800  }
0x102: {  	s4 =	sld [smem:$0x7E5]  }
0x103: {  	[sflag:s0] =	ssyncset.done @!p0 $0x0;
	s5 =	sld [smem:$0x7E6]  }
0x104: {  	[sflag:s0] =	ssyncadd.s32 @!p0 $0xFFFF3800;
	s0 =	sld [smem:$0x7E4]  }
0x105: {  	[tilespmem:s10], [sflag:$0x2] =	stream.indirect.gather [hbm4b:s3+s7], $0x40, s9, s7, $0xb8;
	[tilespmem:$0x19640] =	vst v63  }
0x106: {  	s28 =	sld [smem:$0x7E7]  }
0x107: {  	[tilespmem:s4], [sflag:$0x2] =	stream.indirect.gather [hbm4b:s3+s7], $0x40, s0, s7, $0xb8;
	[tilespmem:$0x19640] =	vst v63  }
0x108: {  	s0 =	sld [smem:$0x7E8]  }
0x109: {  	s4 =	sld [smem:$0x7E9]  }
0x10a: {  	[tilespmem:s28], [sflag:$0x2] =	stream.indirect.gather [hbm4b:s3+s7], $0x40, s5, s7, $0xb8;
	[tilespmem:$0x19640] =	vst v63  }
0x10b: {  	s5 =	sld [smem:$0x7EA]  }
0x10c: {  	s28 =	sld [smem:$0x7EB]  }
0x10d: {  	[tilespmem:s4], [sflag:$0x2] =	stream.indirect.gather [hbm4b:s3+s7], $0x40, s0, s7, $0xb8;
	[tilespmem:$0x19640] =	vst v63  }
0x10e: {  	s0 =	sld [smem:$0x7EC]  }
0x10f: {  	s4 =	sld [smem:$0x7ED]  }
0x110: {  	[tilespmem:s28], [sflag:$0x2] =	stream.indirect.gather [hbm4b:s3+s7], $0x40, s5, s7, $0xb8;
	[tilespmem:$0x19640] =	vst v63  }
0x111: {  	s5 =	sld [smem:$0x7EE]  }
0x112: {  	s28 =	sld [smem:$0x7EF]  }
0x113: {  	[tilespmem:s4], [sflag:$0x2] =	stream.indirect.gather [hbm4b:s3+s7], $0x40, s0, s7, $0xb8;
	[tilespmem:$0x19640] =	vst v63  }
0x114: {  	s0 =	sld [smem:$0x7F0]  }
0x115: {  	s4 =	sld [smem:$0x7F1]  }
0x116: {  	[tilespmem:s28], [sflag:$0x2] =	stream.indirect.gather [hbm4b:s3+s7], $0x40, s5, s7, $0xb8;
	[tilespmem:$0x19640] =	vst v63  }
0x117: {  	s5 =	sld [smem:$0x7F2]  }
0x118: {  	s28 =	sld [smem:$0x7F3]  }
0x119: {  	[tilespmem:s4], [sflag:$0x2] =	stream.indirect.gather [hbm4b:s3+s7], $0x40, s0, s7, $0xb8;
	[tilespmem:$0x19640] =	vst v63  }
0x11a: {  	s0 =	sld [smem:$0x7F5]  }
0x11b: {  	s4 =	sld [smem:$0x7F6]  }
0x11c: {  	[tilespmem:s28], [sflag:$0x2] =	stream.indirect.gather [hbm4b:s3+s7], $0x40, s5, s7, $0xb8;
	[tilespmem:$0x19640] =	vst v63  }
0x11d: {  	s5 =	sld [smem:$0x7F8]  }
0x11e: {  	s28 =	sld [smem:$0x7F9]  }
0x11f: {  	[tilespmem:s4], [sflag:$0x2] =	stream.indirect.gather [hbm4b:s3+s7], $0x40, s0, s7, $0xb8;
	[tilespmem:$0x19640] =	vst v63  }
0x120: {  	s0 =	sld [smem:$0x7FA]  }
0x121: {  	s4 =	sld [smem:$0x7FB]  }
0x122: {  	[tilespmem:s28], [sflag:$0x2] =	stream.indirect.gather [hbm4b:s3+s7], $0x40, s5, s7, $0xb8;
	[tilespmem:$0x19640] =	vst v63  }
0x123: {  	s5 =	sld [smem:$0x7FC]  }
0x124: {  	s28 =	sld [smem:$0x7FD]  }
0x125: {  	[tilespmem:s4], [sflag:$0x2] =	stream.indirect.gather [hbm4b:s3+s7], $0x40, s0, s7, $0xb8;
	[tilespmem:$0x19640] =	vst v63  }
0x126: {  	_ = 	snop  }
0x127: {  	[tilespmem:s28], [sflag:$0x2] =	stream.indirect.gather [hbm4b:s3+s7], $0x40, s5, s7, $0xb8;
	[tilespmem:$0x19640] =	vst v63  }
0x128: {  	_ = 	snop  }
0x129: {  	[tilespmem:s12], [sflag:$0x2] =	stream.indirect.gather [hbm4b:s3+s7], $0x40, s11, s7, $0xb8;
	[tilespmem:$0x19640] =	vst v63  }
0x12a: {  	_ = 	snop  }
0x12b: {  	[tilespmem:s14], [sflag:$0x2] =	stream.indirect.gather [hbm4b:s3+s7], $0x40, s13, s7, $0xb8;
	[tilespmem:$0x19640] =	vst v63  }
0x12c: {  	_ = 	snop  }
0x12d: {  	[tilespmem:s16], [sflag:$0x2] =	stream.indirect.gather [hbm4b:s3+s7], $0x40, s15, s7, $0xb8;
	[tilespmem:$0x19640] =	vst v63  }
0x12e: {  	_ = 	snop  }
0x12f: {  	[tilespmem:s18], [sflag:$0x2] =	stream.indirect.gather [hbm4b:s3+s7], $0x40, s17, s7, $0xb8;
	[tilespmem:$0x19640] =	vst v63  }
0x130: {  	_ = 	snop  }
0x131: {  	[tilespmem:s20], [sflag:$0x2] =	stream.indirect.gather [hbm4b:s3+s7], $0x40, s19, s7, $0xb8;
	[tilespmem:$0x19640] =	vst v63  }
0x132: {  	_ = 	snop  }
0x133: {  	[tilespmem:s22], [sflag:$0x2] =	stream.indirect.gather [hbm4b:s3+s7], $0x40, s21, s7, $0xb8;
	[tilespmem:$0x19640] =	vst v63  }
0x134: {  	_ = 	snop  }
0x135: {  	[tilespmem:s24], [sflag:$0x2] =	stream.indirect.gather [hbm4b:s3+s7], $0x40, s23, s7, $0xb8;
	[tilespmem:$0x19640] =	vst v63  }
0x136: {  	_ =	swait.ge [sflag:s25], $0xA00  }
0x137: {  	[sflag:s25] =	ssyncset.done $0x0  }
0x138: {  	[sflag:s25] =	ssyncadd.s32 $0xFFFFF600  }
0x139: {  	_ =	swait.ge [sflag:s25], $0xA00  }
0x13a: {  	[sflag:s25] =	ssyncset.done $0x0  }
0x13b: {  	[sflag:s25] =	ssyncadd.s32 $0xFFFFF600  }
0x13c: {  	_ =	swait.ge [sflag:s25], $0xA00  }
0x13d: {  	[sflag:s25] =	ssyncset.done $0x0  }
0x13e: {  	[sflag:s25] =	ssyncadd.s32 $0xFFFFF600  }
0x13f: {  	_ =	swait.ge [sflag:s25], $0xA00  }
0x140: {  	[sflag:s25] =	ssyncset.done $0x0  }
0x141: {  	[sflag:s25] =	ssyncadd.s32 $0xFFFFF600  }
0x142: {  	_ =	swait.ge [sflag:s25], $0xA00  }
0x143: {  	[sflag:s25] =	ssyncset.done $0x0  }
0x144: {  	[sflag:s25] =	ssyncadd.s32 $0xFFFFF600  }
0x145: {  	_ =	swait.ge [sflag:s25], $0xA00  }
0x146: {  	[sflag:s25] =	ssyncset.done $0x0  }
0x147: {  	[sflag:s25] =	ssyncadd.s32 $0xFFFFF600  }
0x148: {  	_ =	swait.ge [sflag:s25], $0xA00  }
0x149: {  	[sflag:s25] =	ssyncset.done $0x0  }
0x14a: {  	[sflag:s25] =	ssyncadd.s32 $0xFFFFF600  }
0x14b: {  	_ =	swait.ge [sflag:s25], $0xA00  }
0x14c: {  	[sflag:s25] =	ssyncset.done $0x0  }
0x14d: {  	[sflag:s25] =	ssyncadd.s32 $0xFFFFF600  }
0x14e: {  	_ =	swait.ge [sflag:s25], $0xA00  }
0x14f: {  	[sflag:s25] =	ssyncset.done $0x0  }
0x150: {  	[sflag:s25] =	ssyncadd.s32 $0xFFFFF600  }
0x151: {  	_ =	swait.ge [sflag:s25], $0xA00  }
0x152: {  	[sflag:s25] =	ssyncset.done $0x0  }
0x153: {  	[sflag:s25] =	ssyncadd.s32 $0xFFFFF600  }
0x154: {  	_ =	swait.ge [sflag:s25], $0xA00  }
0x155: {  	[sflag:s25] =	ssyncset.done $0x0  }
0x156: {  	[sflag:s25] =	ssyncadd.s32 $0xFFFFF600  }
0x157: {  	_ =	swait.ge [sflag:s25], $0xA00  }
0x158: {  	[sflag:s25] =	ssyncset.done $0x0  }
0x159: {  	[sflag:s25] =	ssyncadd.s32 $0xFFFFF600  }
0x15a: {  	_ =	swait.ge [sflag:s25], $0xA00  }
0x15b: {  	[sflag:s25] =	ssyncset.done $0x0  }
0x15c: {  	[sflag:s25] =	ssyncadd.s32 $0xFFFFF600  }
0x15d: {  	_ =	swait.ge [sflag:s25], $0xA00  }
0x15e: {  	[sflag:s25] =	ssyncset.done $0x0  }
0x15f: {  	[sflag:s25] =	ssyncadd.s32 $0xFFFFF600  }
0x160: {  	_ =	swait.ge [sflag:s25], $0xA00  }
0x161: {  	[sflag:s25] =	ssyncset.done $0x0  }
0x162: {  	[sflag:s25] =	ssyncadd.s32 $0xFFFFF600  }
0x163: {  	_ =	swait.ge [sflag:s25], $0xA00  }
0x164: {  	[sflag:s25] =	ssyncset.done $0x0  }
0x165: {  	[sflag:s25] =	ssyncadd.s32 $0xFFFFF600  }
0x166: {  	_ =	swait.ge [sflag:s25], $0xA00  }
0x167: {  	[sflag:s25] =	ssyncset.done $0x0  }
0x168: {  	[sflag:s25] =	ssyncadd.s32 $0xFFFFF600  }
0x169: {  	_ =	swait.ge [sflag:s25], $0xA00  }
0x16a: {  	[sflag:s25] =	ssyncset.done $0x0  }
0x16b: {  	[sflag:s25] =	ssyncadd.s32 $0xFFFFF600  }
0x16c: {  	_ =	swait.ge [sflag:s25], $0xA00  }
0x16d: {  	[sflag:s25] =	ssyncset.done $0x0  }
0x16e: {  	[sflag:s25] =	ssyncadd.s32 $0xFFFFF600  }
0x16f: {  	_ =	swait.ge [sflag:s25], $0xA00  }
0x170: {  	s28 =	rddreg [dreg:$0x3];
	[sflag:s25] =	ssyncset.done $0x0  }
0x171: {  	[sflag:s25] =	ssyncadd.s32 $0xFFFFF600;
	s0 =	sadd.s32 s1, s28  }
0x172: {  	[hbm4b:s0+s2] =	stream.linear.scatter [tilespmem:s8], [sflag:$0x3], $0xC800, $0x38;
	[tilespmem:$0x19640] =	vst v63  }
0x173: {  	_ =	swait.ge [sflag:s26], $0xA00  }
0x174: {  	[sflag:s26] =	ssyncset.done $0x0  }
0x175: {  	[sflag:s26] =	ssyncadd.s32 $0xFFFFF600  }
0x176: {  	_ =	swait.ge [sflag:s26], $0xA00  }
0x177: {  	[sflag:s26] =	ssyncset.done $0x0  }
0x178: {  	[sflag:s26] =	ssyncadd.s32 $0xFFFFF600  }
0x179: {  	_ =	swait.ge [sflag:s26], $0xA00  }
0x17a: {  	[sflag:s26] =	ssyncset.done $0x0  }
0x17b: {  	[sflag:s26] =	ssyncadd.s32 $0xFFFFF600  }
0x17c: {  	_ =	swait.ge [sflag:s26], $0xA00  }
0x17d: {  	[sflag:s26] =	ssyncset.done $0x0  }
0x17e: {  	[sflag:s26] =	ssyncadd.s32 $0xFFFFF600  }
0x17f: {  	_ =	swait.ge [sflag:s26], $0xA00  }
0x180: {  	[sflag:s26] =	ssyncset.done $0x0  }
0x181: {  	[sflag:s26] =	ssyncadd.s32 $0xFFFFF600  }
0x182: {  	_ =	swait.ge [sflag:s26], $0xA00  }
0x183: {  	[sflag:s26] =	ssyncset.done $0x0  }
0x184: {  	[sflag:s26] =	ssyncadd.s32 $0xFFFFF600  }
0x185: {  	_ =	swait.ge [sflag:s26], $0xA00  }
0x186: {  	[sflag:s26] =	ssyncset.done $0x0  }
0x187: {  	[sflag:s26] =	ssyncadd.s32 $0xFFFFF600  }
0x188: {  	_ =	swait.ge [sflag:s26], $0xA00  }
0x189: {  	[sflag:s26] =	ssyncset.done $0x0  }
0x18a: {  	[sflag:s26] =	ssyncadd.s32 $0xFFFFF600  }
0x18b: {  	_ =	swait.ge [sflag:s26], $0xA00  }
0x18c: {  	[sflag:s26] =	ssyncset.done $0x0  }
0x18d: {  	[sflag:s26] =	ssyncadd.s32 $0xFFFFF600  }
0x18e: {  	_ =	swait.ge [sflag:s26], $0xA00  }
0x18f: {  	[sflag:s26] =	ssyncset.done $0x0  }
0x190: {  	[sflag:s26] =	ssyncadd.s32 $0xFFFFF600  }
0x191: {  	_ =	swait.ge [sflag:s26], $0xA00  }
0x192: {  	[sflag:s26] =	ssyncset.done $0x0  }
0x193: {  	[sflag:s26] =	ssyncadd.s32 $0xFFFFF600  }
0x194: {  	_ =	swait.ge [sflag:s26], $0xA00  }
0x195: {  	[sflag:s26] =	ssyncset.done $0x0  }
0x196: {  	[sflag:s26] =	ssyncadd.s32 $0xFFFFF600  }
0x197: {  	_ =	swait.ge [sflag:s26], $0xA00  }
0x198: {  	[sflag:s26] =	ssyncset.done $0x0  }
0x199: {  	[sflag:s26] =	ssyncadd.s32 $0xFFFFF600  }
0x19a: {  	_ =	swait.ge [sflag:s26], $0xA00  }
0x19b: {  	[sflag:s26] =	ssyncset.done $0x0  }
0x19c: {  	[sflag:s26] =	ssyncadd.s32 $0xFFFFF600  }
0x19d: {  	_ =	swait.ge [sflag:s26], $0xA00  }
0x19e: {  	[sflag:s26] =	ssyncset.done $0x0  }
0x19f: {  	[sflag:s26] =	ssyncadd.s32 $0xFFFFF600  }
0x1a0: {  	_ =	swait.ge [sflag:s26], $0xA00  }
0x1a1: {  	[sflag:s26] =	ssyncset.done $0x0  }
0x1a2: {  	[sflag:s26] =	ssyncadd.s32 $0xFFFFF600  }
0x1a3: {  	_ =	swait.ge [sflag:s26], $0xA00  }
0x1a4: {  	[sflag:s26] =	ssyncset.done $0x0  }
0x1a5: {  	[sflag:s26] =	ssyncadd.s32 $0xFFFFF600  }
0x1a6: {  	_ =	swait.ge [sflag:s26], $0xA00  }
0x1a7: {  	[sflag:s26] =	ssyncset.done $0x0  }
0x1a8: {  	[sflag:s26] =	ssyncadd.s32 $0xFFFFF600  }
0x1a9: {  	s1 =	sadd.s32 $0x3200, s1;
	_ =	swait.ge [sflag:s26], $0xA00  }
0x1aa: {  	p0 =	sne.s32 s1, $0xC8000;
	[sflag:s26] =	ssyncset.done $0x0  }
.Ltmp0:
0x1ab: {  	[sflag:s26] =	ssyncadd.s32 $0xFFFFF600;
	(pc) =	sbr.rel @p0 .LBB2_2-.Ltmp0, $4  }
0x1ac: {  	_ =	swait.ge [sflag:s26], $0xA00  }
0x1ad: {  	[sflag:s26] =	ssyncset.done $0x0  }
0x1ae: {  	s31 =	sadd.s32 $0xC8, s31;
	s0 =	sadd.s32 $0x1900, s0;
	[sflag:s26] =	ssyncadd.s32 $0xFFFFF600  }
0x1af: {  	[hbm4b:s0+s2] =	stream.linear.scatter [tilespmem:s10], [sflag:$0x4], $0xC800, $0x38;
	[tilespmem:$0x19640] =	vst v63  }
0x1b0: {  	s0 =	simm.s32 $0x3  }
0x1b1: {  	_ =	swait.ge [sflag:s0], $0xC800  }
0x1b2: {  	[sflag:s0] =	ssyncset.done $0x0  }
0x1b3: {  	[sflag:s0] =	ssyncadd.s32 $0xFFFF3800  }
0x1b4: {  	_ =	swait.ge [sflag:s29], $0xC800  }
0x1b5: {  	s31 =	sld [smem:$0x7F4];
	_ =	sdelay $0x1  }
0x1b6: {  	s30 =	sadd.s32 $0x1, s30  }
0x1b7: {  	p0 =	sne.s32 s30, s31  }
.Ltmp1:
0x1b8: {  	_ = 	snop;
	(pc) =	sbr.rel @p0 .LBB2_1-.Ltmp1, $3  }
0x1b9: {  	_ =	sdelay $0x1  }
0x1ba: {  	[sflag:s29] =	ssyncset.done $0x0  }
0x1bb: {  	[sflag:s29] =	ssyncadd.s32 $0xFFFF3800  }
0x1bc: {  	_ =	sfence.sel $0x180000  }
0x1bd: {  	[bflag:$0x0] =	sbarrier.arrive $0xFFFF  }
0x1be: {  	_ =	strace $0x90000047  }
0x1bf: {  	s0 =	stileid.u32;
	[bflag:$0x2] =	sbarrier.arrive $0xFFFF  }
0x1c0: {  	p0 =	sne.s32 s0, $0x0;
	s0 =	rddreg [dreg:$0x2]  }
0x1c1: {  	s0 =	sadd.s32 @!p0 $0x100000, s0  }
0x1c2: {  	[sflag:s0] =	ssyncadd.tile.s32 @!p0 $0x1;
	_ =	shalt  }
.Lfunc_end2:
_tile_overlayer_lowered:
.L_overlay_start_2:
0x1c3: {  	(tag) =	ssettag $0x2  }
0x1c4: {  	s0 =	rddreg [dreg:$0x0];
	s2 =	stileid.u32  }
0x1c5: {  	s1 =	rddreg [dreg:$0x1];
	p0 =	sne.s32 s2, $0x0  }
0x1c6: {  	s3 =	rddreg [dreg:$0x2];
	[bflag:$0x3] =	sbarrier.arrive $0xFFFF;
	s2 =	simm.s32 @!p0 $0x1C05  }
0x1c7: {  	[timem:s3], [sflag:s2] =	dma.local @!p0 [hbm:s0], s1  }
0x1c8: {  	s0 =	simm.s32 @!p0 $0x5  }
0x1c9: {  	_ =	swait.ge @!p0 [sflag:s0], s1  }
0x1ca: {  	s1 =	ssub.s32 @!p0 $0x0, s1;
	[sflag:s0] =	ssyncset.done @!p0 $0x0  }
0x1cb: {  	[sflag:s0] =	ssyncadd.s32 @!p0 s1  }
0x1cc: {  	[bflag:$0x3] =	sbarrier.arrive $0xFFFF  }
0x1cd: {  	_ =	shalt  }

// kernel: sparse-core-data-format-call.cloned.1.call-start
scs
called_computation_lowered:
.L_overlay_start_0:
0x0: {  	s2 =	sld [smem:$0x3FD9]  }
0x1: {  	s3 =	sld [smem:$0x3FFE];
	_ =	sdelay $0x1  }
0x2: {  	s1 =	srdreg.scid  }
0x3: {  	s0 =	sand.u32 $0x1, s1  }
0x4: {  	s18 =	sshll.u32 s0, $0xA;
	s2 =	sadd.s32 s3, s2  }
0x5: {  	s2 =	sadd.s32 s2, s18  }
0x6: {  	[smem:$0x3FC6] =	sst s2  }
0x7: {  	_ = 	snop  }
0x8: {  	s2 =	sld [smem:$0x3FD0];
	(tm) =	ssettm $0x1  }
0x9: {  	s19 =	sld [smem:$0x3FFB];
	_ =	sdelay $0x3  }
0xa: {  	_ =	strace s19  }
0xb: {  	s3 =	sld [smem:$0x3FFC];
	_ =	sdelay $0x3  }
0xc: {  	_ =	strace s3  }
0xd: {  	s3 =	sld [smem:$0x3FFD];
	_ =	sdelay $0x3  }
0xe: {  	_ =	strace s3  }
0xf: {  	_ =	strace $0x8FFFFFFF  }
0x10: {  	s20 =	sld [smem:$0x3FDB];
	_ =	sdelay $0x1  }
0x11: {  	s4 =	simm.s32 $_scs_section_size  }
0x12: {  	s5 =	simm.s32 $_size__tile_overlayer_lowered;
	s6 =	simm.s32 $_tile_overlayer_lowered  }
0x13: {  	s23 =	simm.s32 $0x1BFF;
	s22 =	sshll.u32 s6, $0x1;
	s3 =	sadd.s32 s4, s20  }
0x14: {  	s7 =	simm.s32 $0x0;
	s21 =	sshll.u32 s5, $0x1;
	s5 =	sadd.s32 s22, s3  }
0x15: {  	[timem:s7], [sflag:s23] =	dma.local [hbm:s5], s21  }
0x16: {  	_ =	swait.ge [sflag:s23], s21  }
0x17: {  	s4 =	ssub.s32 $0x0, s21;
	[sflag:s23] =	ssyncset.done $0x0  }
0x18: {  	[sflag:s23] =	ssyncadd.s32 s4;
	_ =	sdelay $0x1  }
0x19: {  	s24 =	simm.s32 $0x1B8B  }
0x1a: {  	_ =	swait.ge [sflag:s24], $0x1  }
0x1b: {  	[sflag:s24] =	ssyncset.done $0x0  }
0x1c: {  	s26 =	simm.s32 $0x1B8E;
	s25 =	sld [smem:$0x3FFE];
	[sflag:s24] =	ssyncadd.s32 $0xFFFFFFFF  }
0x1d: {  	s27 =	simm.s32 $execute0_lowered;
	[smem:$0x3FD2] =	sst s26  }
0x1e: {  	s5 =	sshll.u32 s27, $0x1;
	_ =	strace $0x80000049;
	[dreg:$0x1] =	wrdreg $0xFFFFFFFF  }
0x1f: {  	s28 =	simm.s32 $_size_execute0_lowered;
	s3 =	sadd.s32 s3, s5;
	[dreg:$0x0] =	wrdreg $0x0  }
0x20: {  	s5 =	sshll.u32 s28, $0x1;
	[dreg:$0x2] =	wrdreg s3  }
0x21: {  	[dreg:$0x3] =	wrdreg s5  }
0x22: {  	[dreg:$0x4] =	wrdreg $0xC0  }
0x23: {  	_ =	task [dreg:s7], $0x5FFFF  }
0x24: {  	[dreg:$0x1] =	wrdreg $0xFFFFFFFF  }
0x25: {  	[dreg:$0x0] =	wrdreg $0x60  }
0x26: {  	[dreg:$0x2] =	wrdreg s25  }
0x27: {  	[dreg:$0x3] =	wrdreg s2  }
0x28: {  	[dreg:$0x4] =	wrdreg $0x9  }
0x29: {  	_ =	task.clear_ibuf [dreg:s7], $0x5FFFF;
	_ =	strace $0x90000049  }
0x2a: {  	s29 =	simm.s32 $0x9;
	_ =	strace $0x8000004B  }
0x2b: {  	_ =	swait.ge [sflag:s29], $0x1  }
0x2c: {  	[sflag:s29] =	ssyncadd.s32 $0xFFFFFFFF  }
0x2d: {  	_ =	strace $0x9000004B  }
0x2e: {  	_ =	sfence  }
0x2f: {  	s30 =	sld [smem:$0x0];
	_ =	sdelay $0x2  }
0x30: {  	s31 =	sshll.u32 s1, $0xD;
	s1 =	sshrl.u32 s1, $0x2  }
0x31: {  	s3 =	sand.u32 $0x4000, s31;
	s1 =	sadd.s32 s1, s30  }
0x32: {  	s0 =	sor.u32 s3, s0;
	s1 =	sshll.u32 s1, $0x11  }
0x33: {  	s0 =	sor.u32 s1, s0  }
0x34: {  	s0 =	sadd.s32 $0x8F2B, s0  }
0x35: {  	[sflag:s0] =	ssyncadd.remote.s32 $0x1  }
0x36: {  	_ =	sfence.sel $0xFFFF  }
0x37: {  	[dreg:$0x0] =	wrdreg $0xFFFFFFFF;
	(pc) =	sbr.abs _section_cstart, $3  }
0x38: {  	[dreg:$0x1] =	wrdreg $0xFFFFFFFF  }
0x39: {  	_ =	task.clear_ibuf [dreg:s7], $0x2FFFF;
	_ =	strace $0x9FFFFFFF  }
0x3a: {  	(tm) =	ssettm $0x7FFFFFFF  }
0x3b: {  	_ =	shalt  }
tec
execute0_lowered:
.L_overlay_start_1:
0x0: {  	(tag) =	ssettag $0x1  }
0x1: {  	s0 =	srdreg.scid  }
0x2: {  	s1 =	sshll.u32 s0, $0x4  }
0x3: {  	s0 =	stileid.u32;
	s1 =	sand.u32 $0x10, s1  }
0x4: {  	s1 =	sor.u32 s0, s1  }
0x5: {  	s6 =	rddreg [dreg:$0x0];
	s4 =	simm.s32 $0x1;
	s2 =	sshll.u32 s1, $0x7  }
0x6: {  	s7 =	simm.s32 $0x2;
	s12 =	simm.s32 $0x0;
	s1 =	ssub.s32 $0x4000, s2  }
0x7: {  	s8 =	simm.s32 $0x20000;
	s13 =	simm.s32 $0x0;
	s3 =	sand.u32 $0xF80, s1  }
0x8: {  	s9 =	simm.s32 $0x0;
	s5 =	sshrl.u32 s1, $0xC;
	p0 =	sne.s32 s3, $0x0  }
.Ltmp0:
0x9: {  	s1 =	rddreg [dreg:$0x2];
	s4 =	simm.s32 @!p0 $0x0;
	(pc) =	sbr.rel .LBB1_1-.Ltmp0, $4  }
0xa: {  	s11 =	simm.s32 $0x0;
	s3 =	rddreg [dreg:$0x1];
	s5 =	sadd.s32 s4, s5  }
0xb: {  	_ =	strace $0x8000004A;
	s4 =	simm.s32 $0x1;
	s5 =	smul.u32 $0xC8, s5  }
0xc: {  	s6 =	sadd.s32 $0x800, s6;
	s10 =	smov.u32 s2;
	[sflag:s4] =	ssyncpa.u1 $0x0  }
0xd: {  	p0 =	por $0x0, $0x0;
	[sflag:s7] =	ssyncpa.u1 $0x0;
	s7 =	sor.u32 $0x1, s5  }
.LBB1_4:
0xe: {  	s16 =	sshll.u32 s13, $0x3;
	s17 =	sand.u32 $0x78, s13  }
0xf: {  	s30 =	sand.u32 $0x1F800, s13;
	s12 =	sshll.u32 s12, $0x11;
	s16 =	sand.u32 $0x3C00, s16  }
0x10: {  	[tilespmem:s15+$0x810 ss:$0x81] =	vst.msk $0xffff, v2;
	s31 =	sand.u32 $0x7, s13;
	s16 =	sor.u32 s17, s16;
	s17 =	sadd.s32 s3, s30  }
0x11: {  	[tilespmem:s15+$0x1020 ss:$0x81] =	vst.msk $0xffff, v0;
	s13 =	sshll.u32 s31, $0x12;
	s12 =	sadd.s32 s12, s17;
	s16 =	sshrl.u32 s16, $0x3  }
0x12: {  	[tilespmem:s15+$0x0 ss:$0x81] =	vst.msk $0xffff, v1;
	s13 =	sor.u32 $0x400, s13;
	s12 =	sadd.s32 s16, s12  }
0x13: {  	[hbm4b:s12+s13] =	stream.strided.scatter [tilespmem:s14], [sflag:$0x2], $0x2000, s8, s13, $0x20;
	[tilespmem:$0x8080] =	vst v63  }
.LBB1_5:
0x14: {  	s14 =	sadd.s32 $0x1, s9  }
0x15: {  	s12 =	sadd.s32 $0x1000, s10;
	s16 =	smov.u32 s10;
	p2 =	sgt.s32 s14, $0xC7  }
0x16: {  	s16 =	smov.u32 @p2 s12  }
0x17: {  	s14 =	simm.s32 @p2 $0x0;
	p2 =	sgt.s32 s16, $0x3FFF  }
0x18: {  	s16 =	smov.u32 @p2 s2;
	p2 =	sne.s32 s11, s7  }
.Ltmp1:
0x19: {  	p1 =	slt.u32 s11, $0x2;
	(pc) =	sbr.rel @!p2 .LBB1_6-.Ltmp1, $4  }
0x1a: {  	s15 =	simm.s32 @!p1 $0x2  }
0x1b: {  	s13 =	smov.u32 s10;
	p0 =	por !p0, !p0;
	_ =	swait.ge @!p1 [sflag:s15], $0x2000  }
0x1c: {  	s12 =	smov.u32 s9;
	[sflag:s15] =	ssyncset.done @!p1 $0x0;
	s9 =	smov.u32 s14  }
0x1d: {  	s11 =	sadd.s32 $0x1, s11;
	[sflag:s15] =	ssyncadd.s32 @!p1 $0xFFFFE000;
	s10 =	smov.u32 s16  }
.LBB1_1:
0x1e: {  	p1 =	sge.u32 s11, s5  }
0x1f: {  	s14 =	sand.u32 @!p1 $0x1FFFFFF, s9  }
0x20: {  	s15 =	smulhi.u32 @!p1 $0x147AE15, s14;
	_ =	sdelay $0x1  }
0x21: {  	s15 =	smul.u32 @!p1 $0xC8, s15  }
0x22: {  	s16 =	sxor.u32 @!p1 $0xFFFFFFFF, s11;
	s17 =	smul.u32 @!p1 $0xC80, s10  }
0x23: {  	s31 =	sadd.s32 $0xFFFFFFFF, s11;
	s16 =	sshll.u32 @!p1 s16, $0xD;
	s14 =	ssub.s32 @!p1 s14, s15  }
0x24: {  	s15 =	sand.u32 @!p1 $0x2000, s16;
	s16 =	sadd.s32 @!p1 s6, s17;
	s14 =	sshll.u32 @!p1 s14, $0x4  }
0x25: {  	s17 =	simm.s32 @!p1 $0x6400;
	s14 =	sadd.s32 @!p1 s14, s16;
	s16 =	simm.s32 @!p1 $0x40  }
0x26: {  	[tilespmem:s15], [sflag:$0x1] =	stream.strided.gather @!p1 [hbm4b:s14+s16], $0x2000, s17, s16, $0x38;
	[tilespmem:$0x8080] =	vst v63  }
0x27: {  	p1 =	sge.u32 s31, s5  }
.Ltmp2:
0x28: {  	_ = 	snop;
	(pc) =	sbr.rel @p1 .LBB1_5-.Ltmp2, $1  }
0x29: {  	_ =	sdelay $0x3  }
0x2a: {  	s14 =	simm.s32 $0x1  }
0x2b: {  	_ =	swait.ge [sflag:s4], $0x2000;
	s14 =	simm.s32 @!p0 $0x0  }
0x2c: {  	[sflag:s4] =	ssyncset.done $0x0;
	s15 =	sshll.u32 s14, $0xD  }
0x2d: {  	[sflag:s4] =	ssyncadd.s32 $0xFFFFE000;
	s18 =	sor.u32 $0x20, s15  }
0x2e: {  	s14 =	smul.u32 $0x8100, s14;
	v3 =	vld [tilespmem:s18+$0x10]  }
0x2f: {  	s30 =	sand.u32 $0x1, s11;
	v2 =	vld [tilespmem:s18+$0xFFFFFFF0]  }
0x30: {  	s15 =	smul.u32 $0x8100, s30;
	s14 =	sshrl.u32 s14, $0x2;
	v0 =	vld [tilespmem:s18+$0x0]  }
0x31: {  	v1 =	vld [tilespmem:s18+$0xFFFFFFE0];
	s16 =	sor.u32 $0x4000, s14  }
0x32: {  	s31 =	sshrl.u32 s15, $0x2;
	s15 =	sadd.s32 $0x0, s16  }
0x33: {  	s17 =	simm.s32 $0x4;
	s18 =	sadd.s32 $0x40, s18;
	s14 =	sor.u32 $0x4000, s31;
	[tilespmem:s15+$0x1830 ss:$0x81] =	vst.msk $0xffff, v3  }
.LBB1_3:
0x34: {  	v3 =	vld [tilespmem:s18+$0x10];
	p1 =	sne.s32 s17, $0x1FC;
	[tilespmem:s15+$0x810 ss:$0x81] =	vst.msk $0xffff, v2;
	s19 =	smov.u32 s17;
	s17 =	sadd.s32 $0x4, s17  }
.Ltmp3:
0x35: {  	v2 =	vld [tilespmem:s18+$0xFFFFFFF0];
	[tilespmem:s15+$0x1020 ss:$0x81] =	vst.msk $0xffff, v0;
	(pc) =	sbr.rel @p1 .LBB1_3-.Ltmp3, $4  }
0x36: {  	v0 =	vld [tilespmem:s18+$0x0];
	[tilespmem:s15+$0x0 ss:$0x81] =	vst.msk $0xffff, v1  }
0x37: {  	s15 =	sshra.s32 s19, $0x2;
	v1 =	vld [tilespmem:s18+$0xFFFFFFE0]  }
0x38: {  	s15 =	sadd.s32 s15, s16  }
0x39: {  	s18 =	sadd.s32 $0x40, s18;
	[tilespmem:s15+$0x1830 ss:$0x81] =	vst.msk $0xffff, v3  }
.Ltmp4:
0x3a: {  	_ = 	snop;
	(pc) =	sbr.rel .LBB1_4-.Ltmp4, $1  }
0x3b: {  	_ =	sdelay $0x3  }
.LBB1_6:
0x3c: {  	_ =	sfence.sel $0x180000  }
0x3d: {  	s2 =	simm.s32 $0x1;
	[bflag:$0x0] =	sbarrier.arrive $0xFFFF  }
0x3e: {  	s31 =	simm.s32 $0x2;
	[sflag:s2] =	ssyncpa.u1 $0x1  }
0x3f: {  	[sflag:s31] =	ssyncpa.u1 $0x1  }
0x40: {  	p0 =	sne.s32 s0, $0x0;
	_ =	strace $0x9000004A  }
0x41: {  	s0 =	sadd.s32 @!p0 $0x100000, s1;
	[bflag:$0x2] =	sbarrier.arrive $0xFFFF  }
0x42: {  	[sflag:s0] =	ssyncadd.tile.s32 @!p0 $0x1;
	_ =	shalt  }
.Lfunc_end1:
_tile_overlayer_lowered:
.L_overlay_start_2:
0x43: {  	(tag) =	ssettag $0x2  }
0x44: {  	s0 =	rddreg [dreg:$0x0];
	s2 =	stileid.u32  }
0x45: {  	s1 =	rddreg [dreg:$0x1];
	p0 =	sne.s32 s2, $0x0  }
0x46: {  	s3 =	rddreg [dreg:$0x2];
	[bflag:$0x3] =	sbarrier.arrive $0xFFFF;
	s2 =	simm.s32 @!p0 $0x1C01  }
0x47: {  	[timem:s3], [sflag:s2] =	dma.local @!p0 [hbm:s0], s1  }
0x48: {  	s0 =	simm.s32 @!p0 $0x1  }
0x49: {  	_ =	swait.ge @!p0 [sflag:s0], s1  }
0x4a: {  	s1 =	ssub.s32 @!p0 $0x0, s1;
	[sflag:s0] =	ssyncset.done @!p0 $0x0  }
0x4b: {  	[sflag:s0] =	ssyncadd.s32 @!p0 s1  }
0x4c: {  	[bflag:$0x3] =	sbarrier.arrive $0xFFFF  }
0x4d: {  	_ =	shalt  }

</sc_bundles>
